<compile_context>
chip_gen: v7x
topology: tpu7x:2x2x1
jax: 0.10.2.dev20260603
libtpu: 0.0.44.dev20260713+nightly
codegen_flags: <defaults>
</compile_context>

<pallas_src>
import functools

import jax
import jax.numpy as jnp
from jax import lax
from jax.experimental import pallas as pl
from jax.experimental.pallas import tpu as pltpu
from jax.experimental.pallas import tpu_sc as plsc

N = 10000
E = 320000
D = 128
H = 32
G = 64

NC = 2
NS = 16
NW = NC * NS
EPT = E // NW
CH = 125
NCHUNK = EPT // CH
NPAD = 10240
NPT = NPAD // NS
DW = 16


def _mesh():
    return plsc.VectorSubcoreMesh(
        core_axis_name="c", subcore_axis_name="s",
        num_cores=NC, num_subcores=NS)


_SC_PARAMS = pltpu.CompilerParams(use_tc_tiling_on_sc=False)


def _deg_body(e_hbm, ones_hbm, zeros_hbm, out_hbm, dst_v, ones_v, dsem,
              deg_v, degb_v, deg_sh):
    c = lax.axis_index("c")
    s = lax.axis_index("s")
    wid = c * NS + s
    pltpu.sync_copy(e_hbm.at[1, wid], dst_v)
    pltpu.sync_copy(ones_hbm, ones_v)
    pltpu.sync_copy(zeros_hbm, deg_sh.at[pl.ds(s * NPT, NPT)])
    plsc.subcore_barrier()

    def chunk_body(j, carry):
        pltpu.async_copy(ones_v, deg_sh.at[dst_v.at[j]], dsem, add=True)
        return carry
    lax.fori_loop(0, NCHUNK, chunk_body, 0)

    def drain_body(j, carry):
        pltpu.make_async_copy(ones_v, deg_sh.at[dst_v.at[j]], dsem).wait()
        return carry
    lax.fori_loop(0, NCHUNK, drain_body, 0)

    plsc.subcore_barrier()
    pltpu.sync_copy(deg_sh.at[pl.ds(s * NPT, NPT)], deg_v)

    def splat_body(n, carry):
        val = deg_v[n]
        flat = n * H
        row = flat // 128
        col = flat % 128
        degb_v[row, pl.ds(col, 16)] = val
        degb_v[row, pl.ds(col + 16, 16)] = val
        return carry
    lax.fori_loop(0, NPT, splat_body, 0)
    pltpu.sync_copy(degb_v, out_hbm.at[c, pl.ds(s * (NPT * H // 128),
                                                NPT * H // 128)])


@functools.lru_cache(maxsize=None)
def _deg_kernel():
    return pl.kernel(
        _deg_body,
        out_type=jax.ShapeDtypeStruct((NC, NPAD * H // 128, 128),
                                      jnp.float32),
        mesh=_mesh(),
        compiler_params=_SC_PARAMS,
        scratch_types=[
            pltpu.VMEM((NCHUNK, CH), jnp.int32),
            pltpu.VMEM((CH, DW), jnp.float32),
            pltpu.SemaphoreType.DMA,
            pltpu.VMEM((NPT, DW), jnp.float32),
            pltpu.VMEM((NPT * H // 128, 128), jnp.float32),
            pltpu.VMEM_SHARED((NPAD, DW), jnp.float32),
        ],
    )


def _mma_body(x_ref, w_ref, h_ref):
    h_ref[pl.ds(0, N)] = jnp.dot(x_ref[...], w_ref[...],
                                 preferred_element_type=jnp.float32)
    h_ref[pl.ds(N, NPAD - N)] = jnp.zeros((NPAD - N, H), jnp.float32)


def _mma(x, w1):
    return pl.pallas_call(
        _mma_body,
        out_shape=jax.ShapeDtypeStruct((NPAD, H), jnp.float32),
    )(x, w1)


NF = NPAD * H // 128


def _mmb_body(h_ref, degb_ref, hs_ref, disb_ref):
    deg = degb_ref[0] + degb_ref[1] + 1.0
    disc = lax.rsqrt(deg)
    hs_ref[...] = h_ref[...] * disc
    disb_ref[...] = disc


def _mmb(h4, degb):
    return pl.pallas_call(
        _mmb_body,
        out_shape=[
            jax.ShapeDtypeStruct((NF, 128), jnp.float32),
            jax.ShapeDtypeStruct((NF, 128), jnp.float32),
        ],
    )(h4, degb)


NBUF = 10
PD = 5


def _agg_body(e_hbm, hs_hbm, zeros_hbm, out_hbm,
              src_v, dst_v, rows_v, gsems, ssems, acc_sh):
    c = lax.axis_index("c")
    s = lax.axis_index("s")
    wid = c * NS + s
    pltpu.sync_copy(e_hbm.at[0, wid], src_v)
    pltpu.sync_copy(e_hbm.at[1, wid], dst_v)
    pltpu.sync_copy(zeros_hbm, acc_sh.at[pl.ds(s * NPT, NPT)])
    plsc.subcore_barrier()

    for b in range(PD):
        pltpu.async_copy(hs_hbm.at[src_v.at[b]], rows_v[b], gsems[b])

    def ring_body(i, carry):
        for k in range(NBUF):
            j = NBUF * i + k
            bp = (k + PD) % NBUF
            pltpu.make_async_copy(hs_hbm.at[src_v.at[j]], rows_v[k],
                                  gsems[k]).wait()
            pltpu.async_copy(rows_v[k], acc_sh.at[dst_v.at[j]], ssems[k],
                             add=True)

            @pl.when((j + PD < NCHUNK) & (j >= NBUF - PD))
            def _(j=j, bp=bp):
                pltpu.make_async_copy(rows_v[bp],
                                      acc_sh.at[dst_v.at[j - (NBUF - PD)]],
                                      ssems[bp]).wait()

            @pl.when(j + PD < NCHUNK)
            def _(j=j, bp=bp):
                pltpu.async_copy(hs_hbm.at[src_v.at[j + PD]], rows_v[bp],
                                 gsems[bp])
        return carry
    lax.fori_loop(0, NCHUNK // NBUF, ring_body, 0)

    for k in range(NBUF):
        pltpu.make_async_copy(rows_v[k],
                              acc_sh.at[dst_v.at[NCHUNK - NBUF + k]],
                              ssems[k]).wait()

    plsc.subcore_barrier()
    pltpu.sync_copy(acc_sh.at[pl.ds(s * NPT, NPT)],
                    out_hbm.at[c, pl.ds(s * NPT, NPT)])


@functools.lru_cache(maxsize=None)
def _agg_kernel():
    return pl.kernel(
        _agg_body,
        out_type=jax.ShapeDtypeStruct((NC, NPAD, H), jnp.float32),
        mesh=_mesh(),
        compiler_params=_SC_PARAMS,
        scratch_types=[
            pltpu.VMEM((NCHUNK, CH), jnp.int32),
            pltpu.VMEM((NCHUNK, CH), jnp.int32),
            [pltpu.VMEM((CH, H), jnp.float32) for _ in range(NBUF)],
            [pltpu.SemaphoreType.DMA for _ in range(NBUF)],
            [pltpu.SemaphoreType.DMA for _ in range(NBUF)],
            pltpu.VMEM_SHARED((NPAD, H), jnp.float32),
        ],
    )


SLAB = NPAD // NW


def _pool_body(p_hbm, hs_hbm, disb_hbm, batch_hbm, ninf_hbm, out_hbm,
               p0_v, p1_v, hs_v, disb_v, batch_v, pooled_v, lsem):
    c = lax.axis_index("c")
    s = lax.axis_index("s")
    wid = c * NS + s
    base = wid * SLAB
    cps = [
        pltpu.make_async_copy(p_hbm.at[0, pl.ds(base, SLAB)], p0_v, lsem),
        pltpu.make_async_copy(p_hbm.at[1, pl.ds(base, SLAB)], p1_v, lsem),
        pltpu.make_async_copy(hs_hbm.at[pl.ds(base, SLAB)], hs_v, lsem),
        pltpu.make_async_copy(disb_hbm.at[pl.ds(base, SLAB)], disb_v, lsem),
        pltpu.make_async_copy(batch_hbm.at[pl.ds(base, SLAB)], batch_v, lsem),
        pltpu.make_async_copy(ninf_hbm, pooled_v, lsem),
    ]
    for cp in cps:
        cp.start()
    for cp in cps:
        cp.wait()

    def vec_body(d, carry):
        for k in range(2):
            f = pl.ds(16 * k, 16)
            hs_v[d, f] = (
                p0_v[d, f] + p1_v[d, f] + hs_v[d, f]) * disb_v[d, f]
        return carry
    lax.fori_loop(0, SLAB, vec_body, 0)

    def row_body(i, carry):
        gvec = batch_v[pl.ds(i * 16, 16)]
        for k in range(16):
            g = gvec[k]

            @pl.when(g >= 0)
            def _(g=g, k=k):
                d = i * 16 + k
                for f in range(2):
                    sl = pl.ds(16 * f, 16)
                    pooled_v[g, sl] = jnp.maximum(pooled_v[g, sl],
                                                  hs_v[d, sl])
        return carry
    lax.fori_loop(0, SLAB // 16, row_body, 0)

    pltpu.sync_copy(pooled_v, out_hbm.at[wid])


@functools.lru_cache(maxsize=None)
def _pool_kernel():
    return pl.kernel(
        _pool_body,
        out_type=jax.ShapeDtypeStruct((NW, G, H), jnp.float32),
        mesh=_mesh(),
        compiler_params=_SC_PARAMS,
        scratch_types=[
            pltpu.VMEM((SLAB, H), jnp.float32),
            pltpu.VMEM((SLAB, H), jnp.float32),
            pltpu.VMEM((SLAB, H), jnp.float32),
            pltpu.VMEM((SLAB, H), jnp.float32),
            pltpu.VMEM((SLAB,), jnp.int32),
            pltpu.VMEM((G, H), jnp.float32),
            pltpu.SemaphoreType.DMA,
        ],
    )


def _head_body(pooledp_ref, b1_ref,
               wc1_ref, bc1_ref, wc2_ref, bc2_ref, wc3_ref, bc3_ref,
               out_ref):
    m = jnp.max(pooledp_ref[...], axis=0)
    pooled = jnp.where(jnp.isneginf(m), 0.0, m + b1_ref[...])
    z = jnp.maximum(
        jnp.dot(pooled, wc1_ref[...], preferred_element_type=jnp.float32)
        + bc1_ref[...], 0.0)
    z = jnp.maximum(
        jnp.dot(z, wc2_ref[...], preferred_element_type=jnp.float32)
        + bc2_ref[...], 0.0)
    out_ref[...] = (
        jnp.dot(z, wc3_ref[...], preferred_element_type=jnp.float32)
        + bc3_ref[...])


def _head(pooledp, b1, wc1, bc1, wc2, bc2, wc3, bc3):
    return pl.pallas_call(
        _head_body,
        out_shape=jax.ShapeDtypeStruct((G, 4), jnp.float32),
    )(pooledp, b1, wc1, bc1, wc2, bc2, wc3, bc3)


def kernel(x, edge_index, batch, W1, b1, Wc1, bc1, Wc2, bc2, Wc3, bc3):
    e4 = edge_index.reshape(2, NW, NCHUNK, CH)

    ones_rows = jnp.ones((CH, DW), jnp.float32)
    zeros_deg = jnp.zeros((NPT, DW), jnp.float32)
    zeros_acc = jnp.zeros((NPT, H), jnp.float32)
    ninf = jnp.full((G, H), -jnp.inf, jnp.float32)
    batch_pad = jnp.pad(batch, (0, NPAD - N), constant_values=-1)

    h = _mma(x, W1)
    degb = _deg_kernel()(e4, ones_rows, zeros_deg)
    hs4, disb4 = _mmb(h.reshape(NF, 128), degb)
    hs = hs4.reshape(NPAD, H)
    disb = disb4.reshape(NPAD, H)
    parts = _agg_kernel()(e4, hs, zeros_acc)
    pooledp = _pool_kernel()(parts, hs, disb, batch_pad, ninf)
    out = _head(pooledp, b1.reshape(1, H),
                Wc1, bc1.reshape(1, -1), Wc2, bc2.reshape(1, -1),
                Wc3, bc3.reshape(1, -1))
    return out

# --- scband reference (transcript-rebuilt; emitter-appended) ---
"""Pipeline reference for scband-gcn1-56478819943013 (READ-ONLY COPY).

The authoritative reference and input builder live on the scoring server;
editing this copy changes nothing except your own understanding.
"""

import jax, jax.numpy as jnp
import numpy as np

N = 10000
E = 320000
D = 128
H = 32
G = 64

def setup_inputs(seed: int = 0) -> dict:
    key = jax.random.key(seed)
    ks = jax.random.split(key, 12)
    x = jax.random.normal(ks[0], (N, D), dtype=jnp.float32)
    edge_index = jax.random.randint(ks[1], (2, E), 0, N, dtype=jnp.int32)
    batch = jnp.sort(jax.random.randint(ks[2], (N,), 0, G, dtype=jnp.int32))
    W1 = jax.random.normal(ks[3], (D, H), dtype=jnp.float32) * (1.0 / np.sqrt(D))
    b1 = jnp.zeros((H,), dtype=jnp.float32)
    Wc1 = jax.random.normal(ks[4], (H, 1024), dtype=jnp.float32) * (1.0 / np.sqrt(H))
    bc1 = jnp.zeros((1024,), dtype=jnp.float32)
    Wc2 = jax.random.normal(ks[5], (1024, 512), dtype=jnp.float32) * (1.0 / np.sqrt(1024))
    bc2 = jnp.zeros((512,), dtype=jnp.float32)
    Wc3 = jax.random.normal(ks[6], (512, 4), dtype=jnp.float32) * (1.0 / np.sqrt(512))
    bc3 = jnp.zeros((4,), dtype=jnp.float32)
    return {"x": x, "edge_index": edge_index, "batch": batch,
            "W1": W1, "b1": b1, "Wc1": Wc1, "bc1": bc1,
            "Wc2": Wc2, "bc2": bc2, "Wc3": Wc3, "bc3": bc3}

def _gcn_conv(x, edge_index, W, b):
    n = x.shape[0]
    loop = jnp.arange(n, dtype=edge_index.dtype)
    src = jnp.concatenate([edge_index[0], loop])
    dst = jnp.concatenate([edge_index[1], loop])
    h = x @ W
    ones = jnp.ones((src.shape[0],), dtype=x.dtype)
    deg = jax.ops.segment_sum(ones, dst, num_segments=n)
    dis = jnp.where(deg > 0, 1.0 / jnp.sqrt(deg), 0.0)
    norm = dis[src] * dis[dst]
    msg = h[src] * norm[:, None]
    out = jax.ops.segment_sum(msg, dst, num_segments=n)
    return out + b

def reference(x, edge_index, batch, W1, b1, Wc1, bc1, Wc2, bc2, Wc3, bc3):
    h = _gcn_conv(x, edge_index, W1, b1)
    pooled = jax.ops.segment_max(h, batch, num_segments=G)
    pooled = jnp.where(jnp.isneginf(pooled), 0.0, pooled)
    z = jax.nn.relu(pooled @ Wc1 + bc1)
    z = jax.nn.relu(z @ Wc2 + bc2)
    out = z @ Wc3 + bc3
    return out

if __name__ == "__main__":
    import jax
    _d = setup_inputs()
    print(jax.jit(kernel)(*tuple(_d.values())))

</pallas_src>

<mosaic_0001>
#map = affine_map<(d0, d1) -> (0, 0, 0, 0)>
#map1 = affine_map<(d0, d1) -> (0, 0)>
#map2 = affine_map<(d0, d1) -> (0, 0, 0)>
module attributes {stable_mosaic.version = 14 : i64} {
  func.func @_deg_body(%arg0: i32, %arg1: i32, %arg2: memref<2x32x80x125xi32, #tpu.memory_space<hbm>>, %arg3: memref<125x16xf32, #tpu.memory_space<hbm>>, %arg4: memref<640x16xf32, #tpu.memory_space<hbm>>, %arg5: memref<2x2560x128xf32, #tpu.memory_space<hbm>>, %arg6: memref<80x125xi32, #tpu.memory_space<vmem>>, %arg7: memref<125x16xf32, #tpu.memory_space<vmem>>, %arg8: memref<!tpu.dma_semaphore, #tpu.memory_space<semaphore_mem>>, %arg9: memref<640x16xf32, #tpu.memory_space<vmem>>, %arg10: memref<160x128xf32, #tpu.memory_space<vmem>>, %arg11: memref<10240x16xf32, #tpu.memory_space<vmem_shared>>) attributes {dimension_semantics = [#tpu.dimension_semantics<core_parallel>, #tpu.dimension_semantics<subcore_parallel>], iteration_bounds = array<i64: 2, 16>, scalar_prefetch = 0 : i64, scratch_operands = 6 : i64, tpu.core_type = #tpu.core_type<sc_vector_subcore>, window_params = [{transform_indices = #map}, {transform_indices = #map1}, {transform_indices = #map1}, {transform_indices = #map2}]} {
    %mul3A = arith.constant 16 : i32
    %mul3A_0 = arith.muli %arg0, %mul3A : i32
    %add3A = arith.addi %mul3A_0, %arg1 : i32
    %run_scoped3A = arith.constant 1 : i32
    "tpu.region"() ({
      %run_scoped3A_25 = tpu.sem_alloc : memref<!tpu.dma_semaphore, #tpu.memory_space<semaphore_mem>>
      %dma_start3A = arith.constant 0 : i32
      %dma_start3A_26 = arith.constant 0 : i32
      %dma_start3A_27 = tpu.memref_slice %arg2[%run_scoped3A, %add3A, %dma_start3A, %dma_start3A_26] : memref<2x32x80x125xi32, #tpu.memory_space<hbm>> -> memref<1x1x80x125xi32, #tpu.memory_space<hbm>>
      %dma_start3A_28 = tpu.memref_squeeze %dma_start3A_27 : memref<1x1x80x125xi32, #tpu.memory_space<hbm>> -> memref<80x125xi32, #tpu.memory_space<hbm>>
      %dma_start3A_29 = arith.constant 0 : i32
      %dma_start3A_30 = arith.constant 0 : i32
      %dma_start3A_31 = tpu.memref_slice %arg2[%run_scoped3A, %add3A, %dma_start3A_29, %dma_start3A_30] : memref<2x32x80x125xi32, #tpu.memory_space<hbm>> -> memref<1x1x80x125xi32, #tpu.memory_space<hbm>>
      %dma_start3A_32 = tpu.memref_squeeze %dma_start3A_31 : memref<1x1x80x125xi32, #tpu.memory_space<hbm>> -> memref<80x125xi32, #tpu.memory_space<hbm>>
      tpu.enqueue_dma source(%dma_start3A_32 : memref<80x125xi32, #tpu.memory_space<hbm>>) target(%arg6 : memref<80x125xi32, #tpu.memory_space<vmem>>) target_semaphore(%run_scoped3A_25 : memref<!tpu.dma_semaphore, #tpu.memory_space<semaphore_mem>>)
      %dma_wait3A = arith.constant 0 : i32
      %dma_wait3A_33 = arith.constant 0 : i32
      %dma_wait3A_34 = tpu.memref_slice %arg2[%run_scoped3A, %add3A, %dma_wait3A, %dma_wait3A_33] : memref<2x32x80x125xi32, #tpu.memory_space<hbm>> -> memref<1x1x80x125xi32, #tpu.memory_space<hbm>>
      %dma_wait3A_35 = tpu.memref_squeeze %dma_wait3A_34 : memref<1x1x80x125xi32, #tpu.memory_space<hbm>> -> memref<80x125xi32, #tpu.memory_space<hbm>>
      %dma_wait3A_36 = arith.constant 0 : i32
      %dma_wait3A_37 = arith.constant 0 : i32
      %dma_wait3A_38 = tpu.memref_slice %arg2[%run_scoped3A, %add3A, %dma_wait3A_36, %dma_wait3A_37] : memref<2x32x80x125xi32, #tpu.memory_space<hbm>> -> memref<1x1x80x125xi32, #tpu.memory_space<hbm>>
      %dma_wait3A_39 = tpu.memref_squeeze %dma_wait3A_38 : memref<1x1x80x125xi32, #tpu.memory_space<hbm>> -> memref<80x125xi32, #tpu.memory_space<hbm>>
      tpu.wait_dma2 semaphore(%run_scoped3A_25 : memref<!tpu.dma_semaphore, #tpu.memory_space<semaphore_mem>>) src(%dma_wait3A_39 : memref<80x125xi32, #tpu.memory_space<hbm>>) dst(%arg6 : memref<80x125xi32, #tpu.memory_space<vmem>>)
      tpu.yield
    }) : () -> ()
    "tpu.region"() ({
      %run_scoped3A_25 = tpu.sem_alloc : memref<!tpu.dma_semaphore, #tpu.memory_space<semaphore_mem>>
      tpu.enqueue_dma source(%arg3 : memref<125x16xf32, #tpu.memory_space<hbm>>) target(%arg7 : memref<125x16xf32, #tpu.memory_space<vmem>>) target_semaphore(%run_scoped3A_25 : memref<!tpu.dma_semaphore, #tpu.memory_space<semaphore_mem>>)
      tpu.wait_dma2 semaphore(%run_scoped3A_25 : memref<!tpu.dma_semaphore, #tpu.memory_space<semaphore_mem>>) src(%arg3 : memref<125x16xf32, #tpu.memory_space<hbm>>) dst(%arg7 : memref<125x16xf32, #tpu.memory_space<vmem>>)
      tpu.yield
    }) : () -> ()
    %mul3A_1 = arith.constant 640 : i32
    %mul3A_2 = arith.muli %arg1, %mul3A_1 : i32
    "tpu.region"() ({
      %run_scoped3A_25 = tpu.sem_alloc : memref<!tpu.dma_semaphore, #tpu.memory_space<semaphore_mem>>
      %dma_start3A = arith.constant 0 : i32
      %dma_start3A_26 = tpu.memref_slice %arg11[%mul3A_2, %dma_start3A] : memref<10240x16xf32, #tpu.memory_space<vmem_shared>> -> memref<640x16xf32, #tpu.memory_space<vmem_shared>>
      tpu.enqueue_dma source(%arg4 : memref<640x16xf32, #tpu.memory_space<hbm>>) target(%dma_start3A_26 : memref<640x16xf32, #tpu.memory_space<vmem_shared>>) target_semaphore(%run_scoped3A_25 : memref<!tpu.dma_semaphore, #tpu.memory_space<semaphore_mem>>)
      %dma_wait3A = arith.constant 0 : i32
      %dma_wait3A_27 = tpu.memref_slice %arg11[%mul3A_2, %dma_wait3A] : memref<10240x16xf32, #tpu.memory_space<vmem_shared>> -> memref<640x16xf32, #tpu.memory_space<vmem_shared>>
      tpu.wait_dma2 semaphore(%run_scoped3A_25 : memref<!tpu.dma_semaphore, #tpu.memory_space<semaphore_mem>>) src(%arg4 : memref<640x16xf32, #tpu.memory_space<hbm>>) dst(%dma_wait3A_27 : memref<640x16xf32, #tpu.memory_space<vmem_shared>>)
      tpu.yield
    }) : () -> ()
    %barrier3A = arith.constant 0 : index
    tpu.barrier barrier_id(%barrier3A)
    %scan3A = arith.constant 0 : i32
    %scan3A_3 = arith.constant 0 : i32
    %scan3A_4 = arith.constant 80 : i32
    %scan3A_5 = arith.addi %scan3A_3, %scan3A_4 : i32
    %scan3A_6 = arith.constant 1 : i32
    scf.for %scan3A_25 = %scan3A_3 to %scan3A_5 step %scan3A_6  : i32 {
      %dma_start3A = arith.constant 0 : i32
      %dma_start3A_26 = tpu.memref_slice %arg6[%scan3A_25, %dma_start3A] : memref<80x125xi32, #tpu.memory_space<vmem>> -> memref<1x125xi32, #tpu.memory_space<vmem>>
      %dma_start3A_27 = tpu.memref_squeeze %dma_start3A_26 : memref<1x125xi32, #tpu.memory_space<vmem>> -> memref<125xi32, #tpu.memory_space<vmem>>
      %dma_start3A_28 = arith.constant 0 : i32
      %dma_start3A_29 = arith.constant 0 : i32
      %dma_start3A_30 = tpu.memref_slice %arg11[%dma_start3A_28, %dma_start3A_29] : memref<10240x16xf32, #tpu.memory_space<vmem_shared>> -> memref<10240x16xf32, #tpu.memory_space<vmem_shared>>
      tpu.enqueue_indirect_dma source(%arg7 : memref<125x16xf32, #tpu.memory_space<vmem>>) target(%dma_start3A_30 : memref<10240x16xf32, #tpu.memory_space<vmem_shared>>) offsets(%dma_start3A_27 : memref<125xi32, #tpu.memory_space<vmem>>) semaphore(%arg8 : memref<!tpu.dma_semaphore, #tpu.memory_space<semaphore_mem>>) {add = true}
    }
    %scan3A_7 = arith.constant 80 : i32
    %scan3A_8 = arith.constant 0 : i32
    %scan3A_9 = arith.constant 0 : i32
    %scan3A_10 = arith.constant 80 : i32
    %scan3A_11 = arith.addi %scan3A_9, %scan3A_10 : i32
    %scan3A_12 = arith.constant 1 : i32
    scf.for %scan3A_25 = %scan3A_9 to %scan3A_11 step %scan3A_12  : i32 {
      %dma_wait3A = arith.constant 0 : i32
      %dma_wait3A_26 = tpu.memref_slice %arg6[%scan3A_25, %dma_wait3A] : memref<80x125xi32, #tpu.memory_space<vmem>> -> memref<1x125xi32, #tpu.memory_space<vmem>>
      %dma_wait3A_27 = tpu.memref_squeeze %dma_wait3A_26 : memref<1x125xi32, #tpu.memory_space<vmem>> -> memref<125xi32, #tpu.memory_space<vmem>>
      %dma_wait3A_28 = arith.constant 0 : i32
      %dma_wait3A_29 = arith.constant 0 : i32
      %dma_wait3A_30 = tpu.memref_slice %arg11[%dma_wait3A_28, %dma_wait3A_29] : memref<10240x16xf32, #tpu.memory_space<vmem_shared>> -> memref<10240x16xf32, #tpu.memory_space<vmem_shared>>
      tpu.wait_indirect_dma semaphore(%arg8 : memref<!tpu.dma_semaphore, #tpu.memory_space<semaphore_mem>>) src(%arg7 : memref<125x16xf32, #tpu.memory_space<vmem>>) dst(%dma_wait3A_30 : memref<10240x16xf32, #tpu.memory_space<vmem_shared>>)
    }
    %scan3A_13 = arith.constant 80 : i32
    %barrier3A_14 = arith.constant 0 : index
    tpu.barrier barrier_id(%barrier3A_14)
    %mul3A_15 = arith.constant 640 : i32
    %mul3A_16 = arith.muli %arg1, %mul3A_15 : i32
    "tpu.region"() ({
      %run_scoped3A_25 = tpu.sem_alloc : memref<!tpu.dma_semaphore, #tpu.memory_space<semaphore_mem>>
      %dma_start3A = arith.constant 0 : i32
      %dma_start3A_26 = tpu.memref_slice %arg11[%mul3A_16, %dma_start3A] : memref<10240x16xf32, #tpu.memory_space<vmem_shared>> -> memref<640x16xf32, #tpu.memory_space<vmem_shared>>
      %dma_start3A_27 = arith.constant 0 : i32
      %dma_start3A_28 = tpu.memref_slice %arg11[%mul3A_16, %dma_start3A_27] : memref<10240x16xf32, #tpu.memory_space<vmem_shared>> -> memref<640x16xf32, #tpu.memory_space<vmem_shared>>
      tpu.enqueue_dma source(%dma_start3A_28 : memref<640x16xf32, #tpu.memory_space<vmem_shared>>) target(%arg9 : memref<640x16xf32, #tpu.memory_space<vmem>>) target_semaphore(%run_scoped3A_25 : memref<!tpu.dma_semaphore, #tpu.memory_space<semaphore_mem>>)
      %dma_wait3A = arith.constant 0 : i32
      %dma_wait3A_29 = tpu.memref_slice %arg11[%mul3A_16, %dma_wait3A] : memref<10240x16xf32, #tpu.memory_space<vmem_shared>> -> memref<640x16xf32, #tpu.memory_space<vmem_shared>>
      %dma_wait3A_30 = arith.constant 0 : i32
      %dma_wait3A_31 = tpu.memref_slice %arg11[%mul3A_16, %dma_wait3A_30] : memref<10240x16xf32, #tpu.memory_space<vmem_shared>> -> memref<640x16xf32, #tpu.memory_space<vmem_shared>>
      tpu.wait_dma2 semaphore(%run_scoped3A_25 : memref<!tpu.dma_semaphore, #tpu.memory_space<semaphore_mem>>) src(%dma_wait3A_31 : memref<640x16xf32, #tpu.memory_space<vmem_shared>>) dst(%arg9 : memref<640x16xf32, #tpu.memory_space<vmem>>)
      tpu.yield
    }) : () -> ()
    %scan3A_17 = arith.constant 0 : i32
    %scan3A_18 = arith.constant 0 : i32
    %scan3A_19 = arith.constant 640 : i32
    %scan3A_20 = arith.addi %scan3A_18, %scan3A_19 : i32
    %scan3A_21 = arith.constant 1 : i32
    scf.for %scan3A_25 = %scan3A_18 to %scan3A_20 step %scan3A_21  : i32 {
      %get3A = arith.index_cast %scan3A_25 : i32 to index
      %get3A_26 = arith.constant 0 : index
      %get3A_27 = tpu.vector_load %arg9[%get3A, %get3A_26] {strides = array<i32>} : memref<640x16xf32, #tpu.memory_space<vmem>>, vector<1x16xf32>,
      %get3A_28 = vector.shape_cast %get3A_27 : vector<1x16xf32> to vector<16xf32>
      %mul3A_29 = arith.constant 32 : i32
      %mul3A_30 = arith.muli %scan3A_25, %mul3A_29 : i32
      %jit3A = arith.constant 128 : i32
      %div3A = arith.divsi %mul3A_30, %jit3A : i32
      %sign3A = arith.constant 0 : i32
      %sign3A_31 = arith.cmpi sgt, %mul3A_30, %sign3A : i32
      %sign3A_32 = arith.extui %sign3A_31 : i1 to i32
      %sign3A_33 = arith.constant 0 : i32
      %sign3A_34 = arith.cmpi slt, %mul3A_30, %sign3A_33 : i32
      %sign3A_35 = arith.extui %sign3A_34 : i1 to i32
      %sign3A_36 = arith.subi %sign3A_32, %sign3A_35 : i32
      %sign3A_37 = arith.constant 0 : i32
      %sign3A_38 = arith.cmpi sgt, %jit3A, %sign3A_37 : i32
      %sign3A_39 = arith.extui %sign3A_38 : i1 to i32
      %sign3A_40 = arith.constant 0 : i32
      %sign3A_41 = arith.cmpi slt, %jit3A, %sign3A_40 : i32
      %sign3A_42 = arith.extui %sign3A_41 : i1 to i32
      %sign3A_43 = arith.subi %sign3A_39, %sign3A_42 : i32
      %ne3A = arith.cmpi ne, %sign3A_36, %sign3A_43 : i32
      %rem3A = arith.remsi %mul3A_30, %jit3A : i32
      %ne3A_44 = arith.constant 0 : i32
      %ne3A_45 = arith.cmpi ne, %rem3A, %ne3A_44 : i32
      %and3A = arith.andi %ne3A, %ne3A_45 : i1
      %sub3A = arith.constant 1 : i32
      %sub3A_46 = arith.subi %div3A, %sub3A : i32
      %select_n3A = arith.select %and3A, %sub3A_46, %div3A : i32
      %jit3A_47 = arith.constant 128 : i32
      %eq3A = arith.constant 0 : i32
      %eq3A_48 = arith.cmpi eq, %jit3A_47, %eq3A : i32
      %jit3A_49 = arith.constant 1 : i32
      %select_n3A_50 = arith.select %eq3A_48, %jit3A_49, %jit3A_47 : i32
      %rem3A_51 = arith.remsi %mul3A_30, %select_n3A_50 : i32
      %ne3A_52 = arith.constant 0 : i32
      %ne3A_53 = arith.cmpi ne, %rem3A_51, %ne3A_52 : i32
      %lt3A = arith.constant 0 : i32
      %lt3A_54 = arith.cmpi slt, %rem3A_51, %lt3A : i32
      %lt3A_55 = arith.constant 0 : i32
      %lt3A_56 = arith.cmpi slt, %select_n3A_50, %lt3A_55 : i32
      %ne3A_57 = arith.xori %lt3A_54, %lt3A_56 : i1
      %and3A_58 = arith.andi %ne3A_57, %ne3A_53 : i1
      %add3A_59 = arith.addi %rem3A_51, %select_n3A_50 : i32
      %select_n3A_60 = arith.select %and3A_58, %add3A_59, %rem3A_51 : i32
      %swap3A = arith.index_cast %select_n3A : i32 to index
      %swap3A_61 = arith.index_cast %select_n3A_60 : i32 to index
      %swap3A_62 = tpu.vector_load %arg10[%swap3A, %swap3A_61] {strides = array<i32>} : memref<160x128xf32, #tpu.memory_space<vmem>>, vector<1x16xf32>,
      %swap3A_63 = vector.shape_cast %swap3A_62 : vector<1x16xf32> to vector<16xf32>
      %swap3A_64 = vector.shape_cast %get3A_28 : vector<16xf32> to vector<1x16xf32>
      tpu.vector_store %arg10[%swap3A, %swap3A_61], %swap3A_64 {strides = array<i32>} : memref<160x128xf32, #tpu.memory_space<vmem>>, vector<1x16xf32>,
      %add3A_65 = arith.constant 16 : i32
      %add3A_66 = arith.addi %select_n3A_60, %add3A_65 : i32
      %swap3A_67 = arith.index_cast %select_n3A : i32 to index
      %swap3A_68 = arith.index_cast %add3A_66 : i32 to index
      %swap3A_69 = tpu.vector_load %arg10[%swap3A_67, %swap3A_68] {strides = array<i32>} : memref<160x128xf32, #tpu.memory_space<vmem>>, vector<1x16xf32>,
      %swap3A_70 = vector.shape_cast %swap3A_69 : vector<1x16xf32> to vector<16xf32>
      %swap3A_71 = vector.shape_cast %get3A_28 : vector<16xf32> to vector<1x16xf32>
      tpu.vector_store %arg10[%swap3A_67, %swap3A_68], %swap3A_71 {strides = array<i32>} : memref<160x128xf32, #tpu.memory_space<vmem>>, vector<1x16xf32>,
    }
    %scan3A_22 = arith.constant 640 : i32
    %mul3A_23 = arith.constant 160 : i32
    %mul3A_24 = arith.muli %arg1, %mul3A_23 : i32
    "tpu.region"() ({
      %run_scoped3A_25 = tpu.sem_alloc : memref<!tpu.dma_semaphore, #tpu.memory_space<semaphore_mem>>
      %dma_start3A = arith.constant 0 : i32
      %dma_start3A_26 = tpu.memref_slice %arg5[%arg0, %mul3A_24, %dma_start3A] : memref<2x2560x128xf32, #tpu.memory_space<hbm>> -> memref<1x160x128xf32, #tpu.memory_space<hbm>>
      %dma_start3A_27 = tpu.memref_squeeze %dma_start3A_26 : memref<1x160x128xf32, #tpu.memory_space<hbm>> -> memref<160x128xf32, #tpu.memory_space<hbm>>
      %dma_start3A_28 = arith.constant 0 : i32
      %dma_start3A_29 = tpu.memref_slice %arg5[%arg0, %mul3A_24, %dma_start3A_28] : memref<2x2560x128xf32, #tpu.memory_space<hbm>> -> memref<1x160x128xf32, #tpu.memory_space<hbm>>
      %dma_start3A_30 = tpu.memref_squeeze %dma_start3A_29 : memref<1x160x128xf32, #tpu.memory_space<hbm>> -> memref<160x128xf32, #tpu.memory_space<hbm>>
      tpu.enqueue_dma source(%arg10 : memref<160x128xf32, #tpu.memory_space<vmem>>) target(%dma_start3A_30 : memref<160x128xf32, #tpu.memory_space<hbm>>) target_semaphore(%run_scoped3A_25 : memref<!tpu.dma_semaphore, #tpu.memory_space<semaphore_mem>>)
      %dma_wait3A = arith.constant 0 : i32
      %dma_wait3A_31 = tpu.memref_slice %arg5[%arg0, %mul3A_24, %dma_wait3A] : memref<2x2560x128xf32, #tpu.memory_space<hbm>> -> memref<1x160x128xf32, #tpu.memory_space<hbm>>
      %dma_wait3A_32 = tpu.memref_squeeze %dma_wait3A_31 : memref<1x160x128xf32, #tpu.memory_space<hbm>> -> memref<160x128xf32, #tpu.memory_space<hbm>>
      %dma_wait3A_33 = arith.constant 0 : i32
      %dma_wait3A_34 = tpu.memref_slice %arg5[%arg0, %mul3A_24, %dma_wait3A_33] : memref<2x2560x128xf32, #tpu.memory_space<hbm>> -> memref<1x160x128xf32, #tpu.memory_space<hbm>>
      %dma_wait3A_35 = tpu.memref_squeeze %dma_wait3A_34 : memref<1x160x128xf32, #tpu.memory_space<hbm>> -> memref<160x128xf32, #tpu.memory_space<hbm>>
      tpu.wait_dma2 semaphore(%run_scoped3A_25 : memref<!tpu.dma_semaphore, #tpu.memory_space<semaphore_mem>>) src(%arg10 : memref<160x128xf32, #tpu.memory_space<vmem>>) dst(%dma_wait3A_35 : memref<160x128xf32, #tpu.memory_space<hbm>>)
      tpu.yield
    }) : () -> ()
    return
  }
}

#map = affine_map<(d0, d1) -> (0, 0, 0)>
#map1 = affine_map<(d0, d1) -> (0, 0)>
#map2 = affine_map<(d0, d1) -> (0)>
module attributes {stable_mosaic.version = 14 : i64} {
  func.func @_pool_body(%arg0: i32, %arg1: i32, %arg2: memref<2x10240x32xf32, #tpu.memory_space<hbm>>, %arg3: memref<10240x32xf32, #tpu.memory_space<hbm>>, %arg4: memref<10240x32xf32, #tpu.memory_space<hbm>>, %arg5: memref<10240xi32, #tpu.memory_space<hbm>>, %arg6: memref<64x32xf32, #tpu.memory_space<hbm>>, %arg7: memref<32x64x32xf32, #tpu.memory_space<hbm>>, %arg8: memref<320x32xf32, #tpu.memory_space<vmem>>, %arg9: memref<320x32xf32, #tpu.memory_space<vmem>>, %arg10: memref<320x32xf32, #tpu.memory_space<vmem>>, %arg11: memref<320x32xf32, #tpu.memory_space<vmem>>, %arg12: memref<320xi32, #tpu.memory_space<vmem>>, %arg13: memref<64x32xf32, #tpu.memory_space<vmem>>, %arg14: memref<!tpu.dma_semaphore, #tpu.memory_space<semaphore_mem>>) attributes {dimension_semantics = [#tpu.dimension_semantics<core_parallel>, #tpu.dimension_semantics<subcore_parallel>], iteration_bounds = array<i64: 2, 16>, scalar_prefetch = 0 : i64, scratch_operands = 7 : i64, tpu.core_type = #tpu.core_type<sc_vector_subcore>, window_params = [{transform_indices = #map}, {transform_indices = #map1}, {transform_indices = #map1}, {transform_indices = #map2}, {transform_indices = #map1}, {transform_indices = #map}]} {
    %mul3A = arith.constant 16 : i32
    %mul3A_0 = arith.muli %arg0, %mul3A : i32
    %add3A = arith.addi %mul3A_0, %arg1 : i32
    %mul3A_1 = arith.constant 320 : i32
    %mul3A_2 = arith.muli %add3A, %mul3A_1 : i32
    %dma_start3A = arith.constant 0 : i32
    %dma_start3A_3 = arith.constant 0 : i32
    %dma_start3A_4 = tpu.memref_slice %arg2[%dma_start3A, %mul3A_2, %dma_start3A_3] : memref<2x10240x32xf32, #tpu.memory_space<hbm>> -> memref<1x320x32xf32, #tpu.memory_space<hbm>>
    %dma_start3A_5 = tpu.memref_squeeze %dma_start3A_4 : memref<1x320x32xf32, #tpu.memory_space<hbm>> -> memref<320x32xf32, #tpu.memory_space<hbm>>
    %dma_start3A_6 = arith.constant 0 : i32
    %dma_start3A_7 = tpu.memref_slice %arg2[%dma_start3A, %mul3A_2, %dma_start3A_6] : memref<2x10240x32xf32, #tpu.memory_space<hbm>> -> memref<1x320x32xf32, #tpu.memory_space<hbm>>
    %dma_start3A_8 = tpu.memref_squeeze %dma_start3A_7 : memref<1x320x32xf32, #tpu.memory_space<hbm>> -> memref<320x32xf32, #tpu.memory_space<hbm>>
    tpu.enqueue_dma source(%dma_start3A_8 : memref<320x32xf32, #tpu.memory_space<hbm>>) target(%arg8 : memref<320x32xf32, #tpu.memory_space<vmem>>) target_semaphore(%arg14 : memref<!tpu.dma_semaphore, #tpu.memory_space<semaphore_mem>>)
    %dma_start3A_9 = arith.constant 1 : i32
    %dma_start3A_10 = arith.constant 0 : i32
    %dma_start3A_11 = tpu.memref_slice %arg2[%dma_start3A_9, %mul3A_2, %dma_start3A_10] : memref<2x10240x32xf32, #tpu.memory_space<hbm>> -> memref<1x320x32xf32, #tpu.memory_space<hbm>>
    %dma_start3A_12 = tpu.memref_squeeze %dma_start3A_11 : memref<1x320x32xf32, #tpu.memory_space<hbm>> -> memref<320x32xf32, #tpu.memory_space<hbm>>
    %dma_start3A_13 = arith.constant 0 : i32
    %dma_start3A_14 = tpu.memref_slice %arg2[%dma_start3A_9, %mul3A_2, %dma_start3A_13] : memref<2x10240x32xf32, #tpu.memory_space<hbm>> -> memref<1x320x32xf32, #tpu.memory_space<hbm>>
    %dma_start3A_15 = tpu.memref_squeeze %dma_start3A_14 : memref<1x320x32xf32, #tpu.memory_space<hbm>> -> memref<320x32xf32, #tpu.memory_space<hbm>>
    tpu.enqueue_dma source(%dma_start3A_15 : memref<320x32xf32, #tpu.memory_space<hbm>>) target(%arg9 : memref<320x32xf32, #tpu.memory_space<vmem>>) target_semaphore(%arg14 : memref<!tpu.dma_semaphore, #tpu.memory_space<semaphore_mem>>)
    %dma_start3A_16 = arith.constant 0 : i32
    %dma_start3A_17 = tpu.memref_slice %arg3[%mul3A_2, %dma_start3A_16] : memref<10240x32xf32, #tpu.memory_space<hbm>> -> memref<320x32xf32, #tpu.memory_space<hbm>>
    %dma_start3A_18 = arith.constant 0 : i32
    %dma_start3A_19 = tpu.memref_slice %arg3[%mul3A_2, %dma_start3A_18] : memref<10240x32xf32, #tpu.memory_space<hbm>> -> memref<320x32xf32, #tpu.memory_space<hbm>>
    tpu.enqueue_dma source(%dma_start3A_19 : memref<320x32xf32, #tpu.memory_space<hbm>>) target(%arg10 : memref<320x32xf32, #tpu.memory_space<vmem>>) target_semaphore(%arg14 : memref<!tpu.dma_semaphore, #tpu.memory_space<semaphore_mem>>)
    %dma_start3A_20 = arith.constant 0 : i32
    %dma_start3A_21 = tpu.memref_slice %arg4[%mul3A_2, %dma_start3A_20] : memref<10240x32xf32, #tpu.memory_space<hbm>> -> memref<320x32xf32, #tpu.memory_space<hbm>>
    %dma_start3A_22 = arith.constant 0 : i32
    %dma_start3A_23 = tpu.memref_slice %arg4[%mul3A_2, %dma_start3A_22] : memref<10240x32xf32, #tpu.memory_space<hbm>> -> memref<320x32xf32, #tpu.memory_space<hbm>>
    tpu.enqueue_dma source(%dma_start3A_23 : memref<320x32xf32, #tpu.memory_space<hbm>>) target(%arg11 : memref<320x32xf32, #tpu.memory_space<vmem>>) target_semaphore(%arg14 : memref<!tpu.dma_semaphore, #tpu.memory_space<semaphore_mem>>)
    %dma_start3A_24 = tpu.memref_slice %arg5[%mul3A_2] : memref<10240xi32, #tpu.memory_space<hbm>> -> memref<320xi32, #tpu.memory_space<hbm>>
    %dma_start3A_25 = tpu.memref_slice %arg5[%mul3A_2] : memref<10240xi32, #tpu.memory_space<hbm>> -> memref<320xi32, #tpu.memory_space<hbm>>
    tpu.enqueue_dma source(%dma_start3A_25 : memref<320xi32, #tpu.memory_space<hbm>>) target(%arg12 : memref<320xi32, #tpu.memory_space<vmem>>) target_semaphore(%arg14 : memref<!tpu.dma_semaphore, #tpu.memory_space<semaphore_mem>>)
    tpu.enqueue_dma source(%arg6 : memref<64x32xf32, #tpu.memory_space<hbm>>) target(%arg13 : memref<64x32xf32, #tpu.memory_space<vmem>>) target_semaphore(%arg14 : memref<!tpu.dma_semaphore, #tpu.memory_space<semaphore_mem>>)
    %dma_wait3A = arith.constant 0 : i32
    %dma_wait3A_26 = arith.constant 0 : i32
    %dma_wait3A_27 = tpu.memref_slice %arg2[%dma_wait3A, %mul3A_2, %dma_wait3A_26] : memref<2x10240x32xf32, #tpu.memory_space<hbm>> -> memref<1x320x32xf32, #tpu.memory_space<hbm>>
    %dma_wait3A_28 = tpu.memref_squeeze %dma_wait3A_27 : memref<1x320x32xf32, #tpu.memory_space<hbm>> -> memref<320x32xf32, #tpu.memory_space<hbm>>
    %dma_wait3A_29 = arith.constant 0 : i32
    %dma_wait3A_30 = tpu.memref_slice %arg2[%dma_wait3A, %mul3A_2, %dma_wait3A_29] : memref<2x10240x32xf32, #tpu.memory_space<hbm>> -> memref<1x320x32xf32, #tpu.memory_space<hbm>>
    %dma_wait3A_31 = tpu.memref_squeeze %dma_wait3A_30 : memref<1x320x32xf32, #tpu.memory_space<hbm>> -> memref<320x32xf32, #tpu.memory_space<hbm>>
    tpu.wait_dma2 semaphore(%arg14 : memref<!tpu.dma_semaphore, #tpu.memory_space<semaphore_mem>>) src(%dma_wait3A_31 : memref<320x32xf32, #tpu.memory_space<hbm>>) dst(%arg8 : memref<320x32xf32, #tpu.memory_space<vmem>>)
    %dma_wait3A_32 = arith.constant 1 : i32
    %dma_wait3A_33 = arith.constant 0 : i32
    %dma_wait3A_34 = tpu.memref_slice %arg2[%dma_wait3A_32, %mul3A_2, %dma_wait3A_33] : memref<2x10240x32xf32, #tpu.memory_space<hbm>> -> memref<1x320x32xf32, #tpu.memory_space<hbm>>
    %dma_wait3A_35 = tpu.memref_squeeze %dma_wait3A_34 : memref<1x320x32xf32, #tpu.memory_space<hbm>> -> memref<320x32xf32, #tpu.memory_space<hbm>>
    %dma_wait3A_36 = arith.constant 0 : i32
    %dma_wait3A_37 = tpu.memref_slice %arg2[%dma_wait3A_32, %mul3A_2, %dma_wait3A_36] : memref<2x10240x32xf32, #tpu.memory_space<hbm>> -> memref<1x320x32xf32, #tpu.memory_space<hbm>>
    %dma_wait3A_38 = tpu.memref_squeeze %dma_wait3A_37 : memref<1x320x32xf32, #tpu.memory_space<hbm>> -> memref<320x32xf32, #tpu.memory_space<hbm>>
    tpu.wait_dma2 semaphore(%arg14 : memref<!tpu.dma_semaphore, #tpu.memory_space<semaphore_mem>>) src(%dma_wait3A_38 : memref<320x32xf32, #tpu.memory_space<hbm>>) dst(%arg9 : memref<320x32xf32, #tpu.memory_space<vmem>>)
    %dma_wait3A_39 = arith.constant 0 : i32
    %dma_wait3A_40 = tpu.memref_slice %arg3[%mul3A_2, %dma_wait3A_39] : memref<10240x32xf32, #tpu.memory_space<hbm>> -> memref<320x32xf32, #tpu.memory_space<hbm>>
    %dma_wait3A_41 = arith.constant 0 : i32
    %dma_wait3A_42 = tpu.memref_slice %arg3[%mul3A_2, %dma_wait3A_41] : memref<10240x32xf32, #tpu.memory_space<hbm>> -> memref<320x32xf32, #tpu.memory_space<hbm>>
    tpu.wait_dma2 semaphore(%arg14 : memref<!tpu.dma_semaphore, #tpu.memory_space<semaphore_mem>>) src(%dma_wait3A_42 : memref<320x32xf32, #tpu.memory_space<hbm>>) dst(%arg10 : memref<320x32xf32, #tpu.memory_space<vmem>>)
    %dma_wait3A_43 = arith.constant 0 : i32
    %dma_wait3A_44 = tpu.memref_slice %arg4[%mul3A_2, %dma_wait3A_43] : memref<10240x32xf32, #tpu.memory_space<hbm>> -> memref<320x32xf32, #tpu.memory_space<hbm>>
    %dma_wait3A_45 = arith.constant 0 : i32
    %dma_wait3A_46 = tpu.memref_slice %arg4[%mul3A_2, %dma_wait3A_45] : memref<10240x32xf32, #tpu.memory_space<hbm>> -> memref<320x32xf32, #tpu.memory_space<hbm>>
    tpu.wait_dma2 semaphore(%arg14 : memref<!tpu.dma_semaphore, #tpu.memory_space<semaphore_mem>>) src(%dma_wait3A_46 : memref<320x32xf32, #tpu.memory_space<hbm>>) dst(%arg11 : memref<320x32xf32, #tpu.memory_space<vmem>>)
    %dma_wait3A_47 = tpu.memref_slice %arg5[%mul3A_2] : memref<10240xi32, #tpu.memory_space<hbm>> -> memref<320xi32, #tpu.memory_space<hbm>>
    %dma_wait3A_48 = tpu.memref_slice %arg5[%mul3A_2] : memref<10240xi32, #tpu.memory_space<hbm>> -> memref<320xi32, #tpu.memory_space<hbm>>
    tpu.wait_dma2 semaphore(%arg14 : memref<!tpu.dma_semaphore, #tpu.memory_space<semaphore_mem>>) src(%dma_wait3A_48 : memref<320xi32, #tpu.memory_space<hbm>>) dst(%arg12 : memref<320xi32, #tpu.memory_space<vmem>>)
    tpu.wait_dma2 semaphore(%arg14 : memref<!tpu.dma_semaphore, #tpu.memory_space<semaphore_mem>>) src(%arg6 : memref<64x32xf32, #tpu.memory_space<hbm>>) dst(%arg13 : memref<64x32xf32, #tpu.memory_space<vmem>>)
    %scan3A = arith.constant 0 : i32
    %scan3A_49 = arith.constant 0 : i32
    %scan3A_50 = arith.constant 320 : i32
    %scan3A_51 = arith.addi %scan3A_49, %scan3A_50 : i32
    %scan3A_52 = arith.constant 1 : i32
    scf.for %scan3A_60 = %scan3A_49 to %scan3A_51 step %scan3A_52  : i32 {
      %get3A = arith.index_cast %scan3A_60 : i32 to index
      %get3A_61 = arith.constant 0 : index
      %get3A_62 = tpu.vector_load %arg8[%get3A, %get3A_61] {strides = array<i32>} : memref<320x32xf32, #tpu.memory_space<vmem>>, vector<1x16xf32>,
      %get3A_63 = vector.shape_cast %get3A_62 : vector<1x16xf32> to vector<16xf32>
      %get3A_64 = arith.index_cast %scan3A_60 : i32 to index
      %get3A_65 = arith.constant 0 : index
      %get3A_66 = tpu.vector_load %arg9[%get3A_64, %get3A_65] {strides = array<i32>} : memref<320x32xf32, #tpu.memory_space<vmem>>, vector<1x16xf32>,
      %get3A_67 = vector.shape_cast %get3A_66 : vector<1x16xf32> to vector<16xf32>
      %add3A_68 = arith.addf %get3A_63, %get3A_67 : vector<16xf32>
      %get3A_69 = arith.index_cast %scan3A_60 : i32 to index
      %get3A_70 = arith.constant 0 : index
      %get3A_71 = tpu.vector_load %arg10[%get3A_69, %get3A_70] {strides = array<i32>} : memref<320x32xf32, #tpu.memory_space<vmem>>, vector<1x16xf32>,
      %get3A_72 = vector.shape_cast %get3A_71 : vector<1x16xf32> to vector<16xf32>
      %add3A_73 = arith.addf %add3A_68, %get3A_72 : vector<16xf32>
      %get3A_74 = arith.index_cast %scan3A_60 : i32 to index
      %get3A_75 = arith.constant 0 : index
      %get3A_76 = tpu.vector_load %arg11[%get3A_74, %get3A_75] {strides = array<i32>} : memref<320x32xf32, #tpu.memory_space<vmem>>, vector<1x16xf32>,
      %get3A_77 = vector.shape_cast %get3A_76 : vector<1x16xf32> to vector<16xf32>
      %mul3A_78 = arith.mulf %add3A_73, %get3A_77 : vector<16xf32>
      %swap3A = arith.index_cast %scan3A_60 : i32 to index
      %swap3A_79 = arith.constant 0 : index
      %swap3A_80 = tpu.vector_load %arg10[%swap3A, %swap3A_79] {strides = array<i32>} : memref<320x32xf32, #tpu.memory_space<vmem>>, vector<1x16xf32>,
      %swap3A_81 = vector.shape_cast %swap3A_80 : vector<1x16xf32> to vector<16xf32>
      %swap3A_82 = vector.shape_cast %mul3A_78 : vector<16xf32> to vector<1x16xf32>
      tpu.vector_store %arg10[%swap3A, %swap3A_79], %swap3A_82 {strides = array<i32>} : memref<320x32xf32, #tpu.memory_space<vmem>>, vector<1x16xf32>,
      %get3A_83 = arith.index_cast %scan3A_60 : i32 to index
      %get3A_84 = arith.constant 16 : index
      %get3A_85 = tpu.vector_load %arg8[%get3A_83, %get3A_84] {strides = array<i32>} : memref<320x32xf32, #tpu.memory_space<vmem>>, vector<1x16xf32>,
      %get3A_86 = vector.shape_cast %get3A_85 : vector<1x16xf32> to vector<16xf32>
      %get3A_87 = arith.index_cast %scan3A_60 : i32 to index
      %get3A_88 = arith.constant 16 : index
      %get3A_89 = tpu.vector_load %arg9[%get3A_87, %get3A_88] {strides = array<i32>} : memref<320x32xf32, #tpu.memory_space<vmem>>, vector<1x16xf32>,
      %get3A_90 = vector.shape_cast %get3A_89 : vector<1x16xf32> to vector<16xf32>
      %add3A_91 = arith.addf %get3A_86, %get3A_90 : vector<16xf32>
      %get3A_92 = arith.index_cast %scan3A_60 : i32 to index
      %get3A_93 = arith.constant 16 : index
      %get3A_94 = tpu.vector_load %arg10[%get3A_92, %get3A_93] {strides = array<i32>} : memref<320x32xf32, #tpu.memory_space<vmem>>, vector<1x16xf32>,
      %get3A_95 = vector.shape_cast %get3A_94 : vector<1x16xf32> to vector<16xf32>
      %add3A_96 = arith.addf %add3A_91, %get3A_95 : vector<16xf32>
      %get3A_97 = arith.index_cast %scan3A_60 : i32 to index
      %get3A_98 = arith.constant 16 : index
      %get3A_99 = tpu.vector_load %arg11[%get3A_97, %get3A_98] {strides = array<i32>} : memref<320x32xf32, #tpu.memory_space<vmem>>, vector<1x16xf32>,
      %get3A_100 = vector.shape_cast %get3A_99 : vector<1x16xf32> to vector<16xf32>
      %mul3A_101 = arith.mulf %add3A_96, %get3A_100 : vector<16xf32>
      %swap3A_102 = arith.index_cast %scan3A_60 : i32 to index
      %swap3A_103 = arith.constant 16 : index
      %swap3A_104 = tpu.vector_load %arg10[%swap3A_102, %swap3A_103] {strides = array<i32>} : memref<320x32xf32, #tpu.memory_space<vmem>>, vector<1x16xf32>,
      %swap3A_105 = vector.shape_cast %swap3A_104 : vector<1x16xf32> to vector<16xf32>
      %swap3A_106 = vector.shape_cast %mul3A_101 : vector<16xf32> to vector<1x16xf32>
      tpu.vector_store %arg10[%swap3A_102, %swap3A_103], %swap3A_106 {strides = array<i32>} : memref<320x32xf32, #tpu.memory_space<vmem>>, vector<1x16xf32>,
    }
    %scan3A_53 = arith.constant 320 : i32
    %scan3A_54 = arith.constant 0 : i32
    %scan3A_55 = arith.constant 0 : i32
    %scan3A_56 = arith.constant 20 : i32
    %scan3A_57 = arith.addi %scan3A_55, %scan3A_56 : i32
    %scan3A_58 = arith.constant 1 : i32
    scf.for %scan3A_60 = %scan3A_55 to %scan3A_57 step %scan3A_58  : i32 {
      %mul3A_61 = arith.constant 16 : i32
      %mul3A_62 = arith.muli %scan3A_60, %mul3A_61 : i32
      %get3A = arith.index_cast %mul3A_62 : i32 to index
      %get3A_63 = tpu.vector_load %arg12[%get3A] {strides = array<i32>} : memref<320xi32, #tpu.memory_space<vmem>>, vector<16xi32>,
      %get3A_64 = vector.shape_cast %get3A_63 : vector<16xi32> to vector<16xi32>
      %slice3A = vector.extract_strided_slice %get3A_64 {offsets = [0], sizes = [1], strides = [1]} : vector<16xi32> to vector<1xi32>
      %squeeze3A = vector.extract %slice3A[0] : i32 from vector<1xi32>
      %ge3A = arith.constant 0 : i32
      %ge3A_65 = arith.cmpi sge, %squeeze3A, %ge3A : i32
      %convert_element_type3A = arith.extui %ge3A_65 : i1 to i32
      %cond3A = arith.constant 0 : i32
      %cond3A_66 = arith.cmpi ne, %convert_element_type3A, %cond3A : i32
      scf.if %cond3A_66 {
        %mul3A_172 = arith.constant 16 : i32
        %mul3A_173 = arith.muli %scan3A_60, %mul3A_172 : i32
        %add3A_174 = arith.constant 0 : i32
        %add3A_175 = arith.addi %mul3A_173, %add3A_174 : i32
        %get3A_176 = arith.index_cast %squeeze3A : i32 to index
        %get3A_177 = arith.constant 0 : index
        %get3A_178 = tpu.vector_load %arg13[%get3A_176, %get3A_177] {strides = array<i32>} : memref<64x32xf32, #tpu.memory_space<vmem>>, vector<1x16xf32>,
        %get3A_179 = vector.shape_cast %get3A_178 : vector<1x16xf32> to vector<16xf32>
        %get3A_180 = arith.index_cast %add3A_175 : i32 to index
        %get3A_181 = arith.constant 0 : index
        %get3A_182 = tpu.vector_load %arg10[%get3A_180, %get3A_181] {strides = array<i32>} : memref<320x32xf32, #tpu.memory_space<vmem>>, vector<1x16xf32>,
        %get3A_183 = vector.shape_cast %get3A_182 : vector<1x16xf32> to vector<16xf32>
        %max3A = arith.maximumf %get3A_179, %get3A_183 : vector<16xf32>
        %swap3A = arith.index_cast %squeeze3A : i32 to index
        %swap3A_184 = arith.constant 0 : index
        %swap3A_185 = tpu.vector_load %arg13[%swap3A, %swap3A_184] {strides = array<i32>} : memref<64x32xf32, #tpu.memory_space<vmem>>, vector<1x16xf32>,
        %swap3A_186 = vector.shape_cast %swap3A_185 : vector<1x16xf32> to vector<16xf32>
        %swap3A_187 = vector.shape_cast %max3A : vector<16xf32> to vector<1x16xf32>
        tpu.vector_store %arg13[%swap3A, %swap3A_184], %swap3A_187 {strides = array<i32>} : memref<64x32xf32, #tpu.memory_space<vmem>>, vector<1x16xf32>,
        %get3A_188 = arith.index_cast %squeeze3A : i32 to index
        %get3A_189 = arith.constant 16 : index
        %get3A_190 = tpu.vector_load %arg13[%get3A_188, %get3A_189] {strides = array<i32>} : memref<64x32xf32, #tpu.memory_space<vmem>>, vector<1x16xf32>,
        %get3A_191 = vector.shape_cast %get3A_190 : vector<1x16xf32> to vector<16xf32>
        %get3A_192 = arith.index_cast %add3A_175 : i32 to index
        %get3A_193 = arith.constant 16 : index
        %get3A_194 = tpu.vector_load %arg10[%get3A_192, %get3A_193] {strides = array<i32>} : memref<320x32xf32, #tpu.memory_space<vmem>>, vector<1x16xf32>,
        %get3A_195 = vector.shape_cast %get3A_194 : vector<1x16xf32> to vector<16xf32>
        %max3A_196 = arith.maximumf %get3A_191, %get3A_195 : vector<16xf32>
        %swap3A_197 = arith.index_cast %squeeze3A : i32 to index
        %swap3A_198 = arith.constant 16 : index
        %swap3A_199 = tpu.vector_load %arg13[%swap3A_197, %swap3A_198] {strides = array<i32>} : memref<64x32xf32, #tpu.memory_space<vmem>>, vector<1x16xf32>,
        %swap3A_200 = vector.shape_cast %swap3A_199 : vector<1x16xf32> to vector<16xf32>
        %swap3A_201 = vector.shape_cast %max3A_196 : vector<16xf32> to vector<1x16xf32>
        tpu.vector_store %arg13[%swap3A_197, %swap3A_198], %swap3A_201 {strides = array<i32>} : memref<64x32xf32, #tpu.memory_space<vmem>>, vector<1x16xf32>,
      } else {
      }
      %slice3A_67 = vector.extract_strided_slice %get3A_64 {offsets = [1], sizes = [1], strides = [1]} : vector<16xi32> to vector<1xi32>
      %squeeze3A_68 = vector.extract %slice3A_67[0] : i32 from vector<1xi32>
      %ge3A_69 = arith.constant 0 : i32
      %ge3A_70 = arith.cmpi sge, %squeeze3A_68, %ge3A_69 : i32
      %convert_element_type3A_71 = arith.extui %ge3A_70 : i1 to i32
      %cond3A_72 = arith.constant 0 : i32
      %cond3A_73 = arith.cmpi ne, %convert_element_type3A_71, %cond3A_72 : i32
      scf.if %cond3A_73 {
        %mul3A_172 = arith.constant 16 : i32
        %mul3A_173 = arith.muli %scan3A_60, %mul3A_172 : i32
        %add3A_174 = arith.constant 1 : i32
        %add3A_175 = arith.addi %mul3A_173, %add3A_174 : i32
        %get3A_176 = arith.index_cast %squeeze3A_68 : i32 to index
        %get3A_177 = arith.constant 0 : index
        %get3A_178 = tpu.vector_load %arg13[%get3A_176, %get3A_177] {strides = array<i32>} : memref<64x32xf32, #tpu.memory_space<vmem>>, vector<1x16xf32>,
        %get3A_179 = vector.shape_cast %get3A_178 : vector<1x16xf32> to vector<16xf32>
        %get3A_180 = arith.index_cast %add3A_175 : i32 to index
        %get3A_181 = arith.constant 0 : index
        %get3A_182 = tpu.vector_load %arg10[%get3A_180, %get3A_181] {strides = array<i32>} : memref<320x32xf32, #tpu.memory_space<vmem>>, vector<1x16xf32>,
        %get3A_183 = vector.shape_cast %get3A_182 : vector<1x16xf32> to vector<16xf32>
        %max3A = arith.maximumf %get3A_179, %get3A_183 : vector<16xf32>
        %swap3A = arith.index_cast %squeeze3A_68 : i32 to index
        %swap3A_184 = arith.constant 0 : index
        %swap3A_185 = tpu.vector_load %arg13[%swap3A, %swap3A_184] {strides = array<i32>} : memref<64x32xf32, #tpu.memory_space<vmem>>, vector<1x16xf32>,
        %swap3A_186 = vector.shape_cast %swap3A_185 : vector<1x16xf32> to vector<16xf32>
        %swap3A_187 = vector.shape_cast %max3A : vector<16xf32> to vector<1x16xf32>
        tpu.vector_store %arg13[%swap3A, %swap3A_184], %swap3A_187 {strides = array<i32>} : memref<64x32xf32, #tpu.memory_space<vmem>>, vector<1x16xf32>,
        %get3A_188 = arith.index_cast %squeeze3A_68 : i32 to index
        %get3A_189 = arith.constant 16 : index
        %get3A_190 = tpu.vector_load %arg13[%get3A_188, %get3A_189] {strides = array<i32>} : memref<64x32xf32, #tpu.memory_space<vmem>>, vector<1x16xf32>,
        %get3A_191 = vector.shape_cast %get3A_190 : vector<1x16xf32> to vector<16xf32>
        %get3A_192 = arith.index_cast %add3A_175 : i32 to index
        %get3A_193 = arith.constant 16 : index
        %get3A_194 = tpu.vector_load %arg10[%get3A_192, %get3A_193] {strides = array<i32>} : memref<320x32xf32, #tpu.memory_space<vmem>>, vector<1x16xf32>,
        %get3A_195 = vector.shape_cast %get3A_194 : vector<1x16xf32> to vector<16xf32>
        %max3A_196 = arith.maximumf %get3A_191, %get3A_195 : vector<16xf32>
        %swap3A_197 = arith.index_cast %squeeze3A_68 : i32 to index
        %swap3A_198 = arith.constant 16 : index
        %swap3A_199 = tpu.vector_load %arg13[%swap3A_197, %swap3A_198] {strides = array<i32>} : memref<64x32xf32, #tpu.memory_space<vmem>>, vector<1x16xf32>,
        %swap3A_200 = vector.shape_cast %swap3A_199 : vector<1x16xf32> to vector<16xf32>
        %swap3A_201 = vector.shape_cast %max3A_196 : vector<16xf32> to vector<1x16xf32>
        tpu.vector_store %arg13[%swap3A_197, %swap3A_198], %swap3A_201 {strides = array<i32>} : memref<64x32xf32, #tpu.memory_space<vmem>>, vector<1x16xf32>,
      } else {
      }
      %slice3A_74 = vector.extract_strided_slice %get3A_64 {offsets = [2], sizes = [1], strides = [1]} : vector<16xi32> to vector<1xi32>
      %squeeze3A_75 = vector.extract %slice3A_74[0] : i32 from vector<1xi32>
      %ge3A_76 = arith.constant 0 : i32
      %ge3A_77 = arith.cmpi sge, %squeeze3A_75, %ge3A_76 : i32
      %convert_element_type3A_78 = arith.extui %ge3A_77 : i1 to i32
      %cond3A_79 = arith.constant 0 : i32
      %cond3A_80 = arith.cmpi ne, %convert_element_type3A_78, %cond3A_79 : i32
      scf.if %cond3A_80 {
        %mul3A_172 = arith.constant 16 : i32
        %mul3A_173 = arith.muli %scan3A_60, %mul3A_172 : i32
        %add3A_174 = arith.constant 2 : i32
        %add3A_175 = arith.addi %mul3A_173, %add3A_174 : i32
        %get3A_176 = arith.index_cast %squeeze3A_75 : i32 to index
        %get3A_177 = arith.constant 0 : index
        %get3A_178 = tpu.vector_load %arg13[%get3A_176, %get3A_177] {strides = array<i32>} : memref<64x32xf32, #tpu.memory_space<vmem>>, vector<1x16xf32>,
        %get3A_179 = vector.shape_cast %get3A_178 : vector<1x16xf32> to vector<16xf32>
        %get3A_180 = arith.index_cast %add3A_175 : i32 to index
        %get3A_181 = arith.constant 0 : index
        %get3A_182 = tpu.vector_load %arg10[%get3A_180, %get3A_181] {strides = array<i32>} : memref<320x32xf32, #tpu.memory_space<vmem>>, vector<1x16xf32>,
        %get3A_183 = vector.shape_cast %get3A_182 : vector<1x16xf32> to vector<16xf32>
        %max3A = arith.maximumf %get3A_179, %get3A_183 : vector<16xf32>
        %swap3A = arith.index_cast %squeeze3A_75 : i32 to index
        %swap3A_184 = arith.constant 0 : index
        %swap3A_185 = tpu.vector_load %arg13[%swap3A, %swap3A_184] {strides = array<i32>} : memref<64x32xf32, #tpu.memory_space<vmem>>, vector<1x16xf32>,
        %swap3A_186 = vector.shape_cast %swap3A_185 : vector<1x16xf32> to vector<16xf32>
        %swap3A_187 = vector.shape_cast %max3A : vector<16xf32> to vector<1x16xf32>
        tpu.vector_store %arg13[%swap3A, %swap3A_184], %swap3A_187 {strides = array<i32>} : memref<64x32xf32, #tpu.memory_space<vmem>>, vector<1x16xf32>,
        %get3A_188 = arith.index_cast %squeeze3A_75 : i32 to index
        %get3A_189 = arith.constant 16 : index
        %get3A_190 = tpu.vector_load %arg13[%get3A_188, %get3A_189] {strides = array<i32>} : memref<64x32xf32, #tpu.memory_space<vmem>>, vector<1x16xf32>,
        %get3A_191 = vector.shape_cast %get3A_190 : vector<1x16xf32> to vector<16xf32>
        %get3A_192 = arith.index_cast %add3A_175 : i32 to index
        %get3A_193 = arith.constant 16 : index
        %get3A_194 = tpu.vector_load %arg10[%get3A_192, %get3A_193] {strides = array<i32>} : memref<320x32xf32, #tpu.memory_space<vmem>>, vector<1x16xf32>,
        %get3A_195 = vector.shape_cast %get3A_194 : vector<1x16xf32> to vector<16xf32>
        %max3A_196 = arith.maximumf %get3A_191, %get3A_195 : vector<16xf32>
        %swap3A_197 = arith.index_cast %squeeze3A_75 : i32 to index
        %swap3A_198 = arith.constant 16 : index
        %swap3A_199 = tpu.vector_load %arg13[%swap3A_197, %swap3A_198] {strides = array<i32>} : memref<64x32xf32, #tpu.memory_space<vmem>>, vector<1x16xf32>,
        %swap3A_200 = vector.shape_cast %swap3A_199 : vector<1x16xf32> to vector<16xf32>
        %swap3A_201 = vector.shape_cast %max3A_196 : vector<16xf32> to vector<1x16xf32>
        tpu.vector_store %arg13[%swap3A_197, %swap3A_198], %swap3A_201 {strides = array<i32>} : memref<64x32xf32, #tpu.memory_space<vmem>>, vector<1x16xf32>,
      } else {
      }
      %slice3A_81 = vector.extract_strided_slice %get3A_64 {offsets = [3], sizes = [1], strides = [1]} : vector<16xi32> to vector<1xi32>
      %squeeze3A_82 = vector.extract %slice3A_81[0] : i32 from vector<1xi32>
      %ge3A_83 = arith.constant 0 : i32
      %ge3A_84 = arith.cmpi sge, %squeeze3A_82, %ge3A_83 : i32
      %convert_element_type3A_85 = arith.extui %ge3A_84 : i1 to i32
      %cond3A_86 = arith.constant 0 : i32
      %cond3A_87 = arith.cmpi ne, %convert_element_type3A_85, %cond3A_86 : i32
      scf.if %cond3A_87 {
        %mul3A_172 = arith.constant 16 : i32
        %mul3A_173 = arith.muli %scan3A_60, %mul3A_172 : i32
        %add3A_174 = arith.constant 3 : i32
        %add3A_175 = arith.addi %mul3A_173, %add3A_174 : i32
        %get3A_176 = arith.index_cast %squeeze3A_82 : i32 to index
        %get3A_177 = arith.constant 0 : index
        %get3A_178 = tpu.vector_load %arg13[%get3A_176, %get3A_177] {strides = array<i32>} : memref<64x32xf32, #tpu.memory_space<vmem>>, vector<1x16xf32>,
        %get3A_179 = vector.shape_cast %get3A_178 : vector<1x16xf32> to vector<16xf32>
        %get3A_180 = arith.index_cast %add3A_175 : i32 to index
        %get3A_181 = arith.constant 0 : index
        %get3A_182 = tpu.vector_load %arg10[%get3A_180, %get3A_181] {strides = array<i32>} : memref<320x32xf32, #tpu.memory_space<vmem>>, vector<1x16xf32>,
        %get3A_183 = vector.shape_cast %get3A_182 : vector<1x16xf32> to vector<16xf32>
        %max3A = arith.maximumf %get3A_179, %get3A_183 : vector<16xf32>
        %swap3A = arith.index_cast %squeeze3A_82 : i32 to index
        %swap3A_184 = arith.constant 0 : index
        %swap3A_185 = tpu.vector_load %arg13[%swap3A, %swap3A_184] {strides = array<i32>} : memref<64x32xf32, #tpu.memory_space<vmem>>, vector<1x16xf32>,
        %swap3A_186 = vector.shape_cast %swap3A_185 : vector<1x16xf32> to vector<16xf32>
        %swap3A_187 = vector.shape_cast %max3A : vector<16xf32> to vector<1x16xf32>
        tpu.vector_store %arg13[%swap3A, %swap3A_184], %swap3A_187 {strides = array<i32>} : memref<64x32xf32, #tpu.memory_space<vmem>>, vector<1x16xf32>,
        %get3A_188 = arith.index_cast %squeeze3A_82 : i32 to index
        %get3A_189 = arith.constant 16 : index
        %get3A_190 = tpu.vector_load %arg13[%get3A_188, %get3A_189] {strides = array<i32>} : memref<64x32xf32, #tpu.memory_space<vmem>>, vector<1x16xf32>,
        %get3A_191 = vector.shape_cast %get3A_190 : vector<1x16xf32> to vector<16xf32>
        %get3A_192 = arith.index_cast %add3A_175 : i32 to index
        %get3A_193 = arith.constant 16 : index
        %get3A_194 = tpu.vector_load %arg10[%get3A_192, %get3A_193] {strides = array<i32>} : memref<320x32xf32, #tpu.memory_space<vmem>>, vector<1x16xf32>,
        %get3A_195 = vector.shape_cast %get3A_194 : vector<1x16xf32> to vector<16xf32>
        %max3A_196 = arith.maximumf %get3A_191, %get3A_195 : vector<16xf32>
        %swap3A_197 = arith.index_cast %squeeze3A_82 : i32 to index
        %swap3A_198 = arith.constant 16 : index
        %swap3A_199 = tpu.vector_load %arg13[%swap3A_197, %swap3A_198] {strides = array<i32>} : memref<64x32xf32, #tpu.memory_space<vmem>>, vector<1x16xf32>,
        %swap3A_200 = vector.shape_cast %swap3A_199 : vector<1x16xf32> to vector<16xf32>
        %swap3A_201 = vector.shape_cast %max3A_196 : vector<16xf32> to vector<1x16xf32>
        tpu.vector_store %arg13[%swap3A_197, %swap3A_198], %swap3A_201 {strides = array<i32>} : memref<64x32xf32, #tpu.memory_space<vmem>>, vector<1x16xf32>,
      } else {
      }
      %slice3A_88 = vector.extract_strided_slice %get3A_64 {offsets = [4], sizes = [1], strides = [1]} : vector<16xi32> to vector<1xi32>
      %squeeze3A_89 = vector.extract %slice3A_88[0] : i32 from vector<1xi32>
      %ge3A_90 = arith.constant 0 : i32
      %ge3A_91 = arith.cmpi sge, %squeeze3A_89, %ge3A_90 : i32
      %convert_element_type3A_92 = arith.extui %ge3A_91 : i1 to i32
      %cond3A_93 = arith.constant 0 : i32
      %cond3A_94 = arith.cmpi ne, %convert_element_type3A_92, %cond3A_93 : i32
      scf.if %cond3A_94 {
        %mul3A_172 = arith.constant 16 : i32
        %mul3A_173 = arith.muli %scan3A_60, %mul3A_172 : i32
        %add3A_174 = arith.constant 4 : i32
        %add3A_175 = arith.addi %mul3A_173, %add3A_174 : i32
        %get3A_176 = arith.index_cast %squeeze3A_89 : i32 to index
        %get3A_177 = arith.constant 0 : index
        %get3A_178 = tpu.vector_load %arg13[%get3A_176, %get3A_177] {strides = array<i32>} : memref<64x32xf32, #tpu.memory_space<vmem>>, vector<1x16xf32>,
        %get3A_179 = vector.shape_cast %get3A_178 : vector<1x16xf32> to vector<16xf32>
        %get3A_180 = arith.index_cast %add3A_175 : i32 to index
        %get3A_181 = arith.constant 0 : index
        %get3A_182 = tpu.vector_load %arg10[%get3A_180, %get3A_181] {strides = array<i32>} : memref<320x32xf32, #tpu.memory_space<vmem>>, vector<1x16xf32>,
        %get3A_183 = vector.shape_cast %get3A_182 : vector<1x16xf32> to vector<16xf32>
        %max3A = arith.maximumf %get3A_179, %get3A_183 : vector<16xf32>
        %swap3A = arith.index_cast %squeeze3A_89 : i32 to index
        %swap3A_184 = arith.constant 0 : index
        %swap3A_185 = tpu.vector_load %arg13[%swap3A, %swap3A_184] {strides = array<i32>} : memref<64x32xf32, #tpu.memory_space<vmem>>, vector<1x16xf32>,
        %swap3A_186 = vector.shape_cast %swap3A_185 : vector<1x16xf32> to vector<16xf32>
        %swap3A_187 = vector.shape_cast %max3A : vector<16xf32> to vector<1x16xf32>
        tpu.vector_store %arg13[%swap3A, %swap3A_184], %swap3A_187 {strides = array<i32>} : memref<64x32xf32, #tpu.memory_space<vmem>>, vector<1x16xf32>,
        %get3A_188 = arith.index_cast %squeeze3A_89 : i32 to index
        %get3A_189 = arith.constant 16 : index
        %get3A_190 = tpu.vector_load %arg13[%get3A_188, %get3A_189] {strides = array<i32>} : memref<64x32xf32, #tpu.memory_space<vmem>>, vector<1x16xf32>,
        %get3A_191 = vector.shape_cast %get3A_190 : vector<1x16xf32> to vector<16xf32>
        %get3A_192 = arith.index_cast %add3A_175 : i32 to index
        %get3A_193 = arith.constant 16 : index
        %get3A_194 = tpu.vector_load %arg10[%get3A_192, %get3A_193] {strides = array<i32>} : memref<320x32xf32, #tpu.memory_space<vmem>>, vector<1x16xf32>,
        %get3A_195 = vector.shape_cast %get3A_194 : vector<1x16xf32> to vector<16xf32>
        %max3A_196 = arith.maximumf %get3A_191, %get3A_195 : vector<16xf32>
        %swap3A_197 = arith.index_cast %squeeze3A_89 : i32 to index
        %swap3A_198 = arith.constant 16 : index
        %swap3A_199 = tpu.vector_load %arg13[%swap3A_197, %swap3A_198] {strides = array<i32>} : memref<64x32xf32, #tpu.memory_space<vmem>>, vector<1x16xf32>,
        %swap3A_200 = vector.shape_cast %swap3A_199 : vector<1x16xf32> to vector<16xf32>
        %swap3A_201 = vector.shape_cast %max3A_196 : vector<16xf32> to vector<1x16xf32>
        tpu.vector_store %arg13[%swap3A_197, %swap3A_198], %swap3A_201 {strides = array<i32>} : memref<64x32xf32, #tpu.memory_space<vmem>>, vector<1x16xf32>,
      } else {
      }
      %slice3A_95 = vector.extract_strided_slice %get3A_64 {offsets = [5], sizes = [1], strides = [1]} : vector<16xi32> to vector<1xi32>
      %squeeze3A_96 = vector.extract %slice3A_95[0] : i32 from vector<1xi32>
      %ge3A_97 = arith.constant 0 : i32
      %ge3A_98 = arith.cmpi sge, %squeeze3A_96, %ge3A_97 : i32
      %convert_element_type3A_99 = arith.extui %ge3A_98 : i1 to i32
      %cond3A_100 = arith.constant 0 : i32
      %cond3A_101 = arith.cmpi ne, %convert_element_type3A_99, %cond3A_100 : i32
      scf.if %cond3A_101 {
        %mul3A_172 = arith.constant 16 : i32
        %mul3A_173 = arith.muli %scan3A_60, %mul3A_172 : i32
        %add3A_174 = arith.constant 5 : i32
        %add3A_175 = arith.addi %mul3A_173, %add3A_174 : i32
        %get3A_176 = arith.index_cast %squeeze3A_96 : i32 to index
        %get3A_177 = arith.constant 0 : index
        %get3A_178 = tpu.vector_load %arg13[%get3A_176, %get3A_177] {strides = array<i32>} : memref<64x32xf32, #tpu.memory_space<vmem>>, vector<1x16xf32>,
        %get3A_179 = vector.shape_cast %get3A_178 : vector<1x16xf32> to vector<16xf32>
        %get3A_180 = arith.index_cast %add3A_175 : i32 to index
        %get3A_181 = arith.constant 0 : index
        %get3A_182 = tpu.vector_load %arg10[%get3A_180, %get3A_181] {strides = array<i32>} : memref<320x32xf32, #tpu.memory_space<vmem>>, vector<1x16xf32>,
        %get3A_183 = vector.shape_cast %get3A_182 : vector<1x16xf32> to vector<16xf32>
        %max3A = arith.maximumf %get3A_179, %get3A_183 : vector<16xf32>
        %swap3A = arith.index_cast %squeeze3A_96 : i32 to index
        %swap3A_184 = arith.constant 0 : index
        %swap3A_185 = tpu.vector_load %arg13[%swap3A, %swap3A_184] {strides = array<i32>} : memref<64x32xf32, #tpu.memory_space<vmem>>, vector<1x16xf32>,
        %swap3A_186 = vector.shape_cast %swap3A_185 : vector<1x16xf32> to vector<16xf32>
        %swap3A_187 = vector.shape_cast %max3A : vector<16xf32> to vector<1x16xf32>
        tpu.vector_store %arg13[%swap3A, %swap3A_184], %swap3A_187 {strides = array<i32>} : memref<64x32xf32, #tpu.memory_space<vmem>>, vector<1x16xf32>,
        %get3A_188 = arith.index_cast %squeeze3A_96 : i32 to index
        %get3A_189 = arith.constant 16 : index
        %get3A_190 = tpu.vector_load %arg13[%get3A_188, %get3A_189] {strides = array<i32>} : memref<64x32xf32, #tpu.memory_space<vmem>>, vector<1x16xf32>,
        %get3A_191 = vector.shape_cast %get3A_190 : vector<1x16xf32> to vector<16xf32>
        %get3A_192 = arith.index_cast %add3A_175 : i32 to index
        %get3A_193 = arith.constant 16 : index
        %get3A_194 = tpu.vector_load %arg10[%get3A_192, %get3A_193] {strides = array<i32>} : memref<320x32xf32, #tpu.memory_space<vmem>>, vector<1x16xf32>,
        %get3A_195 = vector.shape_cast %get3A_194 : vector<1x16xf32> to vector<16xf32>
        %max3A_196 = arith.maximumf %get3A_191, %get3A_195 : vector<16xf32>
        %swap3A_197 = arith.index_cast %squeeze3A_96 : i32 to index
        %swap3A_198 = arith.constant 16 : index
        %swap3A_199 = tpu.vector_load %arg13[%swap3A_197, %swap3A_198] {strides = array<i32>} : memref<64x32xf32, #tpu.memory_space<vmem>>, vector<1x16xf32>,
        %swap3A_200 = vector.shape_cast %swap3A_199 : vector<1x16xf32> to vector<16xf32>
        %swap3A_201 = vector.shape_cast %max3A_196 : vector<16xf32> to vector<1x16xf32>
        tpu.vector_store %arg13[%swap3A_197, %swap3A_198], %swap3A_201 {strides = array<i32>} : memref<64x32xf32, #tpu.memory_space<vmem>>, vector<1x16xf32>,
      } else {
      }
      %slice3A_102 = vector.extract_strided_slice %get3A_64 {offsets = [6], sizes = [1], strides = [1]} : vector<16xi32> to vector<1xi32>
      %squeeze3A_103 = vector.extract %slice3A_102[0] : i32 from vector<1xi32>
      %ge3A_104 = arith.constant 0 : i32
      %ge3A_105 = arith.cmpi sge, %squeeze3A_103, %ge3A_104 : i32
      %convert_element_type3A_106 = arith.extui %ge3A_105 : i1 to i32
      %cond3A_107 = arith.constant 0 : i32
      %cond3A_108 = arith.cmpi ne, %convert_element_type3A_106, %cond3A_107 : i32
      scf.if %cond3A_108 {
        %mul3A_172 = arith.constant 16 : i32
        %mul3A_173 = arith.muli %scan3A_60, %mul3A_172 : i32
        %add3A_174 = arith.constant 6 : i32
        %add3A_175 = arith.addi %mul3A_173, %add3A_174 : i32
        %get3A_176 = arith.index_cast %squeeze3A_103 : i32 to index
        %get3A_177 = arith.constant 0 : index
        %get3A_178 = tpu.vector_load %arg13[%get3A_176, %get3A_177] {strides = array<i32>} : memref<64x32xf32, #tpu.memory_space<vmem>>, vector<1x16xf32>,
        %get3A_179 = vector.shape_cast %get3A_178 : vector<1x16xf32> to vector<16xf32>
        %get3A_180 = arith.index_cast %add3A_175 : i32 to index
        %get3A_181 = arith.constant 0 : index
        %get3A_182 = tpu.vector_load %arg10[%get3A_180, %get3A_181] {strides = array<i32>} : memref<320x32xf32, #tpu.memory_space<vmem>>, vector<1x16xf32>,
        %get3A_183 = vector.shape_cast %get3A_182 : vector<1x16xf32> to vector<16xf32>
        %max3A = arith.maximumf %get3A_179, %get3A_183 : vector<16xf32>
        %swap3A = arith.index_cast %squeeze3A_103 : i32 to index
        %swap3A_184 = arith.constant 0 : index
        %swap3A_185 = tpu.vector_load %arg13[%swap3A, %swap3A_184] {strides = array<i32>} : memref<64x32xf32, #tpu.memory_space<vmem>>, vector<1x16xf32>,
        %swap3A_186 = vector.shape_cast %swap3A_185 : vector<1x16xf32> to vector<16xf32>
        %swap3A_187 = vector.shape_cast %max3A : vector<16xf32> to vector<1x16xf32>
        tpu.vector_store %arg13[%swap3A, %swap3A_184], %swap3A_187 {strides = array<i32>} : memref<64x32xf32, #tpu.memory_space<vmem>>, vector<1x16xf32>,
        %get3A_188 = arith.index_cast %squeeze3A_103 : i32 to index
        %get3A_189 = arith.constant 16 : index
        %get3A_190 = tpu.vector_load %arg13[%get3A_188, %get3A_189] {strides = array<i32>} : memref<64x32xf32, #tpu.memory_space<vmem>>, vector<1x16xf32>,
        %get3A_191 = vector.shape_cast %get3A_190 : vector<1x16xf32> to vector<16xf32>
        %get3A_192 = arith.index_cast %add3A_175 : i32 to index
        %get3A_193 = arith.constant 16 : index
        %get3A_194 = tpu.vector_load %arg10[%get3A_192, %get3A_193] {strides = array<i32>} : memref<320x32xf32, #tpu.memory_space<vmem>>, vector<1x16xf32>,
        %get3A_195 = vector.shape_cast %get3A_194 : vector<1x16xf32> to vector<16xf32>
        %max3A_196 = arith.maximumf %get3A_191, %get3A_195 : vector<16xf32>
        %swap3A_197 = arith.index_cast %squeeze3A_103 : i32 to index
        %swap3A_198 = arith.constant 16 : index
        %swap3A_199 = tpu.vector_load %arg13[%swap3A_197, %swap3A_198] {strides = array<i32>} : memref<64x32xf32, #tpu.memory_space<vmem>>, vector<1x16xf32>,
        %swap3A_200 = vector.shape_cast %swap3A_199 : vector<1x16xf32> to vector<16xf32>
        %swap3A_201 = vector.shape_cast %max3A_196 : vector<16xf32> to vector<1x16xf32>
        tpu.vector_store %arg13[%swap3A_197, %swap3A_198], %swap3A_201 {strides = array<i32>} : memref<64x32xf32, #tpu.memory_space<vmem>>, vector<1x16xf32>,
      } else {
      }
      %slice3A_109 = vector.extract_strided_slice %get3A_64 {offsets = [7], sizes = [1], strides = [1]} : vector<16xi32> to vector<1xi32>
      %squeeze3A_110 = vector.extract %slice3A_109[0] : i32 from vector<1xi32>
      %ge3A_111 = arith.constant 0 : i32
      %ge3A_112 = arith.cmpi sge, %squeeze3A_110, %ge3A_111 : i32
      %convert_element_type3A_113 = arith.extui %ge3A_112 : i1 to i32
      %cond3A_114 = arith.constant 0 : i32
      %cond3A_115 = arith.cmpi ne, %convert_element_type3A_113, %cond3A_114 : i32
      scf.if %cond3A_115 {
        %mul3A_172 = arith.constant 16 : i32
        %mul3A_173 = arith.muli %scan3A_60, %mul3A_172 : i32
        %add3A_174 = arith.constant 7 : i32
        %add3A_175 = arith.addi %mul3A_173, %add3A_174 : i32
        %get3A_176 = arith.index_cast %squeeze3A_110 : i32 to index
        %get3A_177 = arith.constant 0 : index
        %get3A_178 = tpu.vector_load %arg13[%get3A_176, %get3A_177] {strides = array<i32>} : memref<64x32xf32, #tpu.memory_space<vmem>>, vector<1x16xf32>,
        %get3A_179 = vector.shape_cast %get3A_178 : vector<1x16xf32> to vector<16xf32>
        %get3A_180 = arith.index_cast %add3A_175 : i32 to index
        %get3A_181 = arith.constant 0 : index
        %get3A_182 = tpu.vector_load %arg10[%get3A_180, %get3A_181] {strides = array<i32>} : memref<320x32xf32, #tpu.memory_space<vmem>>, vector<1x16xf32>,
        %get3A_183 = vector.shape_cast %get3A_182 : vector<1x16xf32> to vector<16xf32>
        %max3A = arith.maximumf %get3A_179, %get3A_183 : vector<16xf32>
        %swap3A = arith.index_cast %squeeze3A_110 : i32 to index
        %swap3A_184 = arith.constant 0 : index
        %swap3A_185 = tpu.vector_load %arg13[%swap3A, %swap3A_184] {strides = array<i32>} : memref<64x32xf32, #tpu.memory_space<vmem>>, vector<1x16xf32>,
        %swap3A_186 = vector.shape_cast %swap3A_185 : vector<1x16xf32> to vector<16xf32>
        %swap3A_187 = vector.shape_cast %max3A : vector<16xf32> to vector<1x16xf32>
        tpu.vector_store %arg13[%swap3A, %swap3A_184], %swap3A_187 {strides = array<i32>} : memref<64x32xf32, #tpu.memory_space<vmem>>, vector<1x16xf32>,
        %get3A_188 = arith.index_cast %squeeze3A_110 : i32 to index
        %get3A_189 = arith.constant 16 : index
        %get3A_190 = tpu.vector_load %arg13[%get3A_188, %get3A_189] {strides = array<i32>} : memref<64x32xf32, #tpu.memory_space<vmem>>, vector<1x16xf32>,
        %get3A_191 = vector.shape_cast %get3A_190 : vector<1x16xf32> to vector<16xf32>
        %get3A_192 = arith.index_cast %add3A_175 : i32 to index
        %get3A_193 = arith.constant 16 : index
        %get3A_194 = tpu.vector_load %arg10[%get3A_192, %get3A_193] {strides = array<i32>} : memref<320x32xf32, #tpu.memory_space<vmem>>, vector<1x16xf32>,
        %get3A_195 = vector.shape_cast %get3A_194 : vector<1x16xf32> to vector<16xf32>
        %max3A_196 = arith.maximumf %get3A_191, %get3A_195 : vector<16xf32>
        %swap3A_197 = arith.index_cast %squeeze3A_110 : i32 to index
        %swap3A_198 = arith.constant 16 : index
        %swap3A_199 = tpu.vector_load %arg13[%swap3A_197, %swap3A_198] {strides = array<i32>} : memref<64x32xf32, #tpu.memory_space<vmem>>, vector<1x16xf32>,
        %swap3A_200 = vector.shape_cast %swap3A_199 : vector<1x16xf32> to vector<16xf32>
        %swap3A_201 = vector.shape_cast %max3A_196 : vector<16xf32> to vector<1x16xf32>
        tpu.vector_store %arg13[%swap3A_197, %swap3A_198], %swap3A_201 {strides = array<i32>} : memref<64x32xf32, #tpu.memory_space<vmem>>, vector<1x16xf32>,
      } else {
      }
      %slice3A_116 = vector.extract_strided_slice %get3A_64 {offsets = [8], sizes = [1], strides = [1]} : vector<16xi32> to vector<1xi32>
      %squeeze3A_117 = vector.extract %slice3A_116[0] : i32 from vector<1xi32>
      %ge3A_118 = arith.constant 0 : i32
      %ge3A_119 = arith.cmpi sge, %squeeze3A_117, %ge3A_118 : i32
      %convert_element_type3A_120 = arith.extui %ge3A_119 : i1 to i32
      %cond3A_121 = arith.constant 0 : i32
      %cond3A_122 = arith.cmpi ne, %convert_element_type3A_120, %cond3A_121 : i32
      scf.if %cond3A_122 {
        %mul3A_172 = arith.constant 16 : i32
        %mul3A_173 = arith.muli %scan3A_60, %mul3A_172 : i32
        %add3A_174 = arith.constant 8 : i32
        %add3A_175 = arith.addi %mul3A_173, %add3A_174 : i32
        %get3A_176 = arith.index_cast %squeeze3A_117 : i32 to index
        %get3A_177 = arith.constant 0 : index
        %get3A_178 = tpu.vector_load %arg13[%get3A_176, %get3A_177] {strides = array<i32>} : memref<64x32xf32, #tpu.memory_space<vmem>>, vector<1x16xf32>,
        %get3A_179 = vector.shape_cast %get3A_178 : vector<1x16xf32> to vector<16xf32>
        %get3A_180 = arith.index_cast %add3A_175 : i32 to index
        %get3A_181 = arith.constant 0 : index
        %get3A_182 = tpu.vector_load %arg10[%get3A_180, %get3A_181] {strides = array<i32>} : memref<320x32xf32, #tpu.memory_space<vmem>>, vector<1x16xf32>,
        %get3A_183 = vector.shape_cast %get3A_182 : vector<1x16xf32> to vector<16xf32>
        %max3A = arith.maximumf %get3A_179, %get3A_183 : vector<16xf32>
        %swap3A = arith.index_cast %squeeze3A_117 : i32 to index
        %swap3A_184 = arith.constant 0 : index
        %swap3A_185 = tpu.vector_load %arg13[%swap3A, %swap3A_184] {strides = array<i32>} : memref<64x32xf32, #tpu.memory_space<vmem>>, vector<1x16xf32>,
        %swap3A_186 = vector.shape_cast %swap3A_185 : vector<1x16xf32> to vector<16xf32>
        %swap3A_187 = vector.shape_cast %max3A : vector<16xf32> to vector<1x16xf32>
        tpu.vector_store %arg13[%swap3A, %swap3A_184], %swap3A_187 {strides = array<i32>} : memref<64x32xf32, #tpu.memory_space<vmem>>, vector<1x16xf32>,
        %get3A_188 = arith.index_cast %squeeze3A_117 : i32 to index
        %get3A_189 = arith.constant 16 : index
        %get3A_190 = tpu.vector_load %arg13[%get3A_188, %get3A_189] {strides = array<i32>} : memref<64x32xf32, #tpu.memory_space<vmem>>, vector<1x16xf32>,
        %get3A_191 = vector.shape_cast %get3A_190 : vector<1x16xf32> to vector<16xf32>
        %get3A_192 = arith.index_cast %add3A_175 : i32 to index
        %get3A_193 = arith.constant 16 : index
        %get3A_194 = tpu.vector_load %arg10[%get3A_192, %get3A_193] {strides = array<i32>} : memref<320x32xf32, #tpu.memory_space<vmem>>, vector<1x16xf32>,
        %get3A_195 = vector.shape_cast %get3A_194 : vector<1x16xf32> to vector<16xf32>
        %max3A_196 = arith.maximumf %get3A_191, %get3A_195 : vector<16xf32>
        %swap3A_197 = arith.index_cast %squeeze3A_117 : i32 to index
        %swap3A_198 = arith.constant 16 : index
        %swap3A_199 = tpu.vector_load %arg13[%swap3A_197, %swap3A_198] {strides = array<i32>} : memref<64x32xf32, #tpu.memory_space<vmem>>, vector<1x16xf32>,
        %swap3A_200 = vector.shape_cast %swap3A_199 : vector<1x16xf32> to vector<16xf32>
        %swap3A_201 = vector.shape_cast %max3A_196 : vector<16xf32> to vector<1x16xf32>
        tpu.vector_store %arg13[%swap3A_197, %swap3A_198], %swap3A_201 {strides = array<i32>} : memref<64x32xf32, #tpu.memory_space<vmem>>, vector<1x16xf32>,
      } else {
      }
      %slice3A_123 = vector.extract_strided_slice %get3A_64 {offsets = [9], sizes = [1], strides = [1]} : vector<16xi32> to vector<1xi32>
      %squeeze3A_124 = vector.extract %slice3A_123[0] : i32 from vector<1xi32>
      %ge3A_125 = arith.constant 0 : i32
      %ge3A_126 = arith.cmpi sge, %squeeze3A_124, %ge3A_125 : i32
      %convert_element_type3A_127 = arith.extui %ge3A_126 : i1 to i32
      %cond3A_128 = arith.constant 0 : i32
      %cond3A_129 = arith.cmpi ne, %convert_element_type3A_127, %cond3A_128 : i32
      scf.if %cond3A_129 {
        %mul3A_172 = arith.constant 16 : i32
        %mul3A_173 = arith.muli %scan3A_60, %mul3A_172 : i32
        %add3A_174 = arith.constant 9 : i32
        %add3A_175 = arith.addi %mul3A_173, %add3A_174 : i32
        %get3A_176 = arith.index_cast %squeeze3A_124 : i32 to index
        %get3A_177 = arith.constant 0 : index
        %get3A_178 = tpu.vector_load %arg13[%get3A_176, %get3A_177] {strides = array<i32>} : memref<64x32xf32, #tpu.memory_space<vmem>>, vector<1x16xf32>,
        %get3A_179 = vector.shape_cast %get3A_178 : vector<1x16xf32> to vector<16xf32>
        %get3A_180 = arith.index_cast %add3A_175 : i32 to index
        %get3A_181 = arith.constant 0 : index
        %get3A_182 = tpu.vector_load %arg10[%get3A_180, %get3A_181] {strides = array<i32>} : memref<320x32xf32, #tpu.memory_space<vmem>>, vector<1x16xf32>,
        %get3A_183 = vector.shape_cast %get3A_182 : vector<1x16xf32> to vector<16xf32>
        %max3A = arith.maximumf %get3A_179, %get3A_183 : vector<16xf32>
        %swap3A = arith.index_cast %squeeze3A_124 : i32 to index
        %swap3A_184 = arith.constant 0 : index
        %swap3A_185 = tpu.vector_load %arg13[%swap3A, %swap3A_184] {strides = array<i32>} : memref<64x32xf32, #tpu.memory_space<vmem>>, vector<1x16xf32>,
        %swap3A_186 = vector.shape_cast %swap3A_185 : vector<1x16xf32> to vector<16xf32>
        %swap3A_187 = vector.shape_cast %max3A : vector<16xf32> to vector<1x16xf32>
        tpu.vector_store %arg13[%swap3A, %swap3A_184], %swap3A_187 {strides = array<i32>} : memref<64x32xf32, #tpu.memory_space<vmem>>, vector<1x16xf32>,
        %get3A_188 = arith.index_cast %squeeze3A_124 : i32 to index
        %get3A_189 = arith.constant 16 : index
        %get3A_190 = tpu.vector_load %arg13[%get3A_188, %get3A_189] {strides = array<i32>} : memref<64x32xf32, #tpu.memory_space<vmem>>, vector<1x16xf32>,
        %get3A_191 = vector.shape_cast %get3A_190 : vector<1x16xf32> to vector<16xf32>
        %get3A_192 = arith.index_cast %add3A_175 : i32 to index
        %get3A_193 = arith.constant 16 : index
        %get3A_194 = tpu.vector_load %arg10[%get3A_192, %get3A_193] {strides = array<i32>} : memref<320x32xf32, #tpu.memory_space<vmem>>, vector<1x16xf32>,
        %get3A_195 = vector.shape_cast %get3A_194 : vector<1x16xf32> to vector<16xf32>
        %max3A_196 = arith.maximumf %get3A_191, %get3A_195 : vector<16xf32>
        %swap3A_197 = arith.index_cast %squeeze3A_124 : i32 to index
        %swap3A_198 = arith.constant 16 : index
        %swap3A_199 = tpu.vector_load %arg13[%swap3A_197, %swap3A_198] {strides = array<i32>} : memref<64x32xf32, #tpu.memory_space<vmem>>, vector<1x16xf32>,
        %swap3A_200 = vector.shape_cast %swap3A_199 : vector<1x16xf32> to vector<16xf32>
        %swap3A_201 = vector.shape_cast %max3A_196 : vector<16xf32> to vector<1x16xf32>
        tpu.vector_store %arg13[%swap3A_197, %swap3A_198], %swap3A_201 {strides = array<i32>} : memref<64x32xf32, #tpu.memory_space<vmem>>, vector<1x16xf32>,
      } else {
      }
      %slice3A_130 = vector.extract_strided_slice %get3A_64 {offsets = [10], sizes = [1], strides = [1]} : vector<16xi32> to vector<1xi32>
      %squeeze3A_131 = vector.extract %slice3A_130[0] : i32 from vector<1xi32>
      %ge3A_132 = arith.constant 0 : i32
      %ge3A_133 = arith.cmpi sge, %squeeze3A_131, %ge3A_132 : i32
      %convert_element_type3A_134 = arith.extui %ge3A_133 : i1 to i32
      %cond3A_135 = arith.constant 0 : i32
      %cond3A_136 = arith.cmpi ne, %convert_element_type3A_134, %cond3A_135 : i32
      scf.if %cond3A_136 {
        %mul3A_172 = arith.constant 16 : i32
        %mul3A_173 = arith.muli %scan3A_60, %mul3A_172 : i32
        %add3A_174 = arith.constant 10 : i32
        %add3A_175 = arith.addi %mul3A_173, %add3A_174 : i32
        %get3A_176 = arith.index_cast %squeeze3A_131 : i32 to index
        %get3A_177 = arith.constant 0 : index
        %get3A_178 = tpu.vector_load %arg13[%get3A_176, %get3A_177] {strides = array<i32>} : memref<64x32xf32, #tpu.memory_space<vmem>>, vector<1x16xf32>,
        %get3A_179 = vector.shape_cast %get3A_178 : vector<1x16xf32> to vector<16xf32>
        %get3A_180 = arith.index_cast %add3A_175 : i32 to index
        %get3A_181 = arith.constant 0 : index
        %get3A_182 = tpu.vector_load %arg10[%get3A_180, %get3A_181] {strides = array<i32>} : memref<320x32xf32, #tpu.memory_space<vmem>>, vector<1x16xf32>,
        %get3A_183 = vector.shape_cast %get3A_182 : vector<1x16xf32> to vector<16xf32>
        %max3A = arith.maximumf %get3A_179, %get3A_183 : vector<16xf32>
        %swap3A = arith.index_cast %squeeze3A_131 : i32 to index
        %swap3A_184 = arith.constant 0 : index
        %swap3A_185 = tpu.vector_load %arg13[%swap3A, %swap3A_184] {strides = array<i32>} : memref<64x32xf32, #tpu.memory_space<vmem>>, vector<1x16xf32>,
        %swap3A_186 = vector.shape_cast %swap3A_185 : vector<1x16xf32> to vector<16xf32>
        %swap3A_187 = vector.shape_cast %max3A : vector<16xf32> to vector<1x16xf32>
        tpu.vector_store %arg13[%swap3A, %swap3A_184], %swap3A_187 {strides = array<i32>} : memref<64x32xf32, #tpu.memory_space<vmem>>, vector<1x16xf32>,
        %get3A_188 = arith.index_cast %squeeze3A_131 : i32 to index
        %get3A_189 = arith.constant 16 : index
        %get3A_190 = tpu.vector_load %arg13[%get3A_188, %get3A_189] {strides = array<i32>} : memref<64x32xf32, #tpu.memory_space<vmem>>, vector<1x16xf32>,
        %get3A_191 = vector.shape_cast %get3A_190 : vector<1x16xf32> to vector<16xf32>
        %get3A_192 = arith.index_cast %add3A_175 : i32 to index
        %get3A_193 = arith.constant 16 : index
        %get3A_194 = tpu.vector_load %arg10[%get3A_192, %get3A_193] {strides = array<i32>} : memref<320x32xf32, #tpu.memory_space<vmem>>, vector<1x16xf32>,
        %get3A_195 = vector.shape_cast %get3A_194 : vector<1x16xf32> to vector<16xf32>
        %max3A_196 = arith.maximumf %get3A_191, %get3A_195 : vector<16xf32>
        %swap3A_197 = arith.index_cast %squeeze3A_131 : i32 to index
        %swap3A_198 = arith.constant 16 : index
        %swap3A_199 = tpu.vector_load %arg13[%swap3A_197, %swap3A_198] {strides = array<i32>} : memref<64x32xf32, #tpu.memory_space<vmem>>, vector<1x16xf32>,
        %swap3A_200 = vector.shape_cast %swap3A_199 : vector<1x16xf32> to vector<16xf32>
        %swap3A_201 = vector.shape_cast %max3A_196 : vector<16xf32> to vector<1x16xf32>
        tpu.vector_store %arg13[%swap3A_197, %swap3A_198], %swap3A_201 {strides = array<i32>} : memref<64x32xf32, #tpu.memory_space<vmem>>, vector<1x16xf32>,
      } else {
      }
      %slice3A_137 = vector.extract_strided_slice %get3A_64 {offsets = [11], sizes = [1], strides = [1]} : vector<16xi32> to vector<1xi32>
      %squeeze3A_138 = vector.extract %slice3A_137[0] : i32 from vector<1xi32>
      %ge3A_139 = arith.constant 0 : i32
      %ge3A_140 = arith.cmpi sge, %squeeze3A_138, %ge3A_139 : i32
      %convert_element_type3A_141 = arith.extui %ge3A_140 : i1 to i32
      %cond3A_142 = arith.constant 0 : i32
      %cond3A_143 = arith.cmpi ne, %convert_element_type3A_141, %cond3A_142 : i32
      scf.if %cond3A_143 {
        %mul3A_172 = arith.constant 16 : i32
        %mul3A_173 = arith.muli %scan3A_60, %mul3A_172 : i32
        %add3A_174 = arith.constant 11 : i32
        %add3A_175 = arith.addi %mul3A_173, %add3A_174 : i32
        %get3A_176 = arith.index_cast %squeeze3A_138 : i32 to index
        %get3A_177 = arith.constant 0 : index
        %get3A_178 = tpu.vector_load %arg13[%get3A_176, %get3A_177] {strides = array<i32>} : memref<64x32xf32, #tpu.memory_space<vmem>>, vector<1x16xf32>,
        %get3A_179 = vector.shape_cast %get3A_178 : vector<1x16xf32> to vector<16xf32>
        %get3A_180 = arith.index_cast %add3A_175 : i32 to index
        %get3A_181 = arith.constant 0 : index
        %get3A_182 = tpu.vector_load %arg10[%get3A_180, %get3A_181] {strides = array<i32>} : memref<320x32xf32, #tpu.memory_space<vmem>>, vector<1x16xf32>,
        %get3A_183 = vector.shape_cast %get3A_182 : vector<1x16xf32> to vector<16xf32>
        %max3A = arith.maximumf %get3A_179, %get3A_183 : vector<16xf32>
        %swap3A = arith.index_cast %squeeze3A_138 : i32 to index
        %swap3A_184 = arith.constant 0 : index
        %swap3A_185 = tpu.vector_load %arg13[%swap3A, %swap3A_184] {strides = array<i32>} : memref<64x32xf32, #tpu.memory_space<vmem>>, vector<1x16xf32>,
        %swap3A_186 = vector.shape_cast %swap3A_185 : vector<1x16xf32> to vector<16xf32>
        %swap3A_187 = vector.shape_cast %max3A : vector<16xf32> to vector<1x16xf32>
        tpu.vector_store %arg13[%swap3A, %swap3A_184], %swap3A_187 {strides = array<i32>} : memref<64x32xf32, #tpu.memory_space<vmem>>, vector<1x16xf32>,
        %get3A_188 = arith.index_cast %squeeze3A_138 : i32 to index
        %get3A_189 = arith.constant 16 : index
        %get3A_190 = tpu.vector_load %arg13[%get3A_188, %get3A_189] {strides = array<i32>} : memref<64x32xf32, #tpu.memory_space<vmem>>, vector<1x16xf32>,
        %get3A_191 = vector.shape_cast %get3A_190 : vector<1x16xf32> to vector<16xf32>
        %get3A_192 = arith.index_cast %add3A_175 : i32 to index
        %get3A_193 = arith.constant 16 : index
        %get3A_194 = tpu.vector_load %arg10[%get3A_192, %get3A_193] {strides = array<i32>} : memref<320x32xf32, #tpu.memory_space<vmem>>, vector<1x16xf32>,
        %get3A_195 = vector.shape_cast %get3A_194 : vector<1x16xf32> to vector<16xf32>
        %max3A_196 = arith.maximumf %get3A_191, %get3A_195 : vector<16xf32>
        %swap3A_197 = arith.index_cast %squeeze3A_138 : i32 to index
        %swap3A_198 = arith.constant 16 : index
        %swap3A_199 = tpu.vector_load %arg13[%swap3A_197, %swap3A_198] {strides = array<i32>} : memref<64x32xf32, #tpu.memory_space<vmem>>, vector<1x16xf32>,
        %swap3A_200 = vector.shape_cast %swap3A_199 : vector<1x16xf32> to vector<16xf32>
        %swap3A_201 = vector.shape_cast %max3A_196 : vector<16xf32> to vector<1x16xf32>
        tpu.vector_store %arg13[%swap3A_197, %swap3A_198], %swap3A_201 {strides = array<i32>} : memref<64x32xf32, #tpu.memory_space<vmem>>, vector<1x16xf32>,
      } else {
      }
      %slice3A_144 = vector.extract_strided_slice %get3A_64 {offsets = [12], sizes = [1], strides = [1]} : vector<16xi32> to vector<1xi32>
      %squeeze3A_145 = vector.extract %slice3A_144[0] : i32 from vector<1xi32>
      %ge3A_146 = arith.constant 0 : i32
      %ge3A_147 = arith.cmpi sge, %squeeze3A_145, %ge3A_146 : i32
      %convert_element_type3A_148 = arith.extui %ge3A_147 : i1 to i32
      %cond3A_149 = arith.constant 0 : i32
      %cond3A_150 = arith.cmpi ne, %convert_element_type3A_148, %cond3A_149 : i32
      scf.if %cond3A_150 {
        %mul3A_172 = arith.constant 16 : i32
        %mul3A_173 = arith.muli %scan3A_60, %mul3A_172 : i32
        %add3A_174 = arith.constant 12 : i32
        %add3A_175 = arith.addi %mul3A_173, %add3A_174 : i32
        %get3A_176 = arith.index_cast %squeeze3A_145 : i32 to index
        %get3A_177 = arith.constant 0 : index
        %get3A_178 = tpu.vector_load %arg13[%get3A_176, %get3A_177] {strides = array<i32>} : memref<64x32xf32, #tpu.memory_space<vmem>>, vector<1x16xf32>,
        %get3A_179 = vector.shape_cast %get3A_178 : vector<1x16xf32> to vector<16xf32>
        %get3A_180 = arith.index_cast %add3A_175 : i32 to index
        %get3A_181 = arith.constant 0 : index
        %get3A_182 = tpu.vector_load %arg10[%get3A_180, %get3A_181] {strides = array<i32>} : memref<320x32xf32, #tpu.memory_space<vmem>>, vector<1x16xf32>,
        %get3A_183 = vector.shape_cast %get3A_182 : vector<1x16xf32> to vector<16xf32>
        %max3A = arith.maximumf %get3A_179, %get3A_183 : vector<16xf32>
        %swap3A = arith.index_cast %squeeze3A_145 : i32 to index
        %swap3A_184 = arith.constant 0 : index
        %swap3A_185 = tpu.vector_load %arg13[%swap3A, %swap3A_184] {strides = array<i32>} : memref<64x32xf32, #tpu.memory_space<vmem>>, vector<1x16xf32>,
        %swap3A_186 = vector.shape_cast %swap3A_185 : vector<1x16xf32> to vector<16xf32>
        %swap3A_187 = vector.shape_cast %max3A : vector<16xf32> to vector<1x16xf32>
        tpu.vector_store %arg13[%swap3A, %swap3A_184], %swap3A_187 {strides = array<i32>} : memref<64x32xf32, #tpu.memory_space<vmem>>, vector<1x16xf32>,
        %get3A_188 = arith.index_cast %squeeze3A_145 : i32 to index
        %get3A_189 = arith.constant 16 : index
        %get3A_190 = tpu.vector_load %arg13[%get3A_188, %get3A_189] {strides = array<i32>} : memref<64x32xf32, #tpu.memory_space<vmem>>, vector<1x16xf32>,
        %get3A_191 = vector.shape_cast %get3A_190 : vector<1x16xf32> to vector<16xf32>
        %get3A_192 = arith.index_cast %add3A_175 : i32 to index
        %get3A_193 = arith.constant 16 : index
        %get3A_194 = tpu.vector_load %arg10[%get3A_192, %get3A_193] {strides = array<i32>} : memref<320x32xf32, #tpu.memory_space<vmem>>, vector<1x16xf32>,
        %get3A_195 = vector.shape_cast %get3A_194 : vector<1x16xf32> to vector<16xf32>
        %max3A_196 = arith.maximumf %get3A_191, %get3A_195 : vector<16xf32>
        %swap3A_197 = arith.index_cast %squeeze3A_145 : i32 to index
        %swap3A_198 = arith.constant 16 : index
        %swap3A_199 = tpu.vector_load %arg13[%swap3A_197, %swap3A_198] {strides = array<i32>} : memref<64x32xf32, #tpu.memory_space<vmem>>, vector<1x16xf32>,
        %swap3A_200 = vector.shape_cast %swap3A_199 : vector<1x16xf32> to vector<16xf32>
        %swap3A_201 = vector.shape_cast %max3A_196 : vector<16xf32> to vector<1x16xf32>
        tpu.vector_store %arg13[%swap3A_197, %swap3A_198], %swap3A_201 {strides = array<i32>} : memref<64x32xf32, #tpu.memory_space<vmem>>, vector<1x16xf32>,
      } else {
      }
      %slice3A_151 = vector.extract_strided_slice %get3A_64 {offsets = [13], sizes = [1], strides = [1]} : vector<16xi32> to vector<1xi32>
      %squeeze3A_152 = vector.extract %slice3A_151[0] : i32 from vector<1xi32>
      %ge3A_153 = arith.constant 0 : i32
      %ge3A_154 = arith.cmpi sge, %squeeze3A_152, %ge3A_153 : i32
      %convert_element_type3A_155 = arith.extui %ge3A_154 : i1 to i32
      %cond3A_156 = arith.constant 0 : i32
      %cond3A_157 = arith.cmpi ne, %convert_element_type3A_155, %cond3A_156 : i32
      scf.if %cond3A_157 {
        %mul3A_172 = arith.constant 16 : i32
        %mul3A_173 = arith.muli %scan3A_60, %mul3A_172 : i32
        %add3A_174 = arith.constant 13 : i32
        %add3A_175 = arith.addi %mul3A_173, %add3A_174 : i32
        %get3A_176 = arith.index_cast %squeeze3A_152 : i32 to index
        %get3A_177 = arith.constant 0 : index
        %get3A_178 = tpu.vector_load %arg13[%get3A_176, %get3A_177] {strides = array<i32>} : memref<64x32xf32, #tpu.memory_space<vmem>>, vector<1x16xf32>,
        %get3A_179 = vector.shape_cast %get3A_178 : vector<1x16xf32> to vector<16xf32>
        %get3A_180 = arith.index_cast %add3A_175 : i32 to index
        %get3A_181 = arith.constant 0 : index
        %get3A_182 = tpu.vector_load %arg10[%get3A_180, %get3A_181] {strides = array<i32>} : memref<320x32xf32, #tpu.memory_space<vmem>>, vector<1x16xf32>,
        %get3A_183 = vector.shape_cast %get3A_182 : vector<1x16xf32> to vector<16xf32>
        %max3A = arith.maximumf %get3A_179, %get3A_183 : vector<16xf32>
        %swap3A = arith.index_cast %squeeze3A_152 : i32 to index
        %swap3A_184 = arith.constant 0 : index
        %swap3A_185 = tpu.vector_load %arg13[%swap3A, %swap3A_184] {strides = array<i32>} : memref<64x32xf32, #tpu.memory_space<vmem>>, vector<1x16xf32>,
        %swap3A_186 = vector.shape_cast %swap3A_185 : vector<1x16xf32> to vector<16xf32>
        %swap3A_187 = vector.shape_cast %max3A : vector<16xf32> to vector<1x16xf32>
        tpu.vector_store %arg13[%swap3A, %swap3A_184], %swap3A_187 {strides = array<i32>} : memref<64x32xf32, #tpu.memory_space<vmem>>, vector<1x16xf32>,
        %get3A_188 = arith.index_cast %squeeze3A_152 : i32 to index
        %get3A_189 = arith.constant 16 : index
        %get3A_190 = tpu.vector_load %arg13[%get3A_188, %get3A_189] {strides = array<i32>} : memref<64x32xf32, #tpu.memory_space<vmem>>, vector<1x16xf32>,
        %get3A_191 = vector.shape_cast %get3A_190 : vector<1x16xf32> to vector<16xf32>
        %get3A_192 = arith.index_cast %add3A_175 : i32 to index
        %get3A_193 = arith.constant 16 : index
        %get3A_194 = tpu.vector_load %arg10[%get3A_192, %get3A_193] {strides = array<i32>} : memref<320x32xf32, #tpu.memory_space<vmem>>, vector<1x16xf32>,
        %get3A_195 = vector.shape_cast %get3A_194 : vector<1x16xf32> to vector<16xf32>
        %max3A_196 = arith.maximumf %get3A_191, %get3A_195 : vector<16xf32>
        %swap3A_197 = arith.index_cast %squeeze3A_152 : i32 to index
        %swap3A_198 = arith.constant 16 : index
        %swap3A_199 = tpu.vector_load %arg13[%swap3A_197, %swap3A_198] {strides = array<i32>} : memref<64x32xf32, #tpu.memory_space<vmem>>, vector<1x16xf32>,
        %swap3A_200 = vector.shape_cast %swap3A_199 : vector<1x16xf32> to vector<16xf32>
        %swap3A_201 = vector.shape_cast %max3A_196 : vector<16xf32> to vector<1x16xf32>
        tpu.vector_store %arg13[%swap3A_197, %swap3A_198], %swap3A_201 {strides = array<i32>} : memref<64x32xf32, #tpu.memory_space<vmem>>, vector<1x16xf32>,
      } else {
      }
      %slice3A_158 = vector.extract_strided_slice %get3A_64 {offsets = [14], sizes = [1], strides = [1]} : vector<16xi32> to vector<1xi32>
      %squeeze3A_159 = vector.extract %slice3A_158[0] : i32 from vector<1xi32>
      %ge3A_160 = arith.constant 0 : i32
      %ge3A_161 = arith.cmpi sge, %squeeze3A_159, %ge3A_160 : i32
      %convert_element_type3A_162 = arith.extui %ge3A_161 : i1 to i32
      %cond3A_163 = arith.constant 0 : i32
      %cond3A_164 = arith.cmpi ne, %convert_element_type3A_162, %cond3A_163 : i32
      scf.if %cond3A_164 {
        %mul3A_172 = arith.constant 16 : i32
        %mul3A_173 = arith.muli %scan3A_60, %mul3A_172 : i32
        %add3A_174 = arith.constant 14 : i32
        %add3A_175 = arith.addi %mul3A_173, %add3A_174 : i32
        %get3A_176 = arith.index_cast %squeeze3A_159 : i32 to index
        %get3A_177 = arith.constant 0 : index
        %get3A_178 = tpu.vector_load %arg13[%get3A_176, %get3A_177] {strides = array<i32>} : memref<64x32xf32, #tpu.memory_space<vmem>>, vector<1x16xf32>,
        %get3A_179 = vector.shape_cast %get3A_178 : vector<1x16xf32> to vector<16xf32>
        %get3A_180 = arith.index_cast %add3A_175 : i32 to index
        %get3A_181 = arith.constant 0 : index
        %get3A_182 = tpu.vector_load %arg10[%get3A_180, %get3A_181] {strides = array<i32>} : memref<320x32xf32, #tpu.memory_space<vmem>>, vector<1x16xf32>,
        %get3A_183 = vector.shape_cast %get3A_182 : vector<1x16xf32> to vector<16xf32>
        %max3A = arith.maximumf %get3A_179, %get3A_183 : vector<16xf32>
        %swap3A = arith.index_cast %squeeze3A_159 : i32 to index
        %swap3A_184 = arith.constant 0 : index
        %swap3A_185 = tpu.vector_load %arg13[%swap3A, %swap3A_184] {strides = array<i32>} : memref<64x32xf32, #tpu.memory_space<vmem>>, vector<1x16xf32>,
        %swap3A_186 = vector.shape_cast %swap3A_185 : vector<1x16xf32> to vector<16xf32>
        %swap3A_187 = vector.shape_cast %max3A : vector<16xf32> to vector<1x16xf32>
        tpu.vector_store %arg13[%swap3A, %swap3A_184], %swap3A_187 {strides = array<i32>} : memref<64x32xf32, #tpu.memory_space<vmem>>, vector<1x16xf32>,
        %get3A_188 = arith.index_cast %squeeze3A_159 : i32 to index
        %get3A_189 = arith.constant 16 : index
        %get3A_190 = tpu.vector_load %arg13[%get3A_188, %get3A_189] {strides = array<i32>} : memref<64x32xf32, #tpu.memory_space<vmem>>, vector<1x16xf32>,
        %get3A_191 = vector.shape_cast %get3A_190 : vector<1x16xf32> to vector<16xf32>
        %get3A_192 = arith.index_cast %add3A_175 : i32 to index
        %get3A_193 = arith.constant 16 : index
        %get3A_194 = tpu.vector_load %arg10[%get3A_192, %get3A_193] {strides = array<i32>} : memref<320x32xf32, #tpu.memory_space<vmem>>, vector<1x16xf32>,
        %get3A_195 = vector.shape_cast %get3A_194 : vector<1x16xf32> to vector<16xf32>
        %max3A_196 = arith.maximumf %get3A_191, %get3A_195 : vector<16xf32>
        %swap3A_197 = arith.index_cast %squeeze3A_159 : i32 to index
        %swap3A_198 = arith.constant 16 : index
        %swap3A_199 = tpu.vector_load %arg13[%swap3A_197, %swap3A_198] {strides = array<i32>} : memref<64x32xf32, #tpu.memory_space<vmem>>, vector<1x16xf32>,
        %swap3A_200 = vector.shape_cast %swap3A_199 : vector<1x16xf32> to vector<16xf32>
        %swap3A_201 = vector.shape_cast %max3A_196 : vector<16xf32> to vector<1x16xf32>
        tpu.vector_store %arg13[%swap3A_197, %swap3A_198], %swap3A_201 {strides = array<i32>} : memref<64x32xf32, #tpu.memory_space<vmem>>, vector<1x16xf32>,
      } else {
      }
      %slice3A_165 = vector.extract_strided_slice %get3A_64 {offsets = [15], sizes = [1], strides = [1]} : vector<16xi32> to vector<1xi32>
      %squeeze3A_166 = vector.extract %slice3A_165[0] : i32 from vector<1xi32>
      %ge3A_167 = arith.constant 0 : i32
      %ge3A_168 = arith.cmpi sge, %squeeze3A_166, %ge3A_167 : i32
      %convert_element_type3A_169 = arith.extui %ge3A_168 : i1 to i32
      %cond3A_170 = arith.constant 0 : i32
      %cond3A_171 = arith.cmpi ne, %convert_element_type3A_169, %cond3A_170 : i32
      scf.if %cond3A_171 {
        %mul3A_172 = arith.constant 16 : i32
        %mul3A_173 = arith.muli %scan3A_60, %mul3A_172 : i32
        %add3A_174 = arith.constant 15 : i32
        %add3A_175 = arith.addi %mul3A_173, %add3A_174 : i32
        %get3A_176 = arith.index_cast %squeeze3A_166 : i32 to index
        %get3A_177 = arith.constant 0 : index
        %get3A_178 = tpu.vector_load %arg13[%get3A_176, %get3A_177] {strides = array<i32>} : memref<64x32xf32, #tpu.memory_space<vmem>>, vector<1x16xf32>,
        %get3A_179 = vector.shape_cast %get3A_178 : vector<1x16xf32> to vector<16xf32>
        %get3A_180 = arith.index_cast %add3A_175 : i32 to index
        %get3A_181 = arith.constant 0 : index
        %get3A_182 = tpu.vector_load %arg10[%get3A_180, %get3A_181] {strides = array<i32>} : memref<320x32xf32, #tpu.memory_space<vmem>>, vector<1x16xf32>,
        %get3A_183 = vector.shape_cast %get3A_182 : vector<1x16xf32> to vector<16xf32>
        %max3A = arith.maximumf %get3A_179, %get3A_183 : vector<16xf32>
        %swap3A = arith.index_cast %squeeze3A_166 : i32 to index
        %swap3A_184 = arith.constant 0 : index
        %swap3A_185 = tpu.vector_load %arg13[%swap3A, %swap3A_184] {strides = array<i32>} : memref<64x32xf32, #tpu.memory_space<vmem>>, vector<1x16xf32>,
        %swap3A_186 = vector.shape_cast %swap3A_185 : vector<1x16xf32> to vector<16xf32>
        %swap3A_187 = vector.shape_cast %max3A : vector<16xf32> to vector<1x16xf32>
        tpu.vector_store %arg13[%swap3A, %swap3A_184], %swap3A_187 {strides = array<i32>} : memref<64x32xf32, #tpu.memory_space<vmem>>, vector<1x16xf32>,
        %get3A_188 = arith.index_cast %squeeze3A_166 : i32 to index
        %get3A_189 = arith.constant 16 : index
        %get3A_190 = tpu.vector_load %arg13[%get3A_188, %get3A_189] {strides = array<i32>} : memref<64x32xf32, #tpu.memory_space<vmem>>, vector<1x16xf32>,
        %get3A_191 = vector.shape_cast %get3A_190 : vector<1x16xf32> to vector<16xf32>
        %get3A_192 = arith.index_cast %add3A_175 : i32 to index
        %get3A_193 = arith.constant 16 : index
        %get3A_194 = tpu.vector_load %arg10[%get3A_192, %get3A_193] {strides = array<i32>} : memref<320x32xf32, #tpu.memory_space<vmem>>, vector<1x16xf32>,
        %get3A_195 = vector.shape_cast %get3A_194 : vector<1x16xf32> to vector<16xf32>
        %max3A_196 = arith.maximumf %get3A_191, %get3A_195 : vector<16xf32>
        %swap3A_197 = arith.index_cast %squeeze3A_166 : i32 to index
        %swap3A_198 = arith.constant 16 : index
        %swap3A_199 = tpu.vector_load %arg13[%swap3A_197, %swap3A_198] {strides = array<i32>} : memref<64x32xf32, #tpu.memory_space<vmem>>, vector<1x16xf32>,
        %swap3A_200 = vector.shape_cast %swap3A_199 : vector<1x16xf32> to vector<16xf32>
        %swap3A_201 = vector.shape_cast %max3A_196 : vector<16xf32> to vector<1x16xf32>
        tpu.vector_store %arg13[%swap3A_197, %swap3A_198], %swap3A_201 {strides = array<i32>} : memref<64x32xf32, #tpu.memory_space<vmem>>, vector<1x16xf32>,
      } else {
      }
    }
    %scan3A_59 = arith.constant 20 : i32
    "tpu.region"() ({
      %run_scoped3A = tpu.sem_alloc : memref<!tpu.dma_semaphore, #tpu.memory_space<semaphore_mem>>
      %dma_start3A_60 = arith.constant 0 : i32
      %dma_start3A_61 = arith.constant 0 : i32
      %dma_start3A_62 = tpu.memref_slice %arg7[%add3A, %dma_start3A_60, %dma_start3A_61] : memref<32x64x32xf32, #tpu.memory_space<hbm>> -> memref<1x64x32xf32, #tpu.memory_space<hbm>>
      %dma_start3A_63 = tpu.memref_squeeze %dma_start3A_62 : memref<1x64x32xf32, #tpu.memory_space<hbm>> -> memref<64x32xf32, #tpu.memory_space<hbm>>
      %dma_start3A_64 = arith.constant 0 : i32
      %dma_start3A_65 = arith.constant 0 : i32
      %dma_start3A_66 = tpu.memref_slice %arg7[%add3A, %dma_start3A_64, %dma_start3A_65] : memref<32x64x32xf32, #tpu.memory_space<hbm>> -> memref<1x64x32xf32, #tpu.memory_space<hbm>>
      %dma_start3A_67 = tpu.memref_squeeze %dma_start3A_66 : memref<1x64x32xf32, #tpu.memory_space<hbm>> -> memref<64x32xf32, #tpu.memory_space<hbm>>
      tpu.enqueue_dma source(%arg13 : memref<64x32xf32, #tpu.memory_space<vmem>>) target(%dma_start3A_67 : memref<64x32xf32, #tpu.memory_space<hbm>>) target_semaphore(%run_scoped3A : memref<!tpu.dma_semaphore, #tpu.memory_space<semaphore_mem>>)
      %dma_wait3A_68 = arith.constant 0 : i32
      %dma_wait3A_69 = arith.constant 0 : i32
      %dma_wait3A_70 = tpu.memref_slice %arg7[%add3A, %dma_wait3A_68, %dma_wait3A_69] : memref<32x64x32xf32, #tpu.memory_space<hbm>> -> memref<1x64x32xf32, #tpu.memory_space<hbm>>
      %dma_wait3A_71 = tpu.memref_squeeze %dma_wait3A_70 : memref<1x64x32xf32, #tpu.memory_space<hbm>> -> memref<64x32xf32, #tpu.memory_space<hbm>>
      %dma_wait3A_72 = arith.constant 0 : i32
      %dma_wait3A_73 = arith.constant 0 : i32
      %dma_wait3A_74 = tpu.memref_slice %arg7[%add3A, %dma_wait3A_72, %dma_wait3A_73] : memref<32x64x32xf32, #tpu.memory_space<hbm>> -> memref<1x64x32xf32, #tpu.memory_space<hbm>>
      %dma_wait3A_75 = tpu.memref_squeeze %dma_wait3A_74 : memref<1x64x32xf32, #tpu.memory_space<hbm>> -> memref<64x32xf32, #tpu.memory_space<hbm>>
      tpu.wait_dma2 semaphore(%run_scoped3A : memref<!tpu.dma_semaphore, #tpu.memory_space<semaphore_mem>>) src(%arg13 : memref<64x32xf32, #tpu.memory_space<vmem>>) dst(%dma_wait3A_75 : memref<64x32xf32, #tpu.memory_space<hbm>>)
      tpu.yield
    }) : () -> ()
    return
  }
}

#map = affine_map<(d0, d1) -> (0, 0, 0, 0)>
#map1 = affine_map<(d0, d1) -> (0, 0)>
#map2 = affine_map<(d0, d1) -> (0, 0, 0)>
module attributes {stable_mosaic.version = 14 : i64} {
  func.func @_agg_body(%arg0: i32, %arg1: i32, %arg2: memref<2x32x80x125xi32, #tpu.memory_space<hbm>>, %arg3: memref<10240x32xf32, #tpu.memory_space<hbm>>, %arg4: memref<640x32xf32, #tpu.memory_space<hbm>>, %arg5: memref<2x10240x32xf32, #tpu.memory_space<hbm>>, %arg6: memref<80x125xi32, #tpu.memory_space<vmem>>, %arg7: memref<80x125xi32, #tpu.memory_space<vmem>>, %arg8: memref<125x32xf32, #tpu.memory_space<vmem>>, %arg9: memref<125x32xf32, #tpu.memory_space<vmem>>, %arg10: memref<125x32xf32, #tpu.memory_space<vmem>>, %arg11: memref<125x32xf32, #tpu.memory_space<vmem>>, %arg12: memref<125x32xf32, #tpu.memory_space<vmem>>, %arg13: memref<125x32xf32, #tpu.memory_space<vmem>>, %arg14: memref<125x32xf32, #tpu.memory_space<vmem>>, %arg15: memref<125x32xf32, #tpu.memory_space<vmem>>, %arg16: memref<125x32xf32, #tpu.memory_space<vmem>>, %arg17: memref<125x32xf32, #tpu.memory_space<vmem>>, %arg18: memref<!tpu.dma_semaphore, #tpu.memory_space<semaphore_mem>>, %arg19: memref<!tpu.dma_semaphore, #tpu.memory_space<semaphore_mem>>, %arg20: memref<!tpu.dma_semaphore, #tpu.memory_space<semaphore_mem>>, %arg21: memref<!tpu.dma_semaphore, #tpu.memory_space<semaphore_mem>>, %arg22: memref<!tpu.dma_semaphore, #tpu.memory_space<semaphore_mem>>, %arg23: memref<!tpu.dma_semaphore, #tpu.memory_space<semaphore_mem>>, %arg24: memref<!tpu.dma_semaphore, #tpu.memory_space<semaphore_mem>>, %arg25: memref<!tpu.dma_semaphore, #tpu.memory_space<semaphore_mem>>, %arg26: memref<!tpu.dma_semaphore, #tpu.memory_space<semaphore_mem>>, %arg27: memref<!tpu.dma_semaphore, #tpu.memory_space<semaphore_mem>>, %arg28: memref<!tpu.dma_semaphore, #tpu.memory_space<semaphore_mem>>, %arg29: memref<!tpu.dma_semaphore, #tpu.memory_space<semaphore_mem>>, %arg30: memref<!tpu.dma_semaphore, #tpu.memory_space<semaphore_mem>>, %arg31: memref<!tpu.dma_semaphore, #tpu.memory_space<semaphore_mem>>, %arg32: memref<!tpu.dma_semaphore, #tpu.memory_space<semaphore_mem>>, %arg33: memref<!tpu.dma_semaphore, #tpu.memory_space<semaphore_mem>>, %arg34: memref<!tpu.dma_semaphore, #tpu.memory_space<semaphore_mem>>, %arg35: memref<!tpu.dma_semaphore, #tpu.memory_space<semaphore_mem>>, %arg36: memref<!tpu.dma_semaphore, #tpu.memory_space<semaphore_mem>>, %arg37: memref<!tpu.dma_semaphore, #tpu.memory_space<semaphore_mem>>, %arg38: memref<10240x32xf32, #tpu.memory_space<vmem_shared>>) attributes {dimension_semantics = [#tpu.dimension_semantics<core_parallel>, #tpu.dimension_semantics<subcore_parallel>], iteration_bounds = array<i64: 2, 16>, scalar_prefetch = 0 : i64, scratch_operands = 33 : i64, tpu.core_type = #tpu.core_type<sc_vector_subcore>, window_params = [{transform_indices = #map}, {transform_indices = #map1}, {transform_indices = #map1}, {transform_indices = #map2}]} {
    %mul3A = arith.constant 16 : i32
    %mul3A_0 = arith.muli %arg0, %mul3A : i32
    %add3A = arith.addi %mul3A_0, %arg1 : i32
    %run_scoped3A = arith.constant 0 : i32
    "tpu.region"() ({
      %run_scoped3A_117 = tpu.sem_alloc : memref<!tpu.dma_semaphore, #tpu.memory_space<semaphore_mem>>
      %dma_start3A_118 = arith.constant 0 : i32
      %dma_start3A_119 = arith.constant 0 : i32
      %dma_start3A_120 = tpu.memref_slice %arg2[%run_scoped3A, %add3A, %dma_start3A_118, %dma_start3A_119] : memref<2x32x80x125xi32, #tpu.memory_space<hbm>> -> memref<1x1x80x125xi32, #tpu.memory_space<hbm>>
      %dma_start3A_121 = tpu.memref_squeeze %dma_start3A_120 : memref<1x1x80x125xi32, #tpu.memory_space<hbm>> -> memref<80x125xi32, #tpu.memory_space<hbm>>
      %dma_start3A_122 = arith.constant 0 : i32
      %dma_start3A_123 = arith.constant 0 : i32
      %dma_start3A_124 = tpu.memref_slice %arg2[%run_scoped3A, %add3A, %dma_start3A_122, %dma_start3A_123] : memref<2x32x80x125xi32, #tpu.memory_space<hbm>> -> memref<1x1x80x125xi32, #tpu.memory_space<hbm>>
      %dma_start3A_125 = tpu.memref_squeeze %dma_start3A_124 : memref<1x1x80x125xi32, #tpu.memory_space<hbm>> -> memref<80x125xi32, #tpu.memory_space<hbm>>
      tpu.enqueue_dma source(%dma_start3A_125 : memref<80x125xi32, #tpu.memory_space<hbm>>) target(%arg6 : memref<80x125xi32, #tpu.memory_space<vmem>>) target_semaphore(%run_scoped3A_117 : memref<!tpu.dma_semaphore, #tpu.memory_space<semaphore_mem>>)
      %dma_wait3A_126 = arith.constant 0 : i32
      %dma_wait3A_127 = arith.constant 0 : i32
      %dma_wait3A_128 = tpu.memref_slice %arg2[%run_scoped3A, %add3A, %dma_wait3A_126, %dma_wait3A_127] : memref<2x32x80x125xi32, #tpu.memory_space<hbm>> -> memref<1x1x80x125xi32, #tpu.memory_space<hbm>>
      %dma_wait3A_129 = tpu.memref_squeeze %dma_wait3A_128 : memref<1x1x80x125xi32, #tpu.memory_space<hbm>> -> memref<80x125xi32, #tpu.memory_space<hbm>>
      %dma_wait3A_130 = arith.constant 0 : i32
      %dma_wait3A_131 = arith.constant 0 : i32
      %dma_wait3A_132 = tpu.memref_slice %arg2[%run_scoped3A, %add3A, %dma_wait3A_130, %dma_wait3A_131] : memref<2x32x80x125xi32, #tpu.memory_space<hbm>> -> memref<1x1x80x125xi32, #tpu.memory_space<hbm>>
      %dma_wait3A_133 = tpu.memref_squeeze %dma_wait3A_132 : memref<1x1x80x125xi32, #tpu.memory_space<hbm>> -> memref<80x125xi32, #tpu.memory_space<hbm>>
      tpu.wait_dma2 semaphore(%run_scoped3A_117 : memref<!tpu.dma_semaphore, #tpu.memory_space<semaphore_mem>>) src(%dma_wait3A_133 : memref<80x125xi32, #tpu.memory_space<hbm>>) dst(%arg6 : memref<80x125xi32, #tpu.memory_space<vmem>>)
      tpu.yield
    }) : () -> ()
    %run_scoped3A_1 = arith.constant 1 : i32
    "tpu.region"() ({
      %run_scoped3A_117 = tpu.sem_alloc : memref<!tpu.dma_semaphore, #tpu.memory_space<semaphore_mem>>
      %dma_start3A_118 = arith.constant 0 : i32
      %dma_start3A_119 = arith.constant 0 : i32
      %dma_start3A_120 = tpu.memref_slice %arg2[%run_scoped3A_1, %add3A, %dma_start3A_118, %dma_start3A_119] : memref<2x32x80x125xi32, #tpu.memory_space<hbm>> -> memref<1x1x80x125xi32, #tpu.memory_space<hbm>>
      %dma_start3A_121 = tpu.memref_squeeze %dma_start3A_120 : memref<1x1x80x125xi32, #tpu.memory_space<hbm>> -> memref<80x125xi32, #tpu.memory_space<hbm>>
      %dma_start3A_122 = arith.constant 0 : i32
      %dma_start3A_123 = arith.constant 0 : i32
      %dma_start3A_124 = tpu.memref_slice %arg2[%run_scoped3A_1, %add3A, %dma_start3A_122, %dma_start3A_123] : memref<2x32x80x125xi32, #tpu.memory_space<hbm>> -> memref<1x1x80x125xi32, #tpu.memory_space<hbm>>
      %dma_start3A_125 = tpu.memref_squeeze %dma_start3A_124 : memref<1x1x80x125xi32, #tpu.memory_space<hbm>> -> memref<80x125xi32, #tpu.memory_space<hbm>>
      tpu.enqueue_dma source(%dma_start3A_125 : memref<80x125xi32, #tpu.memory_space<hbm>>) target(%arg7 : memref<80x125xi32, #tpu.memory_space<vmem>>) target_semaphore(%run_scoped3A_117 : memref<!tpu.dma_semaphore, #tpu.memory_space<semaphore_mem>>)
      %dma_wait3A_126 = arith.constant 0 : i32
      %dma_wait3A_127 = arith.constant 0 : i32
      %dma_wait3A_128 = tpu.memref_slice %arg2[%run_scoped3A_1, %add3A, %dma_wait3A_126, %dma_wait3A_127] : memref<2x32x80x125xi32, #tpu.memory_space<hbm>> -> memref<1x1x80x125xi32, #tpu.memory_space<hbm>>
      %dma_wait3A_129 = tpu.memref_squeeze %dma_wait3A_128 : memref<1x1x80x125xi32, #tpu.memory_space<hbm>> -> memref<80x125xi32, #tpu.memory_space<hbm>>
      %dma_wait3A_130 = arith.constant 0 : i32
      %dma_wait3A_131 = arith.constant 0 : i32
      %dma_wait3A_132 = tpu.memref_slice %arg2[%run_scoped3A_1, %add3A, %dma_wait3A_130, %dma_wait3A_131] : memref<2x32x80x125xi32, #tpu.memory_space<hbm>> -> memref<1x1x80x125xi32, #tpu.memory_space<hbm>>
      %dma_wait3A_133 = tpu.memref_squeeze %dma_wait3A_132 : memref<1x1x80x125xi32, #tpu.memory_space<hbm>> -> memref<80x125xi32, #tpu.memory_space<hbm>>
      tpu.wait_dma2 semaphore(%run_scoped3A_117 : memref<!tpu.dma_semaphore, #tpu.memory_space<semaphore_mem>>) src(%dma_wait3A_133 : memref<80x125xi32, #tpu.memory_space<hbm>>) dst(%arg7 : memref<80x125xi32, #tpu.memory_space<vmem>>)
      tpu.yield
    }) : () -> ()
    %mul3A_2 = arith.constant 640 : i32
    %mul3A_3 = arith.muli %arg1, %mul3A_2 : i32
    "tpu.region"() ({
      %run_scoped3A_117 = tpu.sem_alloc : memref<!tpu.dma_semaphore, #tpu.memory_space<semaphore_mem>>
      %dma_start3A_118 = arith.constant 0 : i32
      %dma_start3A_119 = tpu.memref_slice %arg38[%mul3A_3, %dma_start3A_118] : memref<10240x32xf32, #tpu.memory_space<vmem_shared>> -> memref<640x32xf32, #tpu.memory_space<vmem_shared>>
      tpu.enqueue_dma source(%arg4 : memref<640x32xf32, #tpu.memory_space<hbm>>) target(%dma_start3A_119 : memref<640x32xf32, #tpu.memory_space<vmem_shared>>) target_semaphore(%run_scoped3A_117 : memref<!tpu.dma_semaphore, #tpu.memory_space<semaphore_mem>>)
      %dma_wait3A_120 = arith.constant 0 : i32
      %dma_wait3A_121 = tpu.memref_slice %arg38[%mul3A_3, %dma_wait3A_120] : memref<10240x32xf32, #tpu.memory_space<vmem_shared>> -> memref<640x32xf32, #tpu.memory_space<vmem_shared>>
      tpu.wait_dma2 semaphore(%run_scoped3A_117 : memref<!tpu.dma_semaphore, #tpu.memory_space<semaphore_mem>>) src(%arg4 : memref<640x32xf32, #tpu.memory_space<hbm>>) dst(%dma_wait3A_121 : memref<640x32xf32, #tpu.memory_space<vmem_shared>>)
      tpu.yield
    }) : () -> ()
    %barrier3A = arith.constant 0 : index
    tpu.barrier barrier_id(%barrier3A)
    %dma_start3A = arith.constant 0 : i32
    %dma_start3A_4 = arith.constant 0 : i32
    %dma_start3A_5 = tpu.memref_slice %arg6[%dma_start3A, %dma_start3A_4] : memref<80x125xi32, #tpu.memory_space<vmem>> -> memref<1x125xi32, #tpu.memory_space<vmem>>
    %dma_start3A_6 = tpu.memref_squeeze %dma_start3A_5 : memref<1x125xi32, #tpu.memory_space<vmem>> -> memref<125xi32, #tpu.memory_space<vmem>>
    %dma_start3A_7 = arith.constant 0 : i32
    %dma_start3A_8 = arith.constant 0 : i32
    %dma_start3A_9 = tpu.memref_slice %arg3[%dma_start3A_7, %dma_start3A_8] : memref<10240x32xf32, #tpu.memory_space<hbm>> -> memref<10240x32xf32, #tpu.memory_space<hbm>>
    tpu.enqueue_indirect_dma source(%dma_start3A_9 : memref<10240x32xf32, #tpu.memory_space<hbm>>) target(%arg8 : memref<125x32xf32, #tpu.memory_space<vmem>>) offsets(%dma_start3A_6 : memref<125xi32, #tpu.memory_space<vmem>>) semaphore(%arg18 : memref<!tpu.dma_semaphore, #tpu.memory_space<semaphore_mem>>)
    %dma_start3A_10 = arith.constant 1 : i32
    %dma_start3A_11 = arith.constant 0 : i32
    %dma_start3A_12 = tpu.memref_slice %arg6[%dma_start3A_10, %dma_start3A_11] : memref<80x125xi32, #tpu.memory_space<vmem>> -> memref<1x125xi32, #tpu.memory_space<vmem>>
    %dma_start3A_13 = tpu.memref_squeeze %dma_start3A_12 : memref<1x125xi32, #tpu.memory_space<vmem>> -> memref<125xi32, #tpu.memory_space<vmem>>
    %dma_start3A_14 = arith.constant 0 : i32
    %dma_start3A_15 = arith.constant 0 : i32
    %dma_start3A_16 = tpu.memref_slice %arg3[%dma_start3A_14, %dma_start3A_15] : memref<10240x32xf32, #tpu.memory_space<hbm>> -> memref<10240x32xf32, #tpu.memory_space<hbm>>
    tpu.enqueue_indirect_dma source(%dma_start3A_16 : memref<10240x32xf32, #tpu.memory_space<hbm>>) target(%arg9 : memref<125x32xf32, #tpu.memory_space<vmem>>) offsets(%dma_start3A_13 : memref<125xi32, #tpu.memory_space<vmem>>) semaphore(%arg19 : memref<!tpu.dma_semaphore, #tpu.memory_space<semaphore_mem>>)
    %dma_start3A_17 = arith.constant 2 : i32
    %dma_start3A_18 = arith.constant 0 : i32
    %dma_start3A_19 = tpu.memref_slice %arg6[%dma_start3A_17, %dma_start3A_18] : memref<80x125xi32, #tpu.memory_space<vmem>> -> memref<1x125xi32, #tpu.memory_space<vmem>>
    %dma_start3A_20 = tpu.memref_squeeze %dma_start3A_19 : memref<1x125xi32, #tpu.memory_space<vmem>> -> memref<125xi32, #tpu.memory_space<vmem>>
    %dma_start3A_21 = arith.constant 0 : i32
    %dma_start3A_22 = arith.constant 0 : i32
    %dma_start3A_23 = tpu.memref_slice %arg3[%dma_start3A_21, %dma_start3A_22] : memref<10240x32xf32, #tpu.memory_space<hbm>> -> memref<10240x32xf32, #tpu.memory_space<hbm>>
    tpu.enqueue_indirect_dma source(%dma_start3A_23 : memref<10240x32xf32, #tpu.memory_space<hbm>>) target(%arg10 : memref<125x32xf32, #tpu.memory_space<vmem>>) offsets(%dma_start3A_20 : memref<125xi32, #tpu.memory_space<vmem>>) semaphore(%arg20 : memref<!tpu.dma_semaphore, #tpu.memory_space<semaphore_mem>>)
    %dma_start3A_24 = arith.constant 3 : i32
    %dma_start3A_25 = arith.constant 0 : i32
    %dma_start3A_26 = tpu.memref_slice %arg6[%dma_start3A_24, %dma_start3A_25] : memref<80x125xi32, #tpu.memory_space<vmem>> -> memref<1x125xi32, #tpu.memory_space<vmem>>
    %dma_start3A_27 = tpu.memref_squeeze %dma_start3A_26 : memref<1x125xi32, #tpu.memory_space<vmem>> -> memref<125xi32, #tpu.memory_space<vmem>>
    %dma_start3A_28 = arith.constant 0 : i32
    %dma_start3A_29 = arith.constant 0 : i32
    %dma_start3A_30 = tpu.memref_slice %arg3[%dma_start3A_28, %dma_start3A_29] : memref<10240x32xf32, #tpu.memory_space<hbm>> -> memref<10240x32xf32, #tpu.memory_space<hbm>>
    tpu.enqueue_indirect_dma source(%dma_start3A_30 : memref<10240x32xf32, #tpu.memory_space<hbm>>) target(%arg11 : memref<125x32xf32, #tpu.memory_space<vmem>>) offsets(%dma_start3A_27 : memref<125xi32, #tpu.memory_space<vmem>>) semaphore(%arg21 : memref<!tpu.dma_semaphore, #tpu.memory_space<semaphore_mem>>)
    %dma_start3A_31 = arith.constant 4 : i32
    %dma_start3A_32 = arith.constant 0 : i32
    %dma_start3A_33 = tpu.memref_slice %arg6[%dma_start3A_31, %dma_start3A_32] : memref<80x125xi32, #tpu.memory_space<vmem>> -> memref<1x125xi32, #tpu.memory_space<vmem>>
    %dma_start3A_34 = tpu.memref_squeeze %dma_start3A_33 : memref<1x125xi32, #tpu.memory_space<vmem>> -> memref<125xi32, #tpu.memory_space<vmem>>
    %dma_start3A_35 = arith.constant 0 : i32
    %dma_start3A_36 = arith.constant 0 : i32
    %dma_start3A_37 = tpu.memref_slice %arg3[%dma_start3A_35, %dma_start3A_36] : memref<10240x32xf32, #tpu.memory_space<hbm>> -> memref<10240x32xf32, #tpu.memory_space<hbm>>
    tpu.enqueue_indirect_dma source(%dma_start3A_37 : memref<10240x32xf32, #tpu.memory_space<hbm>>) target(%arg12 : memref<125x32xf32, #tpu.memory_space<vmem>>) offsets(%dma_start3A_34 : memref<125xi32, #tpu.memory_space<vmem>>) semaphore(%arg22 : memref<!tpu.dma_semaphore, #tpu.memory_space<semaphore_mem>>)
    %scan3A = arith.constant 0 : i32
    %scan3A_38 = arith.constant 0 : i32
    %scan3A_39 = arith.constant 8 : i32
    %scan3A_40 = arith.addi %scan3A_38, %scan3A_39 : i32
    %scan3A_41 = arith.constant 1 : i32
    scf.for %scan3A_117 = %scan3A_38 to %scan3A_40 step %scan3A_41  : i32 {
      %mul3A_118 = arith.constant 10 : i32
      %mul3A_119 = arith.muli %mul3A_118, %scan3A_117 : i32
      %add3A_120 = arith.constant 0 : i32
      %add3A_121 = arith.addi %mul3A_119, %add3A_120 : i32
      %dma_wait3A_122 = arith.constant 0 : i32
      %dma_wait3A_123 = tpu.memref_slice %arg6[%add3A_121, %dma_wait3A_122] : memref<80x125xi32, #tpu.memory_space<vmem>> -> memref<1x125xi32, #tpu.memory_space<vmem>>
      %dma_wait3A_124 = tpu.memref_squeeze %dma_wait3A_123 : memref<1x125xi32, #tpu.memory_space<vmem>> -> memref<125xi32, #tpu.memory_space<vmem>>
      %dma_wait3A_125 = arith.constant 0 : i32
      %dma_wait3A_126 = arith.constant 0 : i32
      %dma_wait3A_127 = tpu.memref_slice %arg3[%dma_wait3A_125, %dma_wait3A_126] : memref<10240x32xf32, #tpu.memory_space<hbm>> -> memref<10240x32xf32, #tpu.memory_space<hbm>>
      tpu.wait_indirect_dma semaphore(%arg18 : memref<!tpu.dma_semaphore, #tpu.memory_space<semaphore_mem>>) src(%dma_wait3A_127 : memref<10240x32xf32, #tpu.memory_space<hbm>>) dst(%arg8 : memref<125x32xf32, #tpu.memory_space<vmem>>)
      %dma_start3A_128 = arith.constant 0 : i32
      %dma_start3A_129 = tpu.memref_slice %arg7[%add3A_121, %dma_start3A_128] : memref<80x125xi32, #tpu.memory_space<vmem>> -> memref<1x125xi32, #tpu.memory_space<vmem>>
      %dma_start3A_130 = tpu.memref_squeeze %dma_start3A_129 : memref<1x125xi32, #tpu.memory_space<vmem>> -> memref<125xi32, #tpu.memory_space<vmem>>
      %dma_start3A_131 = arith.constant 0 : i32
      %dma_start3A_132 = arith.constant 0 : i32
      %dma_start3A_133 = tpu.memref_slice %arg38[%dma_start3A_131, %dma_start3A_132] : memref<10240x32xf32, #tpu.memory_space<vmem_shared>> -> memref<10240x32xf32, #tpu.memory_space<vmem_shared>>
      tpu.enqueue_indirect_dma source(%arg8 : memref<125x32xf32, #tpu.memory_space<vmem>>) target(%dma_start3A_133 : memref<10240x32xf32, #tpu.memory_space<vmem_shared>>) offsets(%dma_start3A_130 : memref<125xi32, #tpu.memory_space<vmem>>) semaphore(%arg28 : memref<!tpu.dma_semaphore, #tpu.memory_space<semaphore_mem>>) {add = true}
      %add3A_134 = arith.constant 5 : i32
      %add3A_135 = arith.addi %add3A_121, %add3A_134 : i32
      %lt3A = arith.constant 80 : i32
      %lt3A_136 = arith.cmpi slt, %add3A_135, %lt3A : i32
      %ge3A = arith.constant 5 : i32
      %ge3A_137 = arith.cmpi sge, %add3A_121, %ge3A : i32
      %and3A = arith.andi %lt3A_136, %ge3A_137 : i1
      %convert_element_type3A = arith.extui %and3A : i1 to i32
      %cond3A = arith.constant 0 : i32
      %cond3A_138 = arith.cmpi ne, %convert_element_type3A, %cond3A : i32
      scf.if %cond3A_138 {
        %sub3A = arith.constant 5 : i32
        %sub3A_443 = arith.subi %add3A_121, %sub3A : i32
        %dma_wait3A_444 = arith.constant 0 : i32
        %dma_wait3A_445 = tpu.memref_slice %arg7[%sub3A_443, %dma_wait3A_444] : memref<80x125xi32, #tpu.memory_space<vmem>> -> memref<1x125xi32, #tpu.memory_space<vmem>>
        %dma_wait3A_446 = tpu.memref_squeeze %dma_wait3A_445 : memref<1x125xi32, #tpu.memory_space<vmem>> -> memref<125xi32, #tpu.memory_space<vmem>>
        %dma_wait3A_447 = arith.constant 0 : i32
        %dma_wait3A_448 = arith.constant 0 : i32
        %dma_wait3A_449 = tpu.memref_slice %arg38[%dma_wait3A_447, %dma_wait3A_448] : memref<10240x32xf32, #tpu.memory_space<vmem_shared>> -> memref<10240x32xf32, #tpu.memory_space<vmem_shared>>
        tpu.wait_indirect_dma semaphore(%arg33 : memref<!tpu.dma_semaphore, #tpu.memory_space<semaphore_mem>>) src(%arg13 : memref<125x32xf32, #tpu.memory_space<vmem>>) dst(%dma_wait3A_449 : memref<10240x32xf32, #tpu.memory_space<vmem_shared>>)
      } else {
      }
      %add3A_139 = arith.constant 5 : i32
      %add3A_140 = arith.addi %add3A_121, %add3A_139 : i32
      %lt3A_141 = arith.constant 80 : i32
      %lt3A_142 = arith.cmpi slt, %add3A_140, %lt3A_141 : i32
      %convert_element_type3A_143 = arith.extui %lt3A_142 : i1 to i32
      %cond3A_144 = arith.constant 0 : i32
      %cond3A_145 = arith.cmpi ne, %convert_element_type3A_143, %cond3A_144 : i32
      scf.if %cond3A_145 {
        %add3A_443 = arith.constant 5 : i32
        %add3A_444 = arith.addi %add3A_121, %add3A_443 : i32
        %dma_start3A_445 = arith.constant 0 : i32
        %dma_start3A_446 = tpu.memref_slice %arg6[%add3A_444, %dma_start3A_445] : memref<80x125xi32, #tpu.memory_space<vmem>> -> memref<1x125xi32, #tpu.memory_space<vmem>>
        %dma_start3A_447 = tpu.memref_squeeze %dma_start3A_446 : memref<1x125xi32, #tpu.memory_space<vmem>> -> memref<125xi32, #tpu.memory_space<vmem>>
        %dma_start3A_448 = arith.constant 0 : i32
        %dma_start3A_449 = arith.constant 0 : i32
        %dma_start3A_450 = tpu.memref_slice %arg3[%dma_start3A_448, %dma_start3A_449] : memref<10240x32xf32, #tpu.memory_space<hbm>> -> memref<10240x32xf32, #tpu.memory_space<hbm>>
        tpu.enqueue_indirect_dma source(%dma_start3A_450 : memref<10240x32xf32, #tpu.memory_space<hbm>>) target(%arg13 : memref<125x32xf32, #tpu.memory_space<vmem>>) offsets(%dma_start3A_447 : memref<125xi32, #tpu.memory_space<vmem>>) semaphore(%arg23 : memref<!tpu.dma_semaphore, #tpu.memory_space<semaphore_mem>>)
      } else {
      }
      %mul3A_146 = arith.constant 10 : i32
      %mul3A_147 = arith.muli %mul3A_146, %scan3A_117 : i32
      %add3A_148 = arith.constant 1 : i32
      %add3A_149 = arith.addi %mul3A_147, %add3A_148 : i32
      %dma_wait3A_150 = arith.constant 0 : i32
      %dma_wait3A_151 = tpu.memref_slice %arg6[%add3A_149, %dma_wait3A_150] : memref<80x125xi32, #tpu.memory_space<vmem>> -> memref<1x125xi32, #tpu.memory_space<vmem>>
      %dma_wait3A_152 = tpu.memref_squeeze %dma_wait3A_151 : memref<1x125xi32, #tpu.memory_space<vmem>> -> memref<125xi32, #tpu.memory_space<vmem>>
      %dma_wait3A_153 = arith.constant 0 : i32
      %dma_wait3A_154 = arith.constant 0 : i32
      %dma_wait3A_155 = tpu.memref_slice %arg3[%dma_wait3A_153, %dma_wait3A_154] : memref<10240x32xf32, #tpu.memory_space<hbm>> -> memref<10240x32xf32, #tpu.memory_space<hbm>>
      tpu.wait_indirect_dma semaphore(%arg19 : memref<!tpu.dma_semaphore, #tpu.memory_space<semaphore_mem>>) src(%dma_wait3A_155 : memref<10240x32xf32, #tpu.memory_space<hbm>>) dst(%arg9 : memref<125x32xf32, #tpu.memory_space<vmem>>)
      %dma_start3A_156 = arith.constant 0 : i32
      %dma_start3A_157 = tpu.memref_slice %arg7[%add3A_149, %dma_start3A_156] : memref<80x125xi32, #tpu.memory_space<vmem>> -> memref<1x125xi32, #tpu.memory_space<vmem>>
      %dma_start3A_158 = tpu.memref_squeeze %dma_start3A_157 : memref<1x125xi32, #tpu.memory_space<vmem>> -> memref<125xi32, #tpu.memory_space<vmem>>
      %dma_start3A_159 = arith.constant 0 : i32
      %dma_start3A_160 = arith.constant 0 : i32
      %dma_start3A_161 = tpu.memref_slice %arg38[%dma_start3A_159, %dma_start3A_160] : memref<10240x32xf32, #tpu.memory_space<vmem_shared>> -> memref<10240x32xf32, #tpu.memory_space<vmem_shared>>
      tpu.enqueue_indirect_dma source(%arg9 : memref<125x32xf32, #tpu.memory_space<vmem>>) target(%dma_start3A_161 : memref<10240x32xf32, #tpu.memory_space<vmem_shared>>) offsets(%dma_start3A_158 : memref<125xi32, #tpu.memory_space<vmem>>) semaphore(%arg29 : memref<!tpu.dma_semaphore, #tpu.memory_space<semaphore_mem>>) {add = true}
      %add3A_162 = arith.constant 5 : i32
      %add3A_163 = arith.addi %add3A_149, %add3A_162 : i32
      %lt3A_164 = arith.constant 80 : i32
      %lt3A_165 = arith.cmpi slt, %add3A_163, %lt3A_164 : i32
      %ge3A_166 = arith.constant 5 : i32
      %ge3A_167 = arith.cmpi sge, %add3A_149, %ge3A_166 : i32
      %and3A_168 = arith.andi %lt3A_165, %ge3A_167 : i1
      %convert_element_type3A_169 = arith.extui %and3A_168 : i1 to i32
      %cond3A_170 = arith.constant 0 : i32
      %cond3A_171 = arith.cmpi ne, %convert_element_type3A_169, %cond3A_170 : i32
      scf.if %cond3A_171 {
        %sub3A = arith.constant 5 : i32
        %sub3A_443 = arith.subi %add3A_149, %sub3A : i32
        %dma_wait3A_444 = arith.constant 0 : i32
        %dma_wait3A_445 = tpu.memref_slice %arg7[%sub3A_443, %dma_wait3A_444] : memref<80x125xi32, #tpu.memory_space<vmem>> -> memref<1x125xi32, #tpu.memory_space<vmem>>
        %dma_wait3A_446 = tpu.memref_squeeze %dma_wait3A_445 : memref<1x125xi32, #tpu.memory_space<vmem>> -> memref<125xi32, #tpu.memory_space<vmem>>
        %dma_wait3A_447 = arith.constant 0 : i32
        %dma_wait3A_448 = arith.constant 0 : i32
        %dma_wait3A_449 = tpu.memref_slice %arg38[%dma_wait3A_447, %dma_wait3A_448] : memref<10240x32xf32, #tpu.memory_space<vmem_shared>> -> memref<10240x32xf32, #tpu.memory_space<vmem_shared>>
        tpu.wait_indirect_dma semaphore(%arg34 : memref<!tpu.dma_semaphore, #tpu.memory_space<semaphore_mem>>) src(%arg14 : memref<125x32xf32, #tpu.memory_space<vmem>>) dst(%dma_wait3A_449 : memref<10240x32xf32, #tpu.memory_space<vmem_shared>>)
      } else {
      }
      %add3A_172 = arith.constant 5 : i32
      %add3A_173 = arith.addi %add3A_149, %add3A_172 : i32
      %lt3A_174 = arith.constant 80 : i32
      %lt3A_175 = arith.cmpi slt, %add3A_173, %lt3A_174 : i32
      %convert_element_type3A_176 = arith.extui %lt3A_175 : i1 to i32
      %cond3A_177 = arith.constant 0 : i32
      %cond3A_178 = arith.cmpi ne, %convert_element_type3A_176, %cond3A_177 : i32
      scf.if %cond3A_178 {
        %add3A_443 = arith.constant 5 : i32
        %add3A_444 = arith.addi %add3A_149, %add3A_443 : i32
        %dma_start3A_445 = arith.constant 0 : i32
        %dma_start3A_446 = tpu.memref_slice %arg6[%add3A_444, %dma_start3A_445] : memref<80x125xi32, #tpu.memory_space<vmem>> -> memref<1x125xi32, #tpu.memory_space<vmem>>
        %dma_start3A_447 = tpu.memref_squeeze %dma_start3A_446 : memref<1x125xi32, #tpu.memory_space<vmem>> -> memref<125xi32, #tpu.memory_space<vmem>>
        %dma_start3A_448 = arith.constant 0 : i32
        %dma_start3A_449 = arith.constant 0 : i32
        %dma_start3A_450 = tpu.memref_slice %arg3[%dma_start3A_448, %dma_start3A_449] : memref<10240x32xf32, #tpu.memory_space<hbm>> -> memref<10240x32xf32, #tpu.memory_space<hbm>>
        tpu.enqueue_indirect_dma source(%dma_start3A_450 : memref<10240x32xf32, #tpu.memory_space<hbm>>) target(%arg14 : memref<125x32xf32, #tpu.memory_space<vmem>>) offsets(%dma_start3A_447 : memref<125xi32, #tpu.memory_space<vmem>>) semaphore(%arg24 : memref<!tpu.dma_semaphore, #tpu.memory_space<semaphore_mem>>)
      } else {
      }
      %mul3A_179 = arith.constant 10 : i32
      %mul3A_180 = arith.muli %mul3A_179, %scan3A_117 : i32
      %add3A_181 = arith.constant 2 : i32
      %add3A_182 = arith.addi %mul3A_180, %add3A_181 : i32
      %dma_wait3A_183 = arith.constant 0 : i32
      %dma_wait3A_184 = tpu.memref_slice %arg6[%add3A_182, %dma_wait3A_183] : memref<80x125xi32, #tpu.memory_space<vmem>> -> memref<1x125xi32, #tpu.memory_space<vmem>>
      %dma_wait3A_185 = tpu.memref_squeeze %dma_wait3A_184 : memref<1x125xi32, #tpu.memory_space<vmem>> -> memref<125xi32, #tpu.memory_space<vmem>>
      %dma_wait3A_186 = arith.constant 0 : i32
      %dma_wait3A_187 = arith.constant 0 : i32
      %dma_wait3A_188 = tpu.memref_slice %arg3[%dma_wait3A_186, %dma_wait3A_187] : memref<10240x32xf32, #tpu.memory_space<hbm>> -> memref<10240x32xf32, #tpu.memory_space<hbm>>
      tpu.wait_indirect_dma semaphore(%arg20 : memref<!tpu.dma_semaphore, #tpu.memory_space<semaphore_mem>>) src(%dma_wait3A_188 : memref<10240x32xf32, #tpu.memory_space<hbm>>) dst(%arg10 : memref<125x32xf32, #tpu.memory_space<vmem>>)
      %dma_start3A_189 = arith.constant 0 : i32
      %dma_start3A_190 = tpu.memref_slice %arg7[%add3A_182, %dma_start3A_189] : memref<80x125xi32, #tpu.memory_space<vmem>> -> memref<1x125xi32, #tpu.memory_space<vmem>>
      %dma_start3A_191 = tpu.memref_squeeze %dma_start3A_190 : memref<1x125xi32, #tpu.memory_space<vmem>> -> memref<125xi32, #tpu.memory_space<vmem>>
      %dma_start3A_192 = arith.constant 0 : i32
      %dma_start3A_193 = arith.constant 0 : i32
      %dma_start3A_194 = tpu.memref_slice %arg38[%dma_start3A_192, %dma_start3A_193] : memref<10240x32xf32, #tpu.memory_space<vmem_shared>> -> memref<10240x32xf32, #tpu.memory_space<vmem_shared>>
      tpu.enqueue_indirect_dma source(%arg10 : memref<125x32xf32, #tpu.memory_space<vmem>>) target(%dma_start3A_194 : memref<10240x32xf32, #tpu.memory_space<vmem_shared>>) offsets(%dma_start3A_191 : memref<125xi32, #tpu.memory_space<vmem>>) semaphore(%arg30 : memref<!tpu.dma_semaphore, #tpu.memory_space<semaphore_mem>>) {add = true}
      %add3A_195 = arith.constant 5 : i32
      %add3A_196 = arith.addi %add3A_182, %add3A_195 : i32
      %lt3A_197 = arith.constant 80 : i32
      %lt3A_198 = arith.cmpi slt, %add3A_196, %lt3A_197 : i32
      %ge3A_199 = arith.constant 5 : i32
      %ge3A_200 = arith.cmpi sge, %add3A_182, %ge3A_199 : i32
      %and3A_201 = arith.andi %lt3A_198, %ge3A_200 : i1
      %convert_element_type3A_202 = arith.extui %and3A_201 : i1 to i32
      %cond3A_203 = arith.constant 0 : i32
      %cond3A_204 = arith.cmpi ne, %convert_element_type3A_202, %cond3A_203 : i32
      scf.if %cond3A_204 {
        %sub3A = arith.constant 5 : i32
        %sub3A_443 = arith.subi %add3A_182, %sub3A : i32
        %dma_wait3A_444 = arith.constant 0 : i32
        %dma_wait3A_445 = tpu.memref_slice %arg7[%sub3A_443, %dma_wait3A_444] : memref<80x125xi32, #tpu.memory_space<vmem>> -> memref<1x125xi32, #tpu.memory_space<vmem>>
        %dma_wait3A_446 = tpu.memref_squeeze %dma_wait3A_445 : memref<1x125xi32, #tpu.memory_space<vmem>> -> memref<125xi32, #tpu.memory_space<vmem>>
        %dma_wait3A_447 = arith.constant 0 : i32
        %dma_wait3A_448 = arith.constant 0 : i32
        %dma_wait3A_449 = tpu.memref_slice %arg38[%dma_wait3A_447, %dma_wait3A_448] : memref<10240x32xf32, #tpu.memory_space<vmem_shared>> -> memref<10240x32xf32, #tpu.memory_space<vmem_shared>>
        tpu.wait_indirect_dma semaphore(%arg35 : memref<!tpu.dma_semaphore, #tpu.memory_space<semaphore_mem>>) src(%arg15 : memref<125x32xf32, #tpu.memory_space<vmem>>) dst(%dma_wait3A_449 : memref<10240x32xf32, #tpu.memory_space<vmem_shared>>)
      } else {
      }
      %add3A_205 = arith.constant 5 : i32
      %add3A_206 = arith.addi %add3A_182, %add3A_205 : i32
      %lt3A_207 = arith.constant 80 : i32
      %lt3A_208 = arith.cmpi slt, %add3A_206, %lt3A_207 : i32
      %convert_element_type3A_209 = arith.extui %lt3A_208 : i1 to i32
      %cond3A_210 = arith.constant 0 : i32
      %cond3A_211 = arith.cmpi ne, %convert_element_type3A_209, %cond3A_210 : i32
      scf.if %cond3A_211 {
        %add3A_443 = arith.constant 5 : i32
        %add3A_444 = arith.addi %add3A_182, %add3A_443 : i32
        %dma_start3A_445 = arith.constant 0 : i32
        %dma_start3A_446 = tpu.memref_slice %arg6[%add3A_444, %dma_start3A_445] : memref<80x125xi32, #tpu.memory_space<vmem>> -> memref<1x125xi32, #tpu.memory_space<vmem>>
        %dma_start3A_447 = tpu.memref_squeeze %dma_start3A_446 : memref<1x125xi32, #tpu.memory_space<vmem>> -> memref<125xi32, #tpu.memory_space<vmem>>
        %dma_start3A_448 = arith.constant 0 : i32
        %dma_start3A_449 = arith.constant 0 : i32
        %dma_start3A_450 = tpu.memref_slice %arg3[%dma_start3A_448, %dma_start3A_449] : memref<10240x32xf32, #tpu.memory_space<hbm>> -> memref<10240x32xf32, #tpu.memory_space<hbm>>
        tpu.enqueue_indirect_dma source(%dma_start3A_450 : memref<10240x32xf32, #tpu.memory_space<hbm>>) target(%arg15 : memref<125x32xf32, #tpu.memory_space<vmem>>) offsets(%dma_start3A_447 : memref<125xi32, #tpu.memory_space<vmem>>) semaphore(%arg25 : memref<!tpu.dma_semaphore, #tpu.memory_space<semaphore_mem>>)
      } else {
      }
      %mul3A_212 = arith.constant 10 : i32
      %mul3A_213 = arith.muli %mul3A_212, %scan3A_117 : i32
      %add3A_214 = arith.constant 3 : i32
      %add3A_215 = arith.addi %mul3A_213, %add3A_214 : i32
      %dma_wait3A_216 = arith.constant 0 : i32
      %dma_wait3A_217 = tpu.memref_slice %arg6[%add3A_215, %dma_wait3A_216] : memref<80x125xi32, #tpu.memory_space<vmem>> -> memref<1x125xi32, #tpu.memory_space<vmem>>
      %dma_wait3A_218 = tpu.memref_squeeze %dma_wait3A_217 : memref<1x125xi32, #tpu.memory_space<vmem>> -> memref<125xi32, #tpu.memory_space<vmem>>
      %dma_wait3A_219 = arith.constant 0 : i32
      %dma_wait3A_220 = arith.constant 0 : i32
      %dma_wait3A_221 = tpu.memref_slice %arg3[%dma_wait3A_219, %dma_wait3A_220] : memref<10240x32xf32, #tpu.memory_space<hbm>> -> memref<10240x32xf32, #tpu.memory_space<hbm>>
      tpu.wait_indirect_dma semaphore(%arg21 : memref<!tpu.dma_semaphore, #tpu.memory_space<semaphore_mem>>) src(%dma_wait3A_221 : memref<10240x32xf32, #tpu.memory_space<hbm>>) dst(%arg11 : memref<125x32xf32, #tpu.memory_space<vmem>>)
      %dma_start3A_222 = arith.constant 0 : i32
      %dma_start3A_223 = tpu.memref_slice %arg7[%add3A_215, %dma_start3A_222] : memref<80x125xi32, #tpu.memory_space<vmem>> -> memref<1x125xi32, #tpu.memory_space<vmem>>
      %dma_start3A_224 = tpu.memref_squeeze %dma_start3A_223 : memref<1x125xi32, #tpu.memory_space<vmem>> -> memref<125xi32, #tpu.memory_space<vmem>>
      %dma_start3A_225 = arith.constant 0 : i32
      %dma_start3A_226 = arith.constant 0 : i32
      %dma_start3A_227 = tpu.memref_slice %arg38[%dma_start3A_225, %dma_start3A_226] : memref<10240x32xf32, #tpu.memory_space<vmem_shared>> -> memref<10240x32xf32, #tpu.memory_space<vmem_shared>>
      tpu.enqueue_indirect_dma source(%arg11 : memref<125x32xf32, #tpu.memory_space<vmem>>) target(%dma_start3A_227 : memref<10240x32xf32, #tpu.memory_space<vmem_shared>>) offsets(%dma_start3A_224 : memref<125xi32, #tpu.memory_space<vmem>>) semaphore(%arg31 : memref<!tpu.dma_semaphore, #tpu.memory_space<semaphore_mem>>) {add = true}
      %add3A_228 = arith.constant 5 : i32
      %add3A_229 = arith.addi %add3A_215, %add3A_228 : i32
      %lt3A_230 = arith.constant 80 : i32
      %lt3A_231 = arith.cmpi slt, %add3A_229, %lt3A_230 : i32
      %ge3A_232 = arith.constant 5 : i32
      %ge3A_233 = arith.cmpi sge, %add3A_215, %ge3A_232 : i32
      %and3A_234 = arith.andi %lt3A_231, %ge3A_233 : i1
      %convert_element_type3A_235 = arith.extui %and3A_234 : i1 to i32
      %cond3A_236 = arith.constant 0 : i32
      %cond3A_237 = arith.cmpi ne, %convert_element_type3A_235, %cond3A_236 : i32
      scf.if %cond3A_237 {
        %sub3A = arith.constant 5 : i32
        %sub3A_443 = arith.subi %add3A_215, %sub3A : i32
        %dma_wait3A_444 = arith.constant 0 : i32
        %dma_wait3A_445 = tpu.memref_slice %arg7[%sub3A_443, %dma_wait3A_444] : memref<80x125xi32, #tpu.memory_space<vmem>> -> memref<1x125xi32, #tpu.memory_space<vmem>>
        %dma_wait3A_446 = tpu.memref_squeeze %dma_wait3A_445 : memref<1x125xi32, #tpu.memory_space<vmem>> -> memref<125xi32, #tpu.memory_space<vmem>>
        %dma_wait3A_447 = arith.constant 0 : i32
        %dma_wait3A_448 = arith.constant 0 : i32
        %dma_wait3A_449 = tpu.memref_slice %arg38[%dma_wait3A_447, %dma_wait3A_448] : memref<10240x32xf32, #tpu.memory_space<vmem_shared>> -> memref<10240x32xf32, #tpu.memory_space<vmem_shared>>
        tpu.wait_indirect_dma semaphore(%arg36 : memref<!tpu.dma_semaphore, #tpu.memory_space<semaphore_mem>>) src(%arg16 : memref<125x32xf32, #tpu.memory_space<vmem>>) dst(%dma_wait3A_449 : memref<10240x32xf32, #tpu.memory_space<vmem_shared>>)
      } else {
      }
      %add3A_238 = arith.constant 5 : i32
      %add3A_239 = arith.addi %add3A_215, %add3A_238 : i32
      %lt3A_240 = arith.constant 80 : i32
      %lt3A_241 = arith.cmpi slt, %add3A_239, %lt3A_240 : i32
      %convert_element_type3A_242 = arith.extui %lt3A_241 : i1 to i32
      %cond3A_243 = arith.constant 0 : i32
      %cond3A_244 = arith.cmpi ne, %convert_element_type3A_242, %cond3A_243 : i32
      scf.if %cond3A_244 {
        %add3A_443 = arith.constant 5 : i32
        %add3A_444 = arith.addi %add3A_215, %add3A_443 : i32
        %dma_start3A_445 = arith.constant 0 : i32
        %dma_start3A_446 = tpu.memref_slice %arg6[%add3A_444, %dma_start3A_445] : memref<80x125xi32, #tpu.memory_space<vmem>> -> memref<1x125xi32, #tpu.memory_space<vmem>>
        %dma_start3A_447 = tpu.memref_squeeze %dma_start3A_446 : memref<1x125xi32, #tpu.memory_space<vmem>> -> memref<125xi32, #tpu.memory_space<vmem>>
        %dma_start3A_448 = arith.constant 0 : i32
        %dma_start3A_449 = arith.constant 0 : i32
        %dma_start3A_450 = tpu.memref_slice %arg3[%dma_start3A_448, %dma_start3A_449] : memref<10240x32xf32, #tpu.memory_space<hbm>> -> memref<10240x32xf32, #tpu.memory_space<hbm>>
        tpu.enqueue_indirect_dma source(%dma_start3A_450 : memref<10240x32xf32, #tpu.memory_space<hbm>>) target(%arg16 : memref<125x32xf32, #tpu.memory_space<vmem>>) offsets(%dma_start3A_447 : memref<125xi32, #tpu.memory_space<vmem>>) semaphore(%arg26 : memref<!tpu.dma_semaphore, #tpu.memory_space<semaphore_mem>>)
      } else {
      }
      %mul3A_245 = arith.constant 10 : i32
      %mul3A_246 = arith.muli %mul3A_245, %scan3A_117 : i32
      %add3A_247 = arith.constant 4 : i32
      %add3A_248 = arith.addi %mul3A_246, %add3A_247 : i32
      %dma_wait3A_249 = arith.constant 0 : i32
      %dma_wait3A_250 = tpu.memref_slice %arg6[%add3A_248, %dma_wait3A_249] : memref<80x125xi32, #tpu.memory_space<vmem>> -> memref<1x125xi32, #tpu.memory_space<vmem>>
      %dma_wait3A_251 = tpu.memref_squeeze %dma_wait3A_250 : memref<1x125xi32, #tpu.memory_space<vmem>> -> memref<125xi32, #tpu.memory_space<vmem>>
      %dma_wait3A_252 = arith.constant 0 : i32
      %dma_wait3A_253 = arith.constant 0 : i32
      %dma_wait3A_254 = tpu.memref_slice %arg3[%dma_wait3A_252, %dma_wait3A_253] : memref<10240x32xf32, #tpu.memory_space<hbm>> -> memref<10240x32xf32, #tpu.memory_space<hbm>>
      tpu.wait_indirect_dma semaphore(%arg22 : memref<!tpu.dma_semaphore, #tpu.memory_space<semaphore_mem>>) src(%dma_wait3A_254 : memref<10240x32xf32, #tpu.memory_space<hbm>>) dst(%arg12 : memref<125x32xf32, #tpu.memory_space<vmem>>)
      %dma_start3A_255 = arith.constant 0 : i32
      %dma_start3A_256 = tpu.memref_slice %arg7[%add3A_248, %dma_start3A_255] : memref<80x125xi32, #tpu.memory_space<vmem>> -> memref<1x125xi32, #tpu.memory_space<vmem>>
      %dma_start3A_257 = tpu.memref_squeeze %dma_start3A_256 : memref<1x125xi32, #tpu.memory_space<vmem>> -> memref<125xi32, #tpu.memory_space<vmem>>
      %dma_start3A_258 = arith.constant 0 : i32
      %dma_start3A_259 = arith.constant 0 : i32
      %dma_start3A_260 = tpu.memref_slice %arg38[%dma_start3A_258, %dma_start3A_259] : memref<10240x32xf32, #tpu.memory_space<vmem_shared>> -> memref<10240x32xf32, #tpu.memory_space<vmem_shared>>
      tpu.enqueue_indirect_dma source(%arg12 : memref<125x32xf32, #tpu.memory_space<vmem>>) target(%dma_start3A_260 : memref<10240x32xf32, #tpu.memory_space<vmem_shared>>) offsets(%dma_start3A_257 : memref<125xi32, #tpu.memory_space<vmem>>) semaphore(%arg32 : memref<!tpu.dma_semaphore, #tpu.memory_space<semaphore_mem>>) {add = true}
      %add3A_261 = arith.constant 5 : i32
      %add3A_262 = arith.addi %add3A_248, %add3A_261 : i32
      %lt3A_263 = arith.constant 80 : i32
      %lt3A_264 = arith.cmpi slt, %add3A_262, %lt3A_263 : i32
      %ge3A_265 = arith.constant 5 : i32
      %ge3A_266 = arith.cmpi sge, %add3A_248, %ge3A_265 : i32
      %and3A_267 = arith.andi %lt3A_264, %ge3A_266 : i1
      %convert_element_type3A_268 = arith.extui %and3A_267 : i1 to i32
      %cond3A_269 = arith.constant 0 : i32
      %cond3A_270 = arith.cmpi ne, %convert_element_type3A_268, %cond3A_269 : i32
      scf.if %cond3A_270 {
        %sub3A = arith.constant 5 : i32
        %sub3A_443 = arith.subi %add3A_248, %sub3A : i32
        %dma_wait3A_444 = arith.constant 0 : i32
        %dma_wait3A_445 = tpu.memref_slice %arg7[%sub3A_443, %dma_wait3A_444] : memref<80x125xi32, #tpu.memory_space<vmem>> -> memref<1x125xi32, #tpu.memory_space<vmem>>
        %dma_wait3A_446 = tpu.memref_squeeze %dma_wait3A_445 : memref<1x125xi32, #tpu.memory_space<vmem>> -> memref<125xi32, #tpu.memory_space<vmem>>
        %dma_wait3A_447 = arith.constant 0 : i32
        %dma_wait3A_448 = arith.constant 0 : i32
        %dma_wait3A_449 = tpu.memref_slice %arg38[%dma_wait3A_447, %dma_wait3A_448] : memref<10240x32xf32, #tpu.memory_space<vmem_shared>> -> memref<10240x32xf32, #tpu.memory_space<vmem_shared>>
        tpu.wait_indirect_dma semaphore(%arg37 : memref<!tpu.dma_semaphore, #tpu.memory_space<semaphore_mem>>) src(%arg17 : memref<125x32xf32, #tpu.memory_space<vmem>>) dst(%dma_wait3A_449 : memref<10240x32xf32, #tpu.memory_space<vmem_shared>>)
      } else {
      }
      %add3A_271 = arith.constant 5 : i32
      %add3A_272 = arith.addi %add3A_248, %add3A_271 : i32
      %lt3A_273 = arith.constant 80 : i32
      %lt3A_274 = arith.cmpi slt, %add3A_272, %lt3A_273 : i32
      %convert_element_type3A_275 = arith.extui %lt3A_274 : i1 to i32
      %cond3A_276 = arith.constant 0 : i32
      %cond3A_277 = arith.cmpi ne, %convert_element_type3A_275, %cond3A_276 : i32
      scf.if %cond3A_277 {
        %add3A_443 = arith.constant 5 : i32
        %add3A_444 = arith.addi %add3A_248, %add3A_443 : i32
        %dma_start3A_445 = arith.constant 0 : i32
        %dma_start3A_446 = tpu.memref_slice %arg6[%add3A_444, %dma_start3A_445] : memref<80x125xi32, #tpu.memory_space<vmem>> -> memref<1x125xi32, #tpu.memory_space<vmem>>
        %dma_start3A_447 = tpu.memref_squeeze %dma_start3A_446 : memref<1x125xi32, #tpu.memory_space<vmem>> -> memref<125xi32, #tpu.memory_space<vmem>>
        %dma_start3A_448 = arith.constant 0 : i32
        %dma_start3A_449 = arith.constant 0 : i32
        %dma_start3A_450 = tpu.memref_slice %arg3[%dma_start3A_448, %dma_start3A_449] : memref<10240x32xf32, #tpu.memory_space<hbm>> -> memref<10240x32xf32, #tpu.memory_space<hbm>>
        tpu.enqueue_indirect_dma source(%dma_start3A_450 : memref<10240x32xf32, #tpu.memory_space<hbm>>) target(%arg17 : memref<125x32xf32, #tpu.memory_space<vmem>>) offsets(%dma_start3A_447 : memref<125xi32, #tpu.memory_space<vmem>>) semaphore(%arg27 : memref<!tpu.dma_semaphore, #tpu.memory_space<semaphore_mem>>)
      } else {
      }
      %mul3A_278 = arith.constant 10 : i32
      %mul3A_279 = arith.muli %mul3A_278, %scan3A_117 : i32
      %add3A_280 = arith.constant 5 : i32
      %add3A_281 = arith.addi %mul3A_279, %add3A_280 : i32
      %dma_wait3A_282 = arith.constant 0 : i32
      %dma_wait3A_283 = tpu.memref_slice %arg6[%add3A_281, %dma_wait3A_282] : memref<80x125xi32, #tpu.memory_space<vmem>> -> memref<1x125xi32, #tpu.memory_space<vmem>>
      %dma_wait3A_284 = tpu.memref_squeeze %dma_wait3A_283 : memref<1x125xi32, #tpu.memory_space<vmem>> -> memref<125xi32, #tpu.memory_space<vmem>>
      %dma_wait3A_285 = arith.constant 0 : i32
      %dma_wait3A_286 = arith.constant 0 : i32
      %dma_wait3A_287 = tpu.memref_slice %arg3[%dma_wait3A_285, %dma_wait3A_286] : memref<10240x32xf32, #tpu.memory_space<hbm>> -> memref<10240x32xf32, #tpu.memory_space<hbm>>
      tpu.wait_indirect_dma semaphore(%arg23 : memref<!tpu.dma_semaphore, #tpu.memory_space<semaphore_mem>>) src(%dma_wait3A_287 : memref<10240x32xf32, #tpu.memory_space<hbm>>) dst(%arg13 : memref<125x32xf32, #tpu.memory_space<vmem>>)
      %dma_start3A_288 = arith.constant 0 : i32
      %dma_start3A_289 = tpu.memref_slice %arg7[%add3A_281, %dma_start3A_288] : memref<80x125xi32, #tpu.memory_space<vmem>> -> memref<1x125xi32, #tpu.memory_space<vmem>>
      %dma_start3A_290 = tpu.memref_squeeze %dma_start3A_289 : memref<1x125xi32, #tpu.memory_space<vmem>> -> memref<125xi32, #tpu.memory_space<vmem>>
      %dma_start3A_291 = arith.constant 0 : i32
      %dma_start3A_292 = arith.constant 0 : i32
      %dma_start3A_293 = tpu.memref_slice %arg38[%dma_start3A_291, %dma_start3A_292] : memref<10240x32xf32, #tpu.memory_space<vmem_shared>> -> memref<10240x32xf32, #tpu.memory_space<vmem_shared>>
      tpu.enqueue_indirect_dma source(%arg13 : memref<125x32xf32, #tpu.memory_space<vmem>>) target(%dma_start3A_293 : memref<10240x32xf32, #tpu.memory_space<vmem_shared>>) offsets(%dma_start3A_290 : memref<125xi32, #tpu.memory_space<vmem>>) semaphore(%arg33 : memref<!tpu.dma_semaphore, #tpu.memory_space<semaphore_mem>>) {add = true}
      %add3A_294 = arith.constant 5 : i32
      %add3A_295 = arith.addi %add3A_281, %add3A_294 : i32
      %lt3A_296 = arith.constant 80 : i32
      %lt3A_297 = arith.cmpi slt, %add3A_295, %lt3A_296 : i32
      %ge3A_298 = arith.constant 5 : i32
      %ge3A_299 = arith.cmpi sge, %add3A_281, %ge3A_298 : i32
      %and3A_300 = arith.andi %lt3A_297, %ge3A_299 : i1
      %convert_element_type3A_301 = arith.extui %and3A_300 : i1 to i32
      %cond3A_302 = arith.constant 0 : i32
      %cond3A_303 = arith.cmpi ne, %convert_element_type3A_301, %cond3A_302 : i32
      scf.if %cond3A_303 {
        %sub3A = arith.constant 5 : i32
        %sub3A_443 = arith.subi %add3A_281, %sub3A : i32
        %dma_wait3A_444 = arith.constant 0 : i32
        %dma_wait3A_445 = tpu.memref_slice %arg7[%sub3A_443, %dma_wait3A_444] : memref<80x125xi32, #tpu.memory_space<vmem>> -> memref<1x125xi32, #tpu.memory_space<vmem>>
        %dma_wait3A_446 = tpu.memref_squeeze %dma_wait3A_445 : memref<1x125xi32, #tpu.memory_space<vmem>> -> memref<125xi32, #tpu.memory_space<vmem>>
        %dma_wait3A_447 = arith.constant 0 : i32
        %dma_wait3A_448 = arith.constant 0 : i32
        %dma_wait3A_449 = tpu.memref_slice %arg38[%dma_wait3A_447, %dma_wait3A_448] : memref<10240x32xf32, #tpu.memory_space<vmem_shared>> -> memref<10240x32xf32, #tpu.memory_space<vmem_shared>>
        tpu.wait_indirect_dma semaphore(%arg28 : memref<!tpu.dma_semaphore, #tpu.memory_space<semaphore_mem>>) src(%arg8 : memref<125x32xf32, #tpu.memory_space<vmem>>) dst(%dma_wait3A_449 : memref<10240x32xf32, #tpu.memory_space<vmem_shared>>)
      } else {
      }
      %add3A_304 = arith.constant 5 : i32
      %add3A_305 = arith.addi %add3A_281, %add3A_304 : i32
      %lt3A_306 = arith.constant 80 : i32
      %lt3A_307 = arith.cmpi slt, %add3A_305, %lt3A_306 : i32
      %convert_element_type3A_308 = arith.extui %lt3A_307 : i1 to i32
      %cond3A_309 = arith.constant 0 : i32
      %cond3A_310 = arith.cmpi ne, %convert_element_type3A_308, %cond3A_309 : i32
      scf.if %cond3A_310 {
        %add3A_443 = arith.constant 5 : i32
        %add3A_444 = arith.addi %add3A_281, %add3A_443 : i32
        %dma_start3A_445 = arith.constant 0 : i32
        %dma_start3A_446 = tpu.memref_slice %arg6[%add3A_444, %dma_start3A_445] : memref<80x125xi32, #tpu.memory_space<vmem>> -> memref<1x125xi32, #tpu.memory_space<vmem>>
        %dma_start3A_447 = tpu.memref_squeeze %dma_start3A_446 : memref<1x125xi32, #tpu.memory_space<vmem>> -> memref<125xi32, #tpu.memory_space<vmem>>
        %dma_start3A_448 = arith.constant 0 : i32
        %dma_start3A_449 = arith.constant 0 : i32
        %dma_start3A_450 = tpu.memref_slice %arg3[%dma_start3A_448, %dma_start3A_449] : memref<10240x32xf32, #tpu.memory_space<hbm>> -> memref<10240x32xf32, #tpu.memory_space<hbm>>
        tpu.enqueue_indirect_dma source(%dma_start3A_450 : memref<10240x32xf32, #tpu.memory_space<hbm>>) target(%arg8 : memref<125x32xf32, #tpu.memory_space<vmem>>) offsets(%dma_start3A_447 : memref<125xi32, #tpu.memory_space<vmem>>) semaphore(%arg18 : memref<!tpu.dma_semaphore, #tpu.memory_space<semaphore_mem>>)
      } else {
      }
      %mul3A_311 = arith.constant 10 : i32
      %mul3A_312 = arith.muli %mul3A_311, %scan3A_117 : i32
      %add3A_313 = arith.constant 6 : i32
      %add3A_314 = arith.addi %mul3A_312, %add3A_313 : i32
      %dma_wait3A_315 = arith.constant 0 : i32
      %dma_wait3A_316 = tpu.memref_slice %arg6[%add3A_314, %dma_wait3A_315] : memref<80x125xi32, #tpu.memory_space<vmem>> -> memref<1x125xi32, #tpu.memory_space<vmem>>
      %dma_wait3A_317 = tpu.memref_squeeze %dma_wait3A_316 : memref<1x125xi32, #tpu.memory_space<vmem>> -> memref<125xi32, #tpu.memory_space<vmem>>
      %dma_wait3A_318 = arith.constant 0 : i32
      %dma_wait3A_319 = arith.constant 0 : i32
      %dma_wait3A_320 = tpu.memref_slice %arg3[%dma_wait3A_318, %dma_wait3A_319] : memref<10240x32xf32, #tpu.memory_space<hbm>> -> memref<10240x32xf32, #tpu.memory_space<hbm>>
      tpu.wait_indirect_dma semaphore(%arg24 : memref<!tpu.dma_semaphore, #tpu.memory_space<semaphore_mem>>) src(%dma_wait3A_320 : memref<10240x32xf32, #tpu.memory_space<hbm>>) dst(%arg14 : memref<125x32xf32, #tpu.memory_space<vmem>>)
      %dma_start3A_321 = arith.constant 0 : i32
      %dma_start3A_322 = tpu.memref_slice %arg7[%add3A_314, %dma_start3A_321] : memref<80x125xi32, #tpu.memory_space<vmem>> -> memref<1x125xi32, #tpu.memory_space<vmem>>
      %dma_start3A_323 = tpu.memref_squeeze %dma_start3A_322 : memref<1x125xi32, #tpu.memory_space<vmem>> -> memref<125xi32, #tpu.memory_space<vmem>>
      %dma_start3A_324 = arith.constant 0 : i32
      %dma_start3A_325 = arith.constant 0 : i32
      %dma_start3A_326 = tpu.memref_slice %arg38[%dma_start3A_324, %dma_start3A_325] : memref<10240x32xf32, #tpu.memory_space<vmem_shared>> -> memref<10240x32xf32, #tpu.memory_space<vmem_shared>>
      tpu.enqueue_indirect_dma source(%arg14 : memref<125x32xf32, #tpu.memory_space<vmem>>) target(%dma_start3A_326 : memref<10240x32xf32, #tpu.memory_space<vmem_shared>>) offsets(%dma_start3A_323 : memref<125xi32, #tpu.memory_space<vmem>>) semaphore(%arg34 : memref<!tpu.dma_semaphore, #tpu.memory_space<semaphore_mem>>) {add = true}
      %add3A_327 = arith.constant 5 : i32
      %add3A_328 = arith.addi %add3A_314, %add3A_327 : i32
      %lt3A_329 = arith.constant 80 : i32
      %lt3A_330 = arith.cmpi slt, %add3A_328, %lt3A_329 : i32
      %ge3A_331 = arith.constant 5 : i32
      %ge3A_332 = arith.cmpi sge, %add3A_314, %ge3A_331 : i32
      %and3A_333 = arith.andi %lt3A_330, %ge3A_332 : i1
      %convert_element_type3A_334 = arith.extui %and3A_333 : i1 to i32
      %cond3A_335 = arith.constant 0 : i32
      %cond3A_336 = arith.cmpi ne, %convert_element_type3A_334, %cond3A_335 : i32
      scf.if %cond3A_336 {
        %sub3A = arith.constant 5 : i32
        %sub3A_443 = arith.subi %add3A_314, %sub3A : i32
        %dma_wait3A_444 = arith.constant 0 : i32
        %dma_wait3A_445 = tpu.memref_slice %arg7[%sub3A_443, %dma_wait3A_444] : memref<80x125xi32, #tpu.memory_space<vmem>> -> memref<1x125xi32, #tpu.memory_space<vmem>>
        %dma_wait3A_446 = tpu.memref_squeeze %dma_wait3A_445 : memref<1x125xi32, #tpu.memory_space<vmem>> -> memref<125xi32, #tpu.memory_space<vmem>>
        %dma_wait3A_447 = arith.constant 0 : i32
        %dma_wait3A_448 = arith.constant 0 : i32
        %dma_wait3A_449 = tpu.memref_slice %arg38[%dma_wait3A_447, %dma_wait3A_448] : memref<10240x32xf32, #tpu.memory_space<vmem_shared>> -> memref<10240x32xf32, #tpu.memory_space<vmem_shared>>
        tpu.wait_indirect_dma semaphore(%arg29 : memref<!tpu.dma_semaphore, #tpu.memory_space<semaphore_mem>>) src(%arg9 : memref<125x32xf32, #tpu.memory_space<vmem>>) dst(%dma_wait3A_449 : memref<10240x32xf32, #tpu.memory_space<vmem_shared>>)
      } else {
      }
      %add3A_337 = arith.constant 5 : i32
      %add3A_338 = arith.addi %add3A_314, %add3A_337 : i32
      %lt3A_339 = arith.constant 80 : i32
      %lt3A_340 = arith.cmpi slt, %add3A_338, %lt3A_339 : i32
      %convert_element_type3A_341 = arith.extui %lt3A_340 : i1 to i32
      %cond3A_342 = arith.constant 0 : i32
      %cond3A_343 = arith.cmpi ne, %convert_element_type3A_341, %cond3A_342 : i32
      scf.if %cond3A_343 {
        %add3A_443 = arith.constant 5 : i32
        %add3A_444 = arith.addi %add3A_314, %add3A_443 : i32
        %dma_start3A_445 = arith.constant 0 : i32
        %dma_start3A_446 = tpu.memref_slice %arg6[%add3A_444, %dma_start3A_445] : memref<80x125xi32, #tpu.memory_space<vmem>> -> memref<1x125xi32, #tpu.memory_space<vmem>>
        %dma_start3A_447 = tpu.memref_squeeze %dma_start3A_446 : memref<1x125xi32, #tpu.memory_space<vmem>> -> memref<125xi32, #tpu.memory_space<vmem>>
        %dma_start3A_448 = arith.constant 0 : i32
        %dma_start3A_449 = arith.constant 0 : i32
        %dma_start3A_450 = tpu.memref_slice %arg3[%dma_start3A_448, %dma_start3A_449] : memref<10240x32xf32, #tpu.memory_space<hbm>> -> memref<10240x32xf32, #tpu.memory_space<hbm>>
        tpu.enqueue_indirect_dma source(%dma_start3A_450 : memref<10240x32xf32, #tpu.memory_space<hbm>>) target(%arg9 : memref<125x32xf32, #tpu.memory_space<vmem>>) offsets(%dma_start3A_447 : memref<125xi32, #tpu.memory_space<vmem>>) semaphore(%arg19 : memref<!tpu.dma_semaphore, #tpu.memory_space<semaphore_mem>>)
      } else {
      }
      %mul3A_344 = arith.constant 10 : i32
      %mul3A_345 = arith.muli %mul3A_344, %scan3A_117 : i32
      %add3A_346 = arith.constant 7 : i32
      %add3A_347 = arith.addi %mul3A_345, %add3A_346 : i32
      %dma_wait3A_348 = arith.constant 0 : i32
      %dma_wait3A_349 = tpu.memref_slice %arg6[%add3A_347, %dma_wait3A_348] : memref<80x125xi32, #tpu.memory_space<vmem>> -> memref<1x125xi32, #tpu.memory_space<vmem>>
      %dma_wait3A_350 = tpu.memref_squeeze %dma_wait3A_349 : memref<1x125xi32, #tpu.memory_space<vmem>> -> memref<125xi32, #tpu.memory_space<vmem>>
      %dma_wait3A_351 = arith.constant 0 : i32
      %dma_wait3A_352 = arith.constant 0 : i32
      %dma_wait3A_353 = tpu.memref_slice %arg3[%dma_wait3A_351, %dma_wait3A_352] : memref<10240x32xf32, #tpu.memory_space<hbm>> -> memref<10240x32xf32, #tpu.memory_space<hbm>>
      tpu.wait_indirect_dma semaphore(%arg25 : memref<!tpu.dma_semaphore, #tpu.memory_space<semaphore_mem>>) src(%dma_wait3A_353 : memref<10240x32xf32, #tpu.memory_space<hbm>>) dst(%arg15 : memref<125x32xf32, #tpu.memory_space<vmem>>)
      %dma_start3A_354 = arith.constant 0 : i32
      %dma_start3A_355 = tpu.memref_slice %arg7[%add3A_347, %dma_start3A_354] : memref<80x125xi32, #tpu.memory_space<vmem>> -> memref<1x125xi32, #tpu.memory_space<vmem>>
      %dma_start3A_356 = tpu.memref_squeeze %dma_start3A_355 : memref<1x125xi32, #tpu.memory_space<vmem>> -> memref<125xi32, #tpu.memory_space<vmem>>
      %dma_start3A_357 = arith.constant 0 : i32
      %dma_start3A_358 = arith.constant 0 : i32
      %dma_start3A_359 = tpu.memref_slice %arg38[%dma_start3A_357, %dma_start3A_358] : memref<10240x32xf32, #tpu.memory_space<vmem_shared>> -> memref<10240x32xf32, #tpu.memory_space<vmem_shared>>
      tpu.enqueue_indirect_dma source(%arg15 : memref<125x32xf32, #tpu.memory_space<vmem>>) target(%dma_start3A_359 : memref<10240x32xf32, #tpu.memory_space<vmem_shared>>) offsets(%dma_start3A_356 : memref<125xi32, #tpu.memory_space<vmem>>) semaphore(%arg35 : memref<!tpu.dma_semaphore, #tpu.memory_space<semaphore_mem>>) {add = true}
      %add3A_360 = arith.constant 5 : i32
      %add3A_361 = arith.addi %add3A_347, %add3A_360 : i32
      %lt3A_362 = arith.constant 80 : i32
      %lt3A_363 = arith.cmpi slt, %add3A_361, %lt3A_362 : i32
      %ge3A_364 = arith.constant 5 : i32
      %ge3A_365 = arith.cmpi sge, %add3A_347, %ge3A_364 : i32
      %and3A_366 = arith.andi %lt3A_363, %ge3A_365 : i1
      %convert_element_type3A_367 = arith.extui %and3A_366 : i1 to i32
      %cond3A_368 = arith.constant 0 : i32
      %cond3A_369 = arith.cmpi ne, %convert_element_type3A_367, %cond3A_368 : i32
      scf.if %cond3A_369 {
        %sub3A = arith.constant 5 : i32
        %sub3A_443 = arith.subi %add3A_347, %sub3A : i32
        %dma_wait3A_444 = arith.constant 0 : i32
        %dma_wait3A_445 = tpu.memref_slice %arg7[%sub3A_443, %dma_wait3A_444] : memref<80x125xi32, #tpu.memory_space<vmem>> -> memref<1x125xi32, #tpu.memory_space<vmem>>
        %dma_wait3A_446 = tpu.memref_squeeze %dma_wait3A_445 : memref<1x125xi32, #tpu.memory_space<vmem>> -> memref<125xi32, #tpu.memory_space<vmem>>
        %dma_wait3A_447 = arith.constant 0 : i32
        %dma_wait3A_448 = arith.constant 0 : i32
        %dma_wait3A_449 = tpu.memref_slice %arg38[%dma_wait3A_447, %dma_wait3A_448] : memref<10240x32xf32, #tpu.memory_space<vmem_shared>> -> memref<10240x32xf32, #tpu.memory_space<vmem_shared>>
        tpu.wait_indirect_dma semaphore(%arg30 : memref<!tpu.dma_semaphore, #tpu.memory_space<semaphore_mem>>) src(%arg10 : memref<125x32xf32, #tpu.memory_space<vmem>>) dst(%dma_wait3A_449 : memref<10240x32xf32, #tpu.memory_space<vmem_shared>>)
      } else {
      }
      %add3A_370 = arith.constant 5 : i32
      %add3A_371 = arith.addi %add3A_347, %add3A_370 : i32
      %lt3A_372 = arith.constant 80 : i32
      %lt3A_373 = arith.cmpi slt, %add3A_371, %lt3A_372 : i32
      %convert_element_type3A_374 = arith.extui %lt3A_373 : i1 to i32
      %cond3A_375 = arith.constant 0 : i32
      %cond3A_376 = arith.cmpi ne, %convert_element_type3A_374, %cond3A_375 : i32
      scf.if %cond3A_376 {
        %add3A_443 = arith.constant 5 : i32
        %add3A_444 = arith.addi %add3A_347, %add3A_443 : i32
        %dma_start3A_445 = arith.constant 0 : i32
        %dma_start3A_446 = tpu.memref_slice %arg6[%add3A_444, %dma_start3A_445] : memref<80x125xi32, #tpu.memory_space<vmem>> -> memref<1x125xi32, #tpu.memory_space<vmem>>
        %dma_start3A_447 = tpu.memref_squeeze %dma_start3A_446 : memref<1x125xi32, #tpu.memory_space<vmem>> -> memref<125xi32, #tpu.memory_space<vmem>>
        %dma_start3A_448 = arith.constant 0 : i32
        %dma_start3A_449 = arith.constant 0 : i32
        %dma_start3A_450 = tpu.memref_slice %arg3[%dma_start3A_448, %dma_start3A_449] : memref<10240x32xf32, #tpu.memory_space<hbm>> -> memref<10240x32xf32, #tpu.memory_space<hbm>>
        tpu.enqueue_indirect_dma source(%dma_start3A_450 : memref<10240x32xf32, #tpu.memory_space<hbm>>) target(%arg10 : memref<125x32xf32, #tpu.memory_space<vmem>>) offsets(%dma_start3A_447 : memref<125xi32, #tpu.memory_space<vmem>>) semaphore(%arg20 : memref<!tpu.dma_semaphore, #tpu.memory_space<semaphore_mem>>)
      } else {
      }
      %mul3A_377 = arith.constant 10 : i32
      %mul3A_378 = arith.muli %mul3A_377, %scan3A_117 : i32
      %add3A_379 = arith.constant 8 : i32
      %add3A_380 = arith.addi %mul3A_378, %add3A_379 : i32
      %dma_wait3A_381 = arith.constant 0 : i32
      %dma_wait3A_382 = tpu.memref_slice %arg6[%add3A_380, %dma_wait3A_381] : memref<80x125xi32, #tpu.memory_space<vmem>> -> memref<1x125xi32, #tpu.memory_space<vmem>>
      %dma_wait3A_383 = tpu.memref_squeeze %dma_wait3A_382 : memref<1x125xi32, #tpu.memory_space<vmem>> -> memref<125xi32, #tpu.memory_space<vmem>>
      %dma_wait3A_384 = arith.constant 0 : i32
      %dma_wait3A_385 = arith.constant 0 : i32
      %dma_wait3A_386 = tpu.memref_slice %arg3[%dma_wait3A_384, %dma_wait3A_385] : memref<10240x32xf32, #tpu.memory_space<hbm>> -> memref<10240x32xf32, #tpu.memory_space<hbm>>
      tpu.wait_indirect_dma semaphore(%arg26 : memref<!tpu.dma_semaphore, #tpu.memory_space<semaphore_mem>>) src(%dma_wait3A_386 : memref<10240x32xf32, #tpu.memory_space<hbm>>) dst(%arg16 : memref<125x32xf32, #tpu.memory_space<vmem>>)
      %dma_start3A_387 = arith.constant 0 : i32
      %dma_start3A_388 = tpu.memref_slice %arg7[%add3A_380, %dma_start3A_387] : memref<80x125xi32, #tpu.memory_space<vmem>> -> memref<1x125xi32, #tpu.memory_space<vmem>>
      %dma_start3A_389 = tpu.memref_squeeze %dma_start3A_388 : memref<1x125xi32, #tpu.memory_space<vmem>> -> memref<125xi32, #tpu.memory_space<vmem>>
      %dma_start3A_390 = arith.constant 0 : i32
      %dma_start3A_391 = arith.constant 0 : i32
      %dma_start3A_392 = tpu.memref_slice %arg38[%dma_start3A_390, %dma_start3A_391] : memref<10240x32xf32, #tpu.memory_space<vmem_shared>> -> memref<10240x32xf32, #tpu.memory_space<vmem_shared>>
      tpu.enqueue_indirect_dma source(%arg16 : memref<125x32xf32, #tpu.memory_space<vmem>>) target(%dma_start3A_392 : memref<10240x32xf32, #tpu.memory_space<vmem_shared>>) offsets(%dma_start3A_389 : memref<125xi32, #tpu.memory_space<vmem>>) semaphore(%arg36 : memref<!tpu.dma_semaphore, #tpu.memory_space<semaphore_mem>>) {add = true}
      %add3A_393 = arith.constant 5 : i32
      %add3A_394 = arith.addi %add3A_380, %add3A_393 : i32
      %lt3A_395 = arith.constant 80 : i32
      %lt3A_396 = arith.cmpi slt, %add3A_394, %lt3A_395 : i32
      %ge3A_397 = arith.constant 5 : i32
      %ge3A_398 = arith.cmpi sge, %add3A_380, %ge3A_397 : i32
      %and3A_399 = arith.andi %lt3A_396, %ge3A_398 : i1
      %convert_element_type3A_400 = arith.extui %and3A_399 : i1 to i32
      %cond3A_401 = arith.constant 0 : i32
      %cond3A_402 = arith.cmpi ne, %convert_element_type3A_400, %cond3A_401 : i32
      scf.if %cond3A_402 {
        %sub3A = arith.constant 5 : i32
        %sub3A_443 = arith.subi %add3A_380, %sub3A : i32
        %dma_wait3A_444 = arith.constant 0 : i32
        %dma_wait3A_445 = tpu.memref_slice %arg7[%sub3A_443, %dma_wait3A_444] : memref<80x125xi32, #tpu.memory_space<vmem>> -> memref<1x125xi32, #tpu.memory_space<vmem>>
        %dma_wait3A_446 = tpu.memref_squeeze %dma_wait3A_445 : memref<1x125xi32, #tpu.memory_space<vmem>> -> memref<125xi32, #tpu.memory_space<vmem>>
        %dma_wait3A_447 = arith.constant 0 : i32
        %dma_wait3A_448 = arith.constant 0 : i32
        %dma_wait3A_449 = tpu.memref_slice %arg38[%dma_wait3A_447, %dma_wait3A_448] : memref<10240x32xf32, #tpu.memory_space<vmem_shared>> -> memref<10240x32xf32, #tpu.memory_space<vmem_shared>>
        tpu.wait_indirect_dma semaphore(%arg31 : memref<!tpu.dma_semaphore, #tpu.memory_space<semaphore_mem>>) src(%arg11 : memref<125x32xf32, #tpu.memory_space<vmem>>) dst(%dma_wait3A_449 : memref<10240x32xf32, #tpu.memory_space<vmem_shared>>)
      } else {
      }
      %add3A_403 = arith.constant 5 : i32
      %add3A_404 = arith.addi %add3A_380, %add3A_403 : i32
      %lt3A_405 = arith.constant 80 : i32
      %lt3A_406 = arith.cmpi slt, %add3A_404, %lt3A_405 : i32
      %convert_element_type3A_407 = arith.extui %lt3A_406 : i1 to i32
      %cond3A_408 = arith.constant 0 : i32
      %cond3A_409 = arith.cmpi ne, %convert_element_type3A_407, %cond3A_408 : i32
      scf.if %cond3A_409 {
        %add3A_443 = arith.constant 5 : i32
        %add3A_444 = arith.addi %add3A_380, %add3A_443 : i32
        %dma_start3A_445 = arith.constant 0 : i32
        %dma_start3A_446 = tpu.memref_slice %arg6[%add3A_444, %dma_start3A_445] : memref<80x125xi32, #tpu.memory_space<vmem>> -> memref<1x125xi32, #tpu.memory_space<vmem>>
        %dma_start3A_447 = tpu.memref_squeeze %dma_start3A_446 : memref<1x125xi32, #tpu.memory_space<vmem>> -> memref<125xi32, #tpu.memory_space<vmem>>
        %dma_start3A_448 = arith.constant 0 : i32
        %dma_start3A_449 = arith.constant 0 : i32
        %dma_start3A_450 = tpu.memref_slice %arg3[%dma_start3A_448, %dma_start3A_449] : memref<10240x32xf32, #tpu.memory_space<hbm>> -> memref<10240x32xf32, #tpu.memory_space<hbm>>
        tpu.enqueue_indirect_dma source(%dma_start3A_450 : memref<10240x32xf32, #tpu.memory_space<hbm>>) target(%arg11 : memref<125x32xf32, #tpu.memory_space<vmem>>) offsets(%dma_start3A_447 : memref<125xi32, #tpu.memory_space<vmem>>) semaphore(%arg21 : memref<!tpu.dma_semaphore, #tpu.memory_space<semaphore_mem>>)
      } else {
      }
      %mul3A_410 = arith.constant 10 : i32
      %mul3A_411 = arith.muli %mul3A_410, %scan3A_117 : i32
      %add3A_412 = arith.constant 9 : i32
      %add3A_413 = arith.addi %mul3A_411, %add3A_412 : i32
      %dma_wait3A_414 = arith.constant 0 : i32
      %dma_wait3A_415 = tpu.memref_slice %arg6[%add3A_413, %dma_wait3A_414] : memref<80x125xi32, #tpu.memory_space<vmem>> -> memref<1x125xi32, #tpu.memory_space<vmem>>
      %dma_wait3A_416 = tpu.memref_squeeze %dma_wait3A_415 : memref<1x125xi32, #tpu.memory_space<vmem>> -> memref<125xi32, #tpu.memory_space<vmem>>
      %dma_wait3A_417 = arith.constant 0 : i32
      %dma_wait3A_418 = arith.constant 0 : i32
      %dma_wait3A_419 = tpu.memref_slice %arg3[%dma_wait3A_417, %dma_wait3A_418] : memref<10240x32xf32, #tpu.memory_space<hbm>> -> memref<10240x32xf32, #tpu.memory_space<hbm>>
      tpu.wait_indirect_dma semaphore(%arg27 : memref<!tpu.dma_semaphore, #tpu.memory_space<semaphore_mem>>) src(%dma_wait3A_419 : memref<10240x32xf32, #tpu.memory_space<hbm>>) dst(%arg17 : memref<125x32xf32, #tpu.memory_space<vmem>>)
      %dma_start3A_420 = arith.constant 0 : i32
      %dma_start3A_421 = tpu.memref_slice %arg7[%add3A_413, %dma_start3A_420] : memref<80x125xi32, #tpu.memory_space<vmem>> -> memref<1x125xi32, #tpu.memory_space<vmem>>
      %dma_start3A_422 = tpu.memref_squeeze %dma_start3A_421 : memref<1x125xi32, #tpu.memory_space<vmem>> -> memref<125xi32, #tpu.memory_space<vmem>>
      %dma_start3A_423 = arith.constant 0 : i32
      %dma_start3A_424 = arith.constant 0 : i32
      %dma_start3A_425 = tpu.memref_slice %arg38[%dma_start3A_423, %dma_start3A_424] : memref<10240x32xf32, #tpu.memory_space<vmem_shared>> -> memref<10240x32xf32, #tpu.memory_space<vmem_shared>>
      tpu.enqueue_indirect_dma source(%arg17 : memref<125x32xf32, #tpu.memory_space<vmem>>) target(%dma_start3A_425 : memref<10240x32xf32, #tpu.memory_space<vmem_shared>>) offsets(%dma_start3A_422 : memref<125xi32, #tpu.memory_space<vmem>>) semaphore(%arg37 : memref<!tpu.dma_semaphore, #tpu.memory_space<semaphore_mem>>) {add = true}
      %add3A_426 = arith.constant 5 : i32
      %add3A_427 = arith.addi %add3A_413, %add3A_426 : i32
      %lt3A_428 = arith.constant 80 : i32
      %lt3A_429 = arith.cmpi slt, %add3A_427, %lt3A_428 : i32
      %ge3A_430 = arith.constant 5 : i32
      %ge3A_431 = arith.cmpi sge, %add3A_413, %ge3A_430 : i32
      %and3A_432 = arith.andi %lt3A_429, %ge3A_431 : i1
      %convert_element_type3A_433 = arith.extui %and3A_432 : i1 to i32
      %cond3A_434 = arith.constant 0 : i32
      %cond3A_435 = arith.cmpi ne, %convert_element_type3A_433, %cond3A_434 : i32
      scf.if %cond3A_435 {
        %sub3A = arith.constant 5 : i32
        %sub3A_443 = arith.subi %add3A_413, %sub3A : i32
        %dma_wait3A_444 = arith.constant 0 : i32
        %dma_wait3A_445 = tpu.memref_slice %arg7[%sub3A_443, %dma_wait3A_444] : memref<80x125xi32, #tpu.memory_space<vmem>> -> memref<1x125xi32, #tpu.memory_space<vmem>>
        %dma_wait3A_446 = tpu.memref_squeeze %dma_wait3A_445 : memref<1x125xi32, #tpu.memory_space<vmem>> -> memref<125xi32, #tpu.memory_space<vmem>>
        %dma_wait3A_447 = arith.constant 0 : i32
        %dma_wait3A_448 = arith.constant 0 : i32
        %dma_wait3A_449 = tpu.memref_slice %arg38[%dma_wait3A_447, %dma_wait3A_448] : memref<10240x32xf32, #tpu.memory_space<vmem_shared>> -> memref<10240x32xf32, #tpu.memory_space<vmem_shared>>
        tpu.wait_indirect_dma semaphore(%arg32 : memref<!tpu.dma_semaphore, #tpu.memory_space<semaphore_mem>>) src(%arg12 : memref<125x32xf32, #tpu.memory_space<vmem>>) dst(%dma_wait3A_449 : memref<10240x32xf32, #tpu.memory_space<vmem_shared>>)
      } else {
      }
      %add3A_436 = arith.constant 5 : i32
      %add3A_437 = arith.addi %add3A_413, %add3A_436 : i32
      %lt3A_438 = arith.constant 80 : i32
      %lt3A_439 = arith.cmpi slt, %add3A_437, %lt3A_438 : i32
      %convert_element_type3A_440 = arith.extui %lt3A_439 : i1 to i32
      %cond3A_441 = arith.constant 0 : i32
      %cond3A_442 = arith.cmpi ne, %convert_element_type3A_440, %cond3A_441 : i32
      scf.if %cond3A_442 {
        %add3A_443 = arith.constant 5 : i32
        %add3A_444 = arith.addi %add3A_413, %add3A_443 : i32
        %dma_start3A_445 = arith.constant 0 : i32
        %dma_start3A_446 = tpu.memref_slice %arg6[%add3A_444, %dma_start3A_445] : memref<80x125xi32, #tpu.memory_space<vmem>> -> memref<1x125xi32, #tpu.memory_space<vmem>>
        %dma_start3A_447 = tpu.memref_squeeze %dma_start3A_446 : memref<1x125xi32, #tpu.memory_space<vmem>> -> memref<125xi32, #tpu.memory_space<vmem>>
        %dma_start3A_448 = arith.constant 0 : i32
        %dma_start3A_449 = arith.constant 0 : i32
        %dma_start3A_450 = tpu.memref_slice %arg3[%dma_start3A_448, %dma_start3A_449] : memref<10240x32xf32, #tpu.memory_space<hbm>> -> memref<10240x32xf32, #tpu.memory_space<hbm>>
        tpu.enqueue_indirect_dma source(%dma_start3A_450 : memref<10240x32xf32, #tpu.memory_space<hbm>>) target(%arg12 : memref<125x32xf32, #tpu.memory_space<vmem>>) offsets(%dma_start3A_447 : memref<125xi32, #tpu.memory_space<vmem>>) semaphore(%arg22 : memref<!tpu.dma_semaphore, #tpu.memory_space<semaphore_mem>>)
      } else {
      }
    }
    %scan3A_42 = arith.constant 8 : i32
    %dma_wait3A = arith.constant 70 : i32
    %dma_wait3A_43 = arith.constant 0 : i32
    %dma_wait3A_44 = tpu.memref_slice %arg7[%dma_wait3A, %dma_wait3A_43] : memref<80x125xi32, #tpu.memory_space<vmem>> -> memref<1x125xi32, #tpu.memory_space<vmem>>
    %dma_wait3A_45 = tpu.memref_squeeze %dma_wait3A_44 : memref<1x125xi32, #tpu.memory_space<vmem>> -> memref<125xi32, #tpu.memory_space<vmem>>
    %dma_wait3A_46 = arith.constant 0 : i32
    %dma_wait3A_47 = arith.constant 0 : i32
    %dma_wait3A_48 = tpu.memref_slice %arg38[%dma_wait3A_46, %dma_wait3A_47] : memref<10240x32xf32, #tpu.memory_space<vmem_shared>> -> memref<10240x32xf32, #tpu.memory_space<vmem_shared>>
    tpu.wait_indirect_dma semaphore(%arg28 : memref<!tpu.dma_semaphore, #tpu.memory_space<semaphore_mem>>) src(%arg8 : memref<125x32xf32, #tpu.memory_space<vmem>>) dst(%dma_wait3A_48 : memref<10240x32xf32, #tpu.memory_space<vmem_shared>>)
    %dma_wait3A_49 = arith.constant 71 : i32
    %dma_wait3A_50 = arith.constant 0 : i32
    %dma_wait3A_51 = tpu.memref_slice %arg7[%dma_wait3A_49, %dma_wait3A_50] : memref<80x125xi32, #tpu.memory_space<vmem>> -> memref<1x125xi32, #tpu.memory_space<vmem>>
    %dma_wait3A_52 = tpu.memref_squeeze %dma_wait3A_51 : memref<1x125xi32, #tpu.memory_space<vmem>> -> memref<125xi32, #tpu.memory_space<vmem>>
    %dma_wait3A_53 = arith.constant 0 : i32
    %dma_wait3A_54 = arith.constant 0 : i32
    %dma_wait3A_55 = tpu.memref_slice %arg38[%dma_wait3A_53, %dma_wait3A_54] : memref<10240x32xf32, #tpu.memory_space<vmem_shared>> -> memref<10240x32xf32, #tpu.memory_space<vmem_shared>>
    tpu.wait_indirect_dma semaphore(%arg29 : memref<!tpu.dma_semaphore, #tpu.memory_space<semaphore_mem>>) src(%arg9 : memref<125x32xf32, #tpu.memory_space<vmem>>) dst(%dma_wait3A_55 : memref<10240x32xf32, #tpu.memory_space<vmem_shared>>)
    %dma_wait3A_56 = arith.constant 72 : i32
    %dma_wait3A_57 = arith.constant 0 : i32
    %dma_wait3A_58 = tpu.memref_slice %arg7[%dma_wait3A_56, %dma_wait3A_57] : memref<80x125xi32, #tpu.memory_space<vmem>> -> memref<1x125xi32, #tpu.memory_space<vmem>>
    %dma_wait3A_59 = tpu.memref_squeeze %dma_wait3A_58 : memref<1x125xi32, #tpu.memory_space<vmem>> -> memref<125xi32, #tpu.memory_space<vmem>>
    %dma_wait3A_60 = arith.constant 0 : i32
    %dma_wait3A_61 = arith.constant 0 : i32
    %dma_wait3A_62 = tpu.memref_slice %arg38[%dma_wait3A_60, %dma_wait3A_61] : memref<10240x32xf32, #tpu.memory_space<vmem_shared>> -> memref<10240x32xf32, #tpu.memory_space<vmem_shared>>
    tpu.wait_indirect_dma semaphore(%arg30 : memref<!tpu.dma_semaphore, #tpu.memory_space<semaphore_mem>>) src(%arg10 : memref<125x32xf32, #tpu.memory_space<vmem>>) dst(%dma_wait3A_62 : memref<10240x32xf32, #tpu.memory_space<vmem_shared>>)
    %dma_wait3A_63 = arith.constant 73 : i32
    %dma_wait3A_64 = arith.constant 0 : i32
    %dma_wait3A_65 = tpu.memref_slice %arg7[%dma_wait3A_63, %dma_wait3A_64] : memref<80x125xi32, #tpu.memory_space<vmem>> -> memref<1x125xi32, #tpu.memory_space<vmem>>
    %dma_wait3A_66 = tpu.memref_squeeze %dma_wait3A_65 : memref<1x125xi32, #tpu.memory_space<vmem>> -> memref<125xi32, #tpu.memory_space<vmem>>
    %dma_wait3A_67 = arith.constant 0 : i32
    %dma_wait3A_68 = arith.constant 0 : i32
    %dma_wait3A_69 = tpu.memref_slice %arg38[%dma_wait3A_67, %dma_wait3A_68] : memref<10240x32xf32, #tpu.memory_space<vmem_shared>> -> memref<10240x32xf32, #tpu.memory_space<vmem_shared>>
    tpu.wait_indirect_dma semaphore(%arg31 : memref<!tpu.dma_semaphore, #tpu.memory_space<semaphore_mem>>) src(%arg11 : memref<125x32xf32, #tpu.memory_space<vmem>>) dst(%dma_wait3A_69 : memref<10240x32xf32, #tpu.memory_space<vmem_shared>>)
    %dma_wait3A_70 = arith.constant 74 : i32
    %dma_wait3A_71 = arith.constant 0 : i32
    %dma_wait3A_72 = tpu.memref_slice %arg7[%dma_wait3A_70, %dma_wait3A_71] : memref<80x125xi32, #tpu.memory_space<vmem>> -> memref<1x125xi32, #tpu.memory_space<vmem>>
    %dma_wait3A_73 = tpu.memref_squeeze %dma_wait3A_72 : memref<1x125xi32, #tpu.memory_space<vmem>> -> memref<125xi32, #tpu.memory_space<vmem>>
    %dma_wait3A_74 = arith.constant 0 : i32
    %dma_wait3A_75 = arith.constant 0 : i32
    %dma_wait3A_76 = tpu.memref_slice %arg38[%dma_wait3A_74, %dma_wait3A_75] : memref<10240x32xf32, #tpu.memory_space<vmem_shared>> -> memref<10240x32xf32, #tpu.memory_space<vmem_shared>>
    tpu.wait_indirect_dma semaphore(%arg32 : memref<!tpu.dma_semaphore, #tpu.memory_space<semaphore_mem>>) src(%arg12 : memref<125x32xf32, #tpu.memory_space<vmem>>) dst(%dma_wait3A_76 : memref<10240x32xf32, #tpu.memory_space<vmem_shared>>)
    %dma_wait3A_77 = arith.constant 75 : i32
    %dma_wait3A_78 = arith.constant 0 : i32
    %dma_wait3A_79 = tpu.memref_slice %arg7[%dma_wait3A_77, %dma_wait3A_78] : memref<80x125xi32, #tpu.memory_space<vmem>> -> memref<1x125xi32, #tpu.memory_space<vmem>>
    %dma_wait3A_80 = tpu.memref_squeeze %dma_wait3A_79 : memref<1x125xi32, #tpu.memory_space<vmem>> -> memref<125xi32, #tpu.memory_space<vmem>>
    %dma_wait3A_81 = arith.constant 0 : i32
    %dma_wait3A_82 = arith.constant 0 : i32
    %dma_wait3A_83 = tpu.memref_slice %arg38[%dma_wait3A_81, %dma_wait3A_82] : memref<10240x32xf32, #tpu.memory_space<vmem_shared>> -> memref<10240x32xf32, #tpu.memory_space<vmem_shared>>
    tpu.wait_indirect_dma semaphore(%arg33 : memref<!tpu.dma_semaphore, #tpu.memory_space<semaphore_mem>>) src(%arg13 : memref<125x32xf32, #tpu.memory_space<vmem>>) dst(%dma_wait3A_83 : memref<10240x32xf32, #tpu.memory_space<vmem_shared>>)
    %dma_wait3A_84 = arith.constant 76 : i32
    %dma_wait3A_85 = arith.constant 0 : i32
    %dma_wait3A_86 = tpu.memref_slice %arg7[%dma_wait3A_84, %dma_wait3A_85] : memref<80x125xi32, #tpu.memory_space<vmem>> -> memref<1x125xi32, #tpu.memory_space<vmem>>
    %dma_wait3A_87 = tpu.memref_squeeze %dma_wait3A_86 : memref<1x125xi32, #tpu.memory_space<vmem>> -> memref<125xi32, #tpu.memory_space<vmem>>
    %dma_wait3A_88 = arith.constant 0 : i32
    %dma_wait3A_89 = arith.constant 0 : i32
    %dma_wait3A_90 = tpu.memref_slice %arg38[%dma_wait3A_88, %dma_wait3A_89] : memref<10240x32xf32, #tpu.memory_space<vmem_shared>> -> memref<10240x32xf32, #tpu.memory_space<vmem_shared>>
    tpu.wait_indirect_dma semaphore(%arg34 : memref<!tpu.dma_semaphore, #tpu.memory_space<semaphore_mem>>) src(%arg14 : memref<125x32xf32, #tpu.memory_space<vmem>>) dst(%dma_wait3A_90 : memref<10240x32xf32, #tpu.memory_space<vmem_shared>>)
    %dma_wait3A_91 = arith.constant 77 : i32
    %dma_wait3A_92 = arith.constant 0 : i32
    %dma_wait3A_93 = tpu.memref_slice %arg7[%dma_wait3A_91, %dma_wait3A_92] : memref<80x125xi32, #tpu.memory_space<vmem>> -> memref<1x125xi32, #tpu.memory_space<vmem>>
    %dma_wait3A_94 = tpu.memref_squeeze %dma_wait3A_93 : memref<1x125xi32, #tpu.memory_space<vmem>> -> memref<125xi32, #tpu.memory_space<vmem>>
    %dma_wait3A_95 = arith.constant 0 : i32
    %dma_wait3A_96 = arith.constant 0 : i32
    %dma_wait3A_97 = tpu.memref_slice %arg38[%dma_wait3A_95, %dma_wait3A_96] : memref<10240x32xf32, #tpu.memory_space<vmem_shared>> -> memref<10240x32xf32, #tpu.memory_space<vmem_shared>>
    tpu.wait_indirect_dma semaphore(%arg35 : memref<!tpu.dma_semaphore, #tpu.memory_space<semaphore_mem>>) src(%arg15 : memref<125x32xf32, #tpu.memory_space<vmem>>) dst(%dma_wait3A_97 : memref<10240x32xf32, #tpu.memory_space<vmem_shared>>)
    %dma_wait3A_98 = arith.constant 78 : i32
    %dma_wait3A_99 = arith.constant 0 : i32
    %dma_wait3A_100 = tpu.memref_slice %arg7[%dma_wait3A_98, %dma_wait3A_99] : memref<80x125xi32, #tpu.memory_space<vmem>> -> memref<1x125xi32, #tpu.memory_space<vmem>>
    %dma_wait3A_101 = tpu.memref_squeeze %dma_wait3A_100 : memref<1x125xi32, #tpu.memory_space<vmem>> -> memref<125xi32, #tpu.memory_space<vmem>>
    %dma_wait3A_102 = arith.constant 0 : i32
    %dma_wait3A_103 = arith.constant 0 : i32
    %dma_wait3A_104 = tpu.memref_slice %arg38[%dma_wait3A_102, %dma_wait3A_103] : memref<10240x32xf32, #tpu.memory_space<vmem_shared>> -> memref<10240x32xf32, #tpu.memory_space<vmem_shared>>
    tpu.wait_indirect_dma semaphore(%arg36 : memref<!tpu.dma_semaphore, #tpu.memory_space<semaphore_mem>>) src(%arg16 : memref<125x32xf32, #tpu.memory_space<vmem>>) dst(%dma_wait3A_104 : memref<10240x32xf32, #tpu.memory_space<vmem_shared>>)
    %dma_wait3A_105 = arith.constant 79 : i32
    %dma_wait3A_106 = arith.constant 0 : i32
    %dma_wait3A_107 = tpu.memref_slice %arg7[%dma_wait3A_105, %dma_wait3A_106] : memref<80x125xi32, #tpu.memory_space<vmem>> -> memref<1x125xi32, #tpu.memory_space<vmem>>
    %dma_wait3A_108 = tpu.memref_squeeze %dma_wait3A_107 : memref<1x125xi32, #tpu.memory_space<vmem>> -> memref<125xi32, #tpu.memory_space<vmem>>
    %dma_wait3A_109 = arith.constant 0 : i32
    %dma_wait3A_110 = arith.constant 0 : i32
    %dma_wait3A_111 = tpu.memref_slice %arg38[%dma_wait3A_109, %dma_wait3A_110] : memref<10240x32xf32, #tpu.memory_space<vmem_shared>> -> memref<10240x32xf32, #tpu.memory_space<vmem_shared>>
    tpu.wait_indirect_dma semaphore(%arg37 : memref<!tpu.dma_semaphore, #tpu.memory_space<semaphore_mem>>) src(%arg17 : memref<125x32xf32, #tpu.memory_space<vmem>>) dst(%dma_wait3A_111 : memref<10240x32xf32, #tpu.memory_space<vmem_shared>>)
    %barrier3A_112 = arith.constant 0 : index
    tpu.barrier barrier_id(%barrier3A_112)
    %mul3A_113 = arith.constant 640 : i32
    %mul3A_114 = arith.muli %arg1, %mul3A_113 : i32
    %mul3A_115 = arith.constant 640 : i32
    %mul3A_116 = arith.muli %arg1, %mul3A_115 : i32
    "tpu.region"() ({
      %run_scoped3A_117 = tpu.sem_alloc : memref<!tpu.dma_semaphore, #tpu.memory_space<semaphore_mem>>
      %dma_start3A_118 = arith.constant 0 : i32
      %dma_start3A_119 = tpu.memref_slice %arg5[%arg0, %mul3A_116, %dma_start3A_118] : memref<2x10240x32xf32, #tpu.memory_space<hbm>> -> memref<1x640x32xf32, #tpu.memory_space<hbm>>
      %dma_start3A_120 = tpu.memref_squeeze %dma_start3A_119 : memref<1x640x32xf32, #tpu.memory_space<hbm>> -> memref<640x32xf32, #tpu.memory_space<hbm>>
      %dma_start3A_121 = arith.constant 0 : i32
      %dma_start3A_122 = tpu.memref_slice %arg38[%mul3A_114, %dma_start3A_121] : memref<10240x32xf32, #tpu.memory_space<vmem_shared>> -> memref<640x32xf32, #tpu.memory_space<vmem_shared>>
      tpu.enqueue_dma source(%dma_start3A_122 : memref<640x32xf32, #tpu.memory_space<vmem_shared>>) target(%dma_start3A_120 : memref<640x32xf32, #tpu.memory_space<hbm>>) target_semaphore(%run_scoped3A_117 : memref<!tpu.dma_semaphore, #tpu.memory_space<semaphore_mem>>)
      %dma_wait3A_123 = arith.constant 0 : i32
      %dma_wait3A_124 = tpu.memref_slice %arg5[%arg0, %mul3A_116, %dma_wait3A_123] : memref<2x10240x32xf32, #tpu.memory_space<hbm>> -> memref<1x640x32xf32, #tpu.memory_space<hbm>>
      %dma_wait3A_125 = tpu.memref_squeeze %dma_wait3A_124 : memref<1x640x32xf32, #tpu.memory_space<hbm>> -> memref<640x32xf32, #tpu.memory_space<hbm>>
      %dma_wait3A_126 = arith.constant 0 : i32
      %dma_wait3A_127 = tpu.memref_slice %arg38[%mul3A_114, %dma_wait3A_126] : memref<10240x32xf32, #tpu.memory_space<vmem_shared>> -> memref<640x32xf32, #tpu.memory_space<vmem_shared>>
      tpu.wait_dma2 semaphore(%run_scoped3A_117 : memref<!tpu.dma_semaphore, #tpu.memory_space<semaphore_mem>>) src(%dma_wait3A_127 : memref<640x32xf32, #tpu.memory_space<vmem_shared>>) dst(%dma_wait3A_125 : memref<640x32xf32, #tpu.memory_space<hbm>>)
      tpu.yield
    }) : () -> ()
    return
  }
}

module attributes {stable_mosaic.version = 14 : i64} {
  func.func @_mma_body(%arg0: memref<10000x128xf32, #tpu.memory_space<vmem>>, %arg1: memref<128x32xf32, #tpu.memory_space<vmem>>, %arg2: memref<10240x32xf32, #tpu.memory_space<vmem>>) attributes {dimension_semantics = [], scalar_prefetch = 0 : i64, scratch_operands = 0 : i64, tpu.core_type = #tpu.core_type<tc>} {
    %get3A = arith.constant 0 : index
    %get3A_0 = arith.constant 0 : index
    %get3A_1 = vector.load %arg0[%get3A, %get3A_0] : memref<10000x128xf32, #tpu.memory_space<vmem>>, vector<10000x128xf32>
    %get3A_2 = arith.constant 0 : index
    %get3A_3 = arith.constant 0 : index
    %get3A_4 = vector.load %arg1[%get3A_2, %get3A_3] : memref<128x32xf32, #tpu.memory_space<vmem>>, vector<128x32xf32>
    %dot_general3A = arith.constant dense<0.000000e+00> : vector<10000x32xf32>
    %dot_general3A_5 = tpu.matmul %get3A_1, %get3A_4, %dot_general3A {dimension_numbers = #tpu.dot_dimension_numbers<[1], [0], [0], [1], [0, 0, 1, 1], [], []>, transpose_lhs_hint = false} : vector<10000x128xf32>, vector<128x32xf32>, vector<10000x32xf32> -> vector<10000x32xf32>
    %swap3A = arith.constant 0 : index
    %swap3A_6 = arith.constant 0 : index
    %swap3A_7 = vector.load %arg2[%swap3A, %swap3A_6] : memref<10240x32xf32, #tpu.memory_space<vmem>>, vector<10000x32xf32>
    tpu.vector_store %arg2[%swap3A, %swap3A_6], %dot_general3A_5 {strides = array<i32>} : memref<10240x32xf32, #tpu.memory_space<vmem>>, vector<10000x32xf32>,
    %broadcast_in_dim3A = arith.constant 0.000000e+00 : f32
    %broadcast_in_dim3A_8 = vector.broadcast %broadcast_in_dim3A : f32 to vector<240x32xf32>
    %swap3A_9 = arith.constant 10000 : index
    %swap3A_10 = arith.constant 0 : index
    %swap3A_11 = vector.load %arg2[%swap3A_9, %swap3A_10] : memref<10240x32xf32, #tpu.memory_space<vmem>>, vector<240x32xf32>
    tpu.vector_store %arg2[%swap3A_9, %swap3A_10], %broadcast_in_dim3A_8 {strides = array<i32>} : memref<10240x32xf32, #tpu.memory_space<vmem>>, vector<240x32xf32>,
    return
  }
}

module attributes {stable_mosaic.version = 14 : i64} {
  func.func @_mmb_body(%arg0: memref<2560x128xf32, #tpu.memory_space<vmem>>, %arg1: memref<2x2560x128xf32, #tpu.memory_space<vmem>>, %arg2: memref<2560x128xf32, #tpu.memory_space<vmem>>, %arg3: memref<2560x128xf32, #tpu.memory_space<vmem>>) attributes {dimension_semantics = [], scalar_prefetch = 0 : i64, scratch_operands = 0 : i64, tpu.core_type = #tpu.core_type<tc>} {
    %get3A = arith.constant 0 : index
    %get3A_0 = arith.constant 0 : index
    %get3A_1 = arith.constant 0 : index
    %get3A_2 = vector.load %arg1[%get3A, %get3A_0, %get3A_1] : memref<2x2560x128xf32, #tpu.memory_space<vmem>>, vector<1x2560x128xf32>
    %get3A_3 = vector.shape_cast %get3A_2 : vector<1x2560x128xf32> to vector<2560x128xf32>
    %get3A_4 = arith.constant 1 : index
    %get3A_5 = arith.constant 0 : index
    %get3A_6 = arith.constant 0 : index
    %get3A_7 = vector.load %arg1[%get3A_4, %get3A_5, %get3A_6] : memref<2x2560x128xf32, #tpu.memory_space<vmem>>, vector<1x2560x128xf32>
    %get3A_8 = vector.shape_cast %get3A_7 : vector<1x2560x128xf32> to vector<2560x128xf32>
    %add3A = arith.addf %get3A_3, %get3A_8 : vector<2560x128xf32>
    %add3A_9 = arith.constant 1.000000e+00 : f32
    %add3A_10 = vector.broadcast %add3A_9 : f32 to vector<2560x128xf32>
    %add3A_11 = arith.addf %add3A, %add3A_10 : vector<2560x128xf32>
    %rsqrt3A = math.rsqrt %add3A_11 : vector<2560x128xf32>
    %get3A_12 = arith.constant 0 : index
    %get3A_13 = arith.constant 0 : index
    %get3A_14 = vector.load %arg0[%get3A_12, %get3A_13] : memref<2560x128xf32, #tpu.memory_space<vmem>>, vector<2560x128xf32>
    %mul3A = arith.mulf %get3A_14, %rsqrt3A : vector<2560x128xf32>
    %swap3A = arith.constant 0 : index
    %swap3A_15 = arith.constant 0 : index
    %swap3A_16 = vector.load %arg2[%swap3A, %swap3A_15] : memref<2560x128xf32, #tpu.memory_space<vmem>>, vector<2560x128xf32>
    tpu.vector_store %arg2[%swap3A, %swap3A_15], %mul3A {strides = array<i32>} : memref<2560x128xf32, #tpu.memory_space<vmem>>, vector<2560x128xf32>,
    %swap3A_17 = arith.constant 0 : index
    %swap3A_18 = arith.constant 0 : index
    %swap3A_19 = vector.load %arg3[%swap3A_17, %swap3A_18] : memref<2560x128xf32, #tpu.memory_space<vmem>>, vector<2560x128xf32>
    tpu.vector_store %arg3[%swap3A_17, %swap3A_18], %rsqrt3A {strides = array<i32>} : memref<2560x128xf32, #tpu.memory_space<vmem>>, vector<2560x128xf32>,
    return
  }
}

module attributes {stable_mosaic.version = 14 : i64} {
  func.func @_head_body(%arg0: memref<32x64x32xf32, #tpu.memory_space<vmem>>, %arg1: memref<1x32xf32, #tpu.memory_space<vmem>>, %arg2: memref<32x1024xf32, #tpu.memory_space<vmem>>, %arg3: memref<1x1024xf32, #tpu.memory_space<vmem>>, %arg4: memref<1024x512xf32, #tpu.memory_space<vmem>>, %arg5: memref<1x512xf32, #tpu.memory_space<vmem>>, %arg6: memref<512x4xf32, #tpu.memory_space<vmem>>, %arg7: memref<1x4xf32, #tpu.memory_space<vmem>>, %arg8: memref<64x4xf32, #tpu.memory_space<vmem>>) attributes {dimension_semantics = [], scalar_prefetch = 0 : i64, scratch_operands = 0 : i64, tpu.core_type = #tpu.core_type<tc>} {
    %get3A = arith.constant 0 : index
    %get3A_0 = arith.constant 0 : index
    %get3A_1 = arith.constant 0 : index
    %get3A_2 = vector.load %arg0[%get3A, %get3A_0, %get3A_1] : memref<32x64x32xf32, #tpu.memory_space<vmem>>, vector<32x64x32xf32>
    %reduce_max3A = arith.constant dense<0xFF800000> : vector<64x32xf32>
    %reduce_max3A_3 = vector.multi_reduction <maximumf>, %get3A_2, %reduce_max3A [0] : vector<32x64x32xf32> to vector<64x32xf32>
    %eq3A = arith.constant 0xFF800000 : f32
    %eq3A_4 = vector.broadcast %eq3A : f32 to vector<64x32xf32>
    %eq3A_5 = arith.cmpf oeq, %reduce_max3A_3, %eq3A_4 : vector<64x32xf32>
    %get3A_6 = arith.constant 0 : index
    %get3A_7 = arith.constant 0 : index
    %get3A_8 = vector.load %arg1[%get3A_6, %get3A_7] : memref<1x32xf32, #tpu.memory_space<vmem>>, vector<1x32xf32>
    %add3A = vector.broadcast %get3A_8 : vector<1x32xf32> to vector<64x32xf32>
    %add3A_9 = arith.addf %reduce_max3A_3, %add3A : vector<64x32xf32>
    %jit3A = arith.constant 0.000000e+00 : f32
    %broadcast_in_dim3A = vector.broadcast %jit3A : f32 to vector<64x32xf32>
    %select_n3A = arith.select %eq3A_5, %broadcast_in_dim3A, %add3A_9 : vector<64x32xi1>, vector<64x32xf32>
    %get3A_10 = arith.constant 0 : index
    %get3A_11 = arith.constant 0 : index
    %get3A_12 = vector.load %arg2[%get3A_10, %get3A_11] : memref<32x1024xf32, #tpu.memory_space<vmem>>, vector<32x1024xf32>
    %dot_general3A = arith.constant dense<0.000000e+00> : vector<64x1024xf32>
    %dot_general3A_13 = tpu.matmul %select_n3A, %get3A_12, %dot_general3A {dimension_numbers = #tpu.dot_dimension_numbers<[1], [0], [0], [1], [0, 0, 1, 1], [], []>, transpose_lhs_hint = false} : vector<64x32xf32>, vector<32x1024xf32>, vector<64x1024xf32> -> vector<64x1024xf32>
    %get3A_14 = arith.constant 0 : index
    %get3A_15 = arith.constant 0 : index
    %get3A_16 = vector.load %arg3[%get3A_14, %get3A_15] : memref<1x1024xf32, #tpu.memory_space<vmem>>, vector<1x1024xf32>
    %add3A_17 = vector.broadcast %get3A_16 : vector<1x1024xf32> to vector<64x1024xf32>
    %add3A_18 = arith.addf %dot_general3A_13, %add3A_17 : vector<64x1024xf32>
    %max3A = arith.constant 0.000000e+00 : f32
    %max3A_19 = vector.broadcast %max3A : f32 to vector<64x1024xf32>
    %max3A_20 = arith.maximumf %add3A_18, %max3A_19 : vector<64x1024xf32>
    %get3A_21 = arith.constant 0 : index
    %get3A_22 = arith.constant 0 : index
    %get3A_23 = vector.load %arg4[%get3A_21, %get3A_22] : memref<1024x512xf32, #tpu.memory_space<vmem>>, vector<1024x512xf32>
    %dot_general3A_24 = arith.constant dense<0.000000e+00> : vector<64x512xf32>
    %dot_general3A_25 = tpu.matmul %max3A_20, %get3A_23, %dot_general3A_24 {dimension_numbers = #tpu.dot_dimension_numbers<[1], [0], [0], [1], [0, 0, 1, 1], [], []>, transpose_lhs_hint = false} : vector<64x1024xf32>, vector<1024x512xf32>, vector<64x512xf32> -> vector<64x512xf32>
    %get3A_26 = arith.constant 0 : index
    %get3A_27 = arith.constant 0 : index
    %get3A_28 = vector.load %arg5[%get3A_26, %get3A_27] : memref<1x512xf32, #tpu.memory_space<vmem>>, vector<1x512xf32>
    %add3A_29 = vector.broadcast %get3A_28 : vector<1x512xf32> to vector<64x512xf32>
    %add3A_30 = arith.addf %dot_general3A_25, %add3A_29 : vector<64x512xf32>
    %max3A_31 = arith.constant 0.000000e+00 : f32
    %max3A_32 = vector.broadcast %max3A_31 : f32 to vector<64x512xf32>
    %max3A_33 = arith.maximumf %add3A_30, %max3A_32 : vector<64x512xf32>
    %get3A_34 = arith.constant 0 : index
    %get3A_35 = arith.constant 0 : index
    %get3A_36 = vector.load %arg6[%get3A_34, %get3A_35] : memref<512x4xf32, #tpu.memory_space<vmem>>, vector<512x4xf32>
    %dot_general3A_37 = arith.constant dense<0.000000e+00> : vector<64x4xf32>
    %dot_general3A_38 = tpu.matmul %max3A_33, %get3A_36, %dot_general3A_37 {dimension_numbers = #tpu.dot_dimension_numbers<[1], [0], [0], [1], [0, 0, 1, 1], [], []>, transpose_lhs_hint = false} : vector<64x512xf32>, vector<512x4xf32>, vector<64x4xf32> -> vector<64x4xf32>
    %get3A_39 = arith.constant 0 : index
    %get3A_40 = arith.constant 0 : index
    %get3A_41 = vector.load %arg7[%get3A_39, %get3A_40] : memref<1x4xf32, #tpu.memory_space<vmem>>, vector<1x4xf32>
    %add3A_42 = vector.broadcast %get3A_41 : vector<1x4xf32> to vector<64x4xf32>
    %add3A_43 = arith.addf %dot_general3A_38, %add3A_42 : vector<64x4xf32>
    %swap3A = arith.constant 0 : index
    %swap3A_44 = arith.constant 0 : index
    %swap3A_45 = vector.load %arg8[%swap3A, %swap3A_44] : memref<64x4xf32, #tpu.memory_space<vmem>>, vector<64x4xf32>
    tpu.vector_store %arg8[%swap3A, %swap3A_44], %add3A_43 {strides = array<i32>} : memref<64x4xf32, #tpu.memory_space<vmem>>, vector<64x4xf32>,
    return
  }
}

</mosaic_0001>

<sc_bundles>
// kernel: kernel.11.cloned.1.call-start
scs
__scs_entry_jumppad:
0x0: {  	(pc) =	sbr.rel $0x88, $3  }
0x1: {  	(tag) =	ssettag $0x0;
	lr =	simm.s32 $0x1  }
0x2: {  	[smem:$0x3F96] =	sst lr;
	_ =	strace $0xD0000000  }
0x3: {  	_ = 	snop  }
0x4: {  	_ = 	snop  }
0x5: {  	_ = 	snop  }
0x6: {  	_ = 	snop  }
0x7: {  	_ = 	snop  }
__scs_overlays_trampoline_lowered:
0x8: {  	[smem:$0x3FA5] =	sst s0  }
0x9: {  	[smem:$0x3FA6] =	sst s1  }
0xa: {  	[smem:$0x3FA7] =	sst s2  }
0xb: {  	[smem:$0x3FA8] =	sst s3  }
0xc: {  	[smem:$0x3FA9] =	sst s4  }
0xd: {  	[smem:$0x3FAA] =	sst s5  }
0xe: {  	[smem:$0x3FAB] =	sst s6  }
0xf: {  	[smem:$0x3FAC] =	sst s7  }
0x10: {  	[smem:$0x3FAD] =	sst s8  }
0x11: {  	[smem:$0x3FAE] =	sst s9;
	s0 =	simm.s32 @!p0 $0x0  }
0x12: {  	s1 =	sld [smem:$0x3F94];
	s0 =	simm.s32 @p0 $0x1  }
0x13: {  	[smem:$0x3FAF] =	sst s0;
	s0 =	simm.s32 @!p1 $0x0  }
0x14: {  	s2 =	sld [smem:$0x3F93];
	s0 =	simm.s32 @p1 $0x1  }
0x15: {  	[smem:$0x3FB0] =	sst s0;
	s0 =	simm.s32 @!p2 $0x0  }
0x16: {  	s3 =	sld [smem:$0x3FDB];
	s0 =	simm.s32 @p2 $0x1  }
0x17: {  	s4 =	simm.s32 $0x1BF5;
	[smem:$0x3FB2] =	sst s0  }
0x18: {  	s0 =	sld [smem:$0x3F95];
	_ =	swait.ge [sflag:s4], $0x0  }
0x19: {  	s7 =	sld [smem:$0x3F96]  }
0x1a: {  	s8 =	sadd.s32 $0xFFFFE003, lr  }
0x1b: {  	s9 =	sadd.s32 $0xFFFFFEF7, lr;
	s5 =	simm.s32 $0xFFFFFFFF;
	p2 =	slt.u32 s8, $0xFFFFF086  }
0x1c: {  	p1 =	slt.u32 s9, $0xF7A;
	s5 =	simm.s32 @!p2 $0x0  }
0x1d: {  	s5 =	simm.s32 @p1 $0x1;
	p0 =	seq.s32 s7, s2  }
0x1e: {  	s7 =	smul.u32 @!p0 $0xF7A, s2;
	p2 =	seq.s32 @!p0 s5, $0x0  }
0x1f: {  	s9 =	smul.u32 $0xF7A, s1;
	s8 =	simm.s32 @!p0 $0x1BF5;
	p2 =	por !p2, p0  }
0x20: {  	[sflag:s8] =	ssyncset.s32 @!p0 $0xFFFFF086;
	s6 =	sadd.s32 @!p0 s3, s7;
	s7 =	simm.s32 @!p0 $0x108  }
0x21: {  	s3 =	sadd.s32 s3, s9;
	s6 =	sadd.s32 @!p0 $0x88, s6;
	s7 =	simm.s32 @p2 $0x1082  }
0x22: {  	[simem:s7], [sflag:s8] =	dma.local @!p0 [hbm:s6], $0xF7A  }
0x23: {  	s9 =	sor.u32 $0xD0000000, s2;
	s6 =	simm.s32 $0x108;
	_ =	swait.ge @!p0 [sflag:s8], $0x0  }
0x24: {  	s3 =	sadd.s32 $0x88, s3;
	s6 =	simm.s32 @!p1 $0x1082;
	[sflag:s4] =	ssyncset.s32 $0xFFFFF086  }
0x25: {  	[simem:s6], [sflag:s4] =	dma.local [hbm:s3], $0xF7A  }
0x26: {  	[smem:$0x3F96] =	sst s1;
	(tag) =	ssettag s2;
	_ =	strace s9  }
0x27: {  	s1 =	sld [smem:$0x3FA6]  }
0x28: {  	s2 =	sld [smem:$0x3FA7]  }
0x29: {  	s4 =	sld [smem:$0x3FA9]  }
0x2a: {  	p0 =	seq.s32 s5, $0x0;
	s5 =	sld [smem:$0x3FAA]  }
0x2b: {  	s6 =	sld [smem:$0x3FAB]  }
0x2c: {  	s7 =	sld [smem:$0x3FAC]  }
0x2d: {  	s3 =	simm.s32 $0x108;
	s8 =	sld [smem:$0x3FAD]  }
0x2e: {  	s3 =	simm.s32 @!p0 $0x1082;
	s9 =	sld [smem:$0x3FAE]  }
0x2f: {  	lr =	sadd.s32 s0, s3;
	s0 =	sld [smem:$0x3FA5]  }
0x30: {  	s3 =	sld [smem:$0x3FA8]  }
0x31: {  	[smem:$0x3FB1] =	sst s10  }
0x32: {  	s10 =	sld [smem:$0x3FAF];
	_ =	sdelay $0x3  }
0x33: {  	p0 =	seq.s32 s10, $0x1;
	s10 =	sld [smem:$0x3FB1];
	_ =	sdelay $0x3  }
0x34: {  	[smem:$0x3FB1] =	sst s10  }
0x35: {  	s10 =	sld [smem:$0x3FB0];
	_ =	sdelay $0x3  }
0x36: {  	p1 =	seq.s32 s10, $0x1;
	s10 =	sld [smem:$0x3FB1];
	_ =	sdelay $0x3  }
0x37: {  	[smem:$0x3FB1] =	sst s10  }
0x38: {  	s10 =	sld [smem:$0x3FB2]  }
0x39: {  	_ = 	snop;
	(pc) =	sbr.ind lr, $3  }
0x3a: {  	_ = 	snop  }
0x3b: {  	_ = 	snop  }
0x3c: {  	p2 =	seq.s32 s10, $0x1;
	s10 =	sld [smem:$0x3FB1]  }
0x3d: {  	_ =	shalt  }
0x3e: {  	_ =	shalt  }
0x3f: {  	_ =	shalt  }
0x40: {  	_ =	shalt  }
0x41: {  	_ =	shalt  }
0x42: {  	_ =	shalt  }
0x43: {  	_ =	shalt  }
0x44: {  	_ =	shalt  }
0x45: {  	_ =	shalt  }
0x46: {  	_ =	shalt  }
0x47: {  	_ =	shalt  }
0x48: {  	_ =	shalt  }
0x49: {  	_ =	shalt  }
0x4a: {  	_ =	shalt  }
0x4b: {  	_ =	shalt  }
0x4c: {  	_ =	shalt  }
0x4d: {  	_ =	shalt  }
0x4e: {  	_ =	shalt  }
0x4f: {  	_ =	shalt  }
0x50: {  	_ =	shalt  }
0x51: {  	_ =	shalt  }
0x52: {  	_ =	shalt  }
0x53: {  	_ =	shalt  }
0x54: {  	_ =	shalt  }
0x55: {  	_ =	shalt  }
0x56: {  	_ =	shalt  }
0x57: {  	_ =	shalt  }
0x58: {  	_ =	shalt  }
0x59: {  	_ =	shalt  }
0x5a: {  	_ =	shalt  }
0x5b: {  	_ =	shalt  }
0x5c: {  	_ =	shalt  }
0x5d: {  	_ =	shalt  }
0x5e: {  	_ =	shalt  }
0x5f: {  	_ =	shalt  }
0x60: {  	_ =	shalt  }
0x61: {  	_ =	shalt  }
0x62: {  	_ =	shalt  }
0x63: {  	_ =	shalt  }
0x64: {  	_ =	shalt  }
0x65: {  	_ =	shalt  }
0x66: {  	_ =	shalt  }
0x67: {  	_ =	shalt  }
0x68: {  	_ =	shalt  }
0x69: {  	_ =	shalt  }
0x6a: {  	_ =	shalt  }
0x6b: {  	_ =	shalt  }
0x6c: {  	_ =	shalt  }
0x6d: {  	_ =	shalt  }
0x6e: {  	_ =	shalt  }
0x6f: {  	_ =	shalt  }
0x70: {  	_ =	shalt  }
0x71: {  	_ =	shalt  }
0x72: {  	_ =	shalt  }
0x73: {  	_ =	shalt  }
0x74: {  	_ =	shalt  }
0x75: {  	_ =	shalt  }
0x76: {  	_ =	shalt  }
0x77: {  	_ =	shalt  }
0x78: {  	_ =	shalt  }
0x79: {  	_ =	shalt  }
0x7a: {  	_ =	shalt  }
0x7b: {  	_ =	shalt  }
0x7c: {  	_ =	shalt  }
0x7d: {  	_ =	shalt  }
0x7e: {  	_ =	shalt  }
0x7f: {  	_ =	shalt  }
0x80: {  	_ =	shalt  }
0x81: {  	_ =	shalt  }
0x82: {  	_ =	shalt  }
0x83: {  	_ =	shalt  }
0x84: {  	_ =	shalt  }
0x85: {  	_ =	shalt  }
0x86: {  	_ =	shalt  }
0x87: {  	_ =	shalt  }
.Lfunc_end0:
.L_simem_size_0:
called_computation.1_lowered:
.L_overlay_start_0:
0x88: {  	s2 =	sld [smem:$0x3FD9]  }
0x89: {  	s3 =	sld [smem:$0x3FFE];
	_ =	sdelay $0x1  }
0x8a: {  	s1 =	srdreg.scid  }
0x8b: {  	s0 =	sand.u32 $0x1, s1  }
0x8c: {  	s16 =	sshll.u32 s0, $0xA;
	s2 =	sadd.s32 s3, s2  }
0x8d: {  	s2 =	sadd.s32 s2, s16  }
0x8e: {  	[smem:$0x3FBD] =	sst s2  }
0x8f: {  	_ = 	snop  }
0x90: {  	(tm) =	ssettm $0x1  }
0x91: {  	s17 =	sld [smem:$0x3FFB];
	_ =	sdelay $0x3  }
0x92: {  	_ =	strace s17  }
0x93: {  	s2 =	sld [smem:$0x3FFC];
	_ =	sdelay $0x3  }
0x94: {  	_ =	strace s2  }
0x95: {  	s2 =	sld [smem:$0x3FFD];
	_ =	sdelay $0x3  }
0x96: {  	_ =	strace s2  }
0x97: {  	_ =	strace $0x8FFFFFFF  }
0x98: {  	s18 =	sld [smem:$0x3FDB];
	_ =	sdelay $0x1  }
0x99: {  	s19 =	simm.s32 $_scs_section_size  }
0x9a: {  	s4 =	simm.s32 $_size__tile_overlayer_lowered;
	s5 =	simm.s32 $_tile_overlayer_lowered  }
0x9b: {  	s22 =	simm.s32 $0x1BFF;
	s21 =	sshll.u32 s5, $0x1;
	s2 =	sadd.s32 s19, s18  }
0x9c: {  	s6 =	simm.s32 $0x0;
	s20 =	sshll.u32 s4, $0x1;
	s4 =	sadd.s32 s21, s2  }
0x9d: {  	[timem:s6], [sflag:s22] =	dma.local [hbm:s4], s20  }
0x9e: {  	_ =	swait.ge [sflag:s22], s20  }
0x9f: {  	s3 =	ssub.s32 $0x0, s20;
	[sflag:s22] =	ssyncset.done $0x0  }
0xa0: {  	[sflag:s22] =	ssyncadd.s32 s3;
	_ =	sdelay $0x1  }
0xa1: {  	s23 =	simm.s32 $0x1B8B  }
0xa2: {  	_ =	swait.ge [sflag:s23], $0x1  }
0xa3: {  	[sflag:s23] =	ssyncset.done $0x0  }
0xa4: {  	s25 =	simm.s32 $0x1B8E;
	s24 =	sld [smem:$0x3FFE];
	[sflag:s23] =	ssyncadd.s32 $0xFFFFFFFF  }
0xa5: {  	s26 =	simm.s32 $execute0_lowered;
	[smem:$0x3FD2] =	sst s25  }
0xa6: {  	s4 =	sshll.u32 s26, $0x1;
	_ =	strace $0x80000049;
	[dreg:$0x1] =	wrdreg $0xFFFFFFFF  }
0xa7: {  	s28 =	simm.s32 $_size_execute0_lowered;
	s2 =	sadd.s32 s2, s4;
	[dreg:$0x0] =	wrdreg $0x0  }
0xa8: {  	s4 =	sshll.u32 s28, $0x1;
	[dreg:$0x2] =	wrdreg s2  }
0xa9: {  	[dreg:$0x3] =	wrdreg s4  }
0xaa: {  	[dreg:$0x4] =	wrdreg $0xC0  }
0xab: {  	_ =	task [dreg:s6], $0x5FFFF  }
0xac: {  	[dreg:$0x1] =	wrdreg $0xFFFFFFFF  }
0xad: {  	[dreg:$0x0] =	wrdreg $0x60  }
0xae: {  	[dreg:$0x2] =	wrdreg s24  }
0xaf: {  	[dreg:$0x3] =	wrdreg $0xEC400  }
0xb0: {  	[dreg:$0x4] =	wrdreg $0x9  }
0xb1: {  	_ =	task.clear_ibuf [dreg:s6], $0x5FFFF;
	_ =	strace $0x90000049  }
0xb2: {  	s29 =	simm.s32 $0x9;
	_ =	strace $0x8000004B  }
0xb3: {  	_ =	swait.ge [sflag:s29], $0x1  }
0xb4: {  	[sflag:s29] =	ssyncadd.s32 $0xFFFFFFFF  }
0xb5: {  	_ =	strace $0x9000004B  }
0xb6: {  	_ =	sfence  }
0xb7: {  	s30 =	sld [smem:$0x0];
	_ =	sdelay $0x2  }
0xb8: {  	s31 =	sshll.u32 s1, $0xD;
	s1 =	sshrl.u32 s1, $0x2  }
0xb9: {  	s3 =	sand.u32 $0x4000, s31;
	s1 =	sadd.s32 s1, s30  }
0xba: {  	s0 =	sor.u32 s3, s0;
	s1 =	sshll.u32 s1, $0x11  }
0xbb: {  	s0 =	sor.u32 s1, s0  }
0xbc: {  	s0 =	sadd.s32 $0x8F2B, s0  }
0xbd: {  	[sflag:s0] =	ssyncadd.remote.s32 $0x1  }
0xbe: {  	_ =	sfence.sel $0xFFFF  }
0xbf: {  	[dreg:$0x0] =	wrdreg $0xFFFFFFFF;
	(pc) =	sbr.abs _section_cstart, $3  }
0xc0: {  	[dreg:$0x1] =	wrdreg $0xFFFFFFFF  }
0xc1: {  	_ =	task.clear_ibuf [dreg:s6], $0x2FFFF;
	_ =	strace $0x9FFFFFFF  }
0xc2: {  	(tm) =	ssettm $0x7FFFFFFF  }
0xc3: {  	_ =	shalt  }
tec
execute0_lowered:
.L_overlay_start_1:
0x0: {  	(tag) =	ssettag $0x1  }
0x1: {  	s0 =	srdreg.scid;
	s3 =	rddreg [dreg:$0x0]  }
0x2: {  	s7 =	stileid.u32;
	s2 =	rddreg [dreg:$0x1]  }
0x3: {  	s6 =	simm.s32 $0x0;
	s14 =	simm.s32 $0x7D;
	s15 =	simm.s32 $0x5000  }
0x4: {  	s17 =	simm.s32 $0x5FA0;
	s19 =	simm.s32 $0x6F40;
	s21 =	simm.s32 $0x7EE0  }
0x5: {  	s28 =	simm.s32 $0xADC0;
	s29 =	simm.s32 $0x3;
	s30 =	simm.s32 $0xBD60  }
0x6: {  	s31 =	simm.s32 $0x4;
	s11 =	simm.s32 $0xDCA0;
	s16 =	simm.s32 $0x6  }
0x7: {  	s18 =	simm.s32 $0x8;
	s20 =	simm.s32 $0xA;
	s0 =	sand.u32 $0x1, s0  }
0x8: {  	s5 =	smul.u32 $0x5000, s7;
	[smem:$0x7FF] =	sst s6;
	s8 =	sadd.s32 $0x2AE00, s3  }
0x9: {  	s26 =	sshll.u32 s7, $0x6;
	s1 =	sshll.u32 s0, $0x4;
	s4 =	smul.u32 $0x50000, s0  }
0xa: {  	_ =	strace $0x8000004A;
	s0 =	ssub.s32 $0x2, s0;
	[dreg:$0x3] =	wrdreg s8  }
0xb: {  	s10 =	sor.u32 $0x1C15, s26;
	s26 =	simm.s32 $0x2;
	s8 =	simm.s32 $0xF  }
0xc: {  	s1 =	sor.u32 s7, s1;
	s23 =	sshrl.u32 s0, $0x1;
	s25 =	sadd.s32 s5, s2  }
0xd: {  	s7 =	simm.s32 $0x0;
	[dreg:$0x8] =	wrdreg s10;
	s1 =	smul.u32 $0x2800, s1  }
0xe: {  	s22 =	sadd.s32 s5, s4;
	s4 =	sadd.s32 $0x16E00, s3;
	s0 =	ssub.s32 s0, s23  }
0xf: {  	s12 =	sshrl.u32 s25, $0x3;
	s23 =	simm.s32 $0x8E80;
	s25 =	simm.s32 $0x9E20  }
0x10: {  	s6 =	sshrl.u32 s22, $0x3;
	s0 =	smax.u32 s0, $0x1;
	s1 =	sshrl.u32 s1, $0x3  }
.Ltmp0:
0x11: {  	[dreg:$0x9] =	wrdreg s12;
	s1 =	sadd.s32 s1, s3;
	(pc) =	sbr.rel .LBB2_1-.Ltmp0, $4  }
0x12: {  	[dreg:$0x7] =	wrdreg s0;
	s0 =	simm.s32 $0x5;
	s24 =	sadd.s32 $0x2E00, s1  }
0x13: {  	s3 =	sadd.s32 s6, s3;
	s1 =	sadd.s32 $0xCE00, s1;
	[dreg:$0x4] =	wrdreg s24  }
0x14: {  	s6 =	simm.s32 $0x15;
	s3 =	sadd.s32 $0x2B800, s3;
	[dreg:$0x5] =	wrdreg s1  }
0x15: {  	[dreg:$0x6] =	wrdreg s3;
	s24 =	simm.s32 $0x1;
	s1 =	simm.s32 $0xCD00  }
.LBB2_4:
0x16: {  	s3 =	simm.s32 $0xB  }
0x17: {  	_ =	swait.ge [sflag:s3], $0xFA0  }
0x18: {  	[sflag:s3] =	ssyncset.done $0x0  }
0x19: {  	s12 =	simm.s32 $0xC;
	[sflag:s3] =	ssyncadd.s32 $0xFFFFF060  }
0x1a: {  	_ =	swait.ge [sflag:s12], $0xFA0  }
0x1b: {  	[sflag:s12] =	ssyncset.done $0x0  }
0x1c: {  	s13 =	simm.s32 $0xD;
	[sflag:s12] =	ssyncadd.s32 $0xFFFFF060  }
0x1d: {  	_ =	swait.ge [sflag:s13], $0xFA0  }
0x1e: {  	[sflag:s13] =	ssyncset.done $0x0  }
0x1f: {  	s22 =	simm.s32 $0xE;
	[sflag:s13] =	ssyncadd.s32 $0xFFFFF060  }
0x20: {  	_ =	swait.ge [sflag:s22], $0xFA0  }
0x21: {  	[sflag:s22] =	ssyncset.done $0x0  }
0x22: {  	[sflag:s22] =	ssyncadd.s32 $0xFFFFF060  }
0x23: {  	_ =	swait.ge [sflag:s8], $0xFA0  }
0x24: {  	[sflag:s8] =	ssyncset.done $0x0  }
0x25: {  	s5 =	simm.s32 $0x10;
	[sflag:s8] =	ssyncadd.s32 $0xFFFFF060  }
0x26: {  	_ =	swait.ge [sflag:s5], $0xFA0  }
0x27: {  	[sflag:s5] =	ssyncset.done $0x0  }
0x28: {  	s6 =	simm.s32 $0x11;
	[sflag:s5] =	ssyncadd.s32 $0xFFFFF060  }
0x29: {  	_ =	swait.ge [sflag:s6], $0xFA0  }
0x2a: {  	[sflag:s6] =	ssyncset.done $0x0  }
0x2b: {  	s9 =	simm.s32 $0x12;
	[sflag:s6] =	ssyncadd.s32 $0xFFFFF060  }
0x2c: {  	_ =	swait.ge [sflag:s9], $0xFA0  }
0x2d: {  	[sflag:s9] =	ssyncset.done $0x0  }
0x2e: {  	s10 =	simm.s32 $0x13;
	[sflag:s9] =	ssyncadd.s32 $0xFFFFF060  }
0x2f: {  	_ =	swait.ge [sflag:s10], $0xFA0  }
0x30: {  	[sflag:s10] =	ssyncset.done $0x0  }
0x31: {  	s12 =	simm.s32 $0x14;
	[sflag:s10] =	ssyncadd.s32 $0xFFFFF060  }
0x32: {  	_ =	swait.ge [sflag:s12], $0xFA0  }
0x33: {  	[sflag:s12] =	ssyncset.done $0x0  }
0x34: {  	[sflag:s12] =	ssyncadd.s32 $0xFFFFF060  }
0x35: {  	[bflag:$0x0] =	sbarrier.arrive $0xFFFF  }
0x36: {  	s13 =	rddreg [dreg:$0x6]  }
0x37: {  	s10 =	rddreg [dreg:$0x8]  }
0x38: {  	s6 =	simm.s32 $0x15;
	s12 =	rddreg [dreg:$0x9]  }
0x39: {  	[hbm:s13], [sflag:s10] =	dma.local [spmem:s12], $0xA00  }
0x3a: {  	_ =	swait.ge [sflag:s6], $0xA00  }
0x3b: {  	s7 =	sadd.s32 $0x1, s7;
	s22 =	rddreg [dreg:$0x7]  }
0x3c: {  	p0 =	sne.s32 s7, s22  }
.Ltmp1:
0x3d: {  	_ = 	snop;
	(pc) =	sbr.rel @!p0 .LBB2_5-.Ltmp1, $3  }
0x3e: {  	_ =	sdelay $0x1  }
0x3f: {  	[sflag:s6] =	ssyncset.done $0x0  }
0x40: {  	[sflag:s6] =	ssyncadd.s32 $0xFFFFF600  }
.LBB2_1:
0x41: {  	s3 =	simm.s32 $0x0;
	s5 =	rddreg [dreg:$0x4]  }
0x42: {  	[tilespmem:s3], [sflag:$0x15] =	stream.linear.gather [hbm4b:s5+s3], $0x2800, $0x38;
	[tilespmem:$0x13C40] =	vst v63  }
0x43: {  	_ =	swait.ge [sflag:s6], $0x2800  }
0x44: {  	[sflag:s6] =	ssyncset.done $0x0  }
0x45: {  	s9 =	simm.s32 $0x2800;
	s22 =	rddreg [dreg:$0x5];
	[sflag:s6] =	ssyncadd.s32 $0xFFFFD800  }
0x46: {  	[tilespmem:s9], [sflag:$0x15] =	stream.linear.gather [hbm4b:s22+s3], $0x2800, $0x38;
	[tilespmem:$0x13C40] =	vst v63  }
0x47: {  	_ =	swait.ge [sflag:s6], $0x2800  }
0x48: {  	[sflag:s6] =	ssyncset.done $0x0  }
0x49: {  	s9 =	rddreg [dreg:$0x3];
	[sflag:s6] =	ssyncadd.s32 $0xFFFFD800  }
0x4a: {  	[spmem:s12], [sflag:s10] =	dma.local [hbm:s9], $0xA00  }
0x4b: {  	_ =	swait.ge [sflag:s6], $0xA00  }
0x4c: {  	[sflag:s6] =	ssyncset.done $0x0  }
0x4d: {  	[sflag:s6] =	ssyncadd.s32 $0xFFFFF600  }
0x4e: {  	[bflag:$0x0] =	sbarrier.arrive $0xFFFF  }
0x4f: {  	[tilespmem:s15], [sflag:$0x1] =	stream.indirect.gather [hbm4b:s4+s14], $0x20, s3, s14, $0xb8;
	[tilespmem:$0x13C40] =	vst v63  }
0x50: {  	s10 =	simm.s32 $0x80  }
0x51: {  	[tilespmem:s17], [sflag:$0x2] =	stream.indirect.gather [hbm4b:s4+s14], $0x20, s10, s14, $0xb8;
	[tilespmem:$0x13C40] =	vst v63  }
0x52: {  	s12 =	simm.s32 $0x100  }
0x53: {  	[tilespmem:s19], [sflag:$0x3] =	stream.indirect.gather [hbm4b:s4+s14], $0x20, s12, s14, $0xb8;
	[tilespmem:$0x13C40] =	vst v63  }
0x54: {  	s13 =	simm.s32 $0x180  }
0x55: {  	[tilespmem:s21], [sflag:$0x4] =	stream.indirect.gather [hbm4b:s4+s14], $0x20, s13, s14, $0xb8;
	[tilespmem:$0x13C40] =	vst v63  }
0x56: {  	s22 =	simm.s32 $0x200;
	s9 =	simm.s32 $0x0  }
0x57: {  	[tilespmem:s23], [sflag:$0x5] =	stream.indirect.gather [hbm4b:s4+s14], $0x20, s22, s14, $0xb8;
	[tilespmem:$0x13C40] =	vst v63  }
.LBB2_2:
0x58: {  	_ =	swait.ge [sflag:s24], $0xFA0  }
0x59: {  	s3 =	sshra.s32 s9, $0x2;
	[sflag:s24] =	ssyncset.done $0x0  }
0x5a: {  	p0 =	seq.s32 s9, $0x0;
	s22 =	sadd.s32 $0x2800, s3;
	[sflag:s24] =	ssyncadd.s32 $0xFFFFF060  }
0x5b: {  	[spmem:s2] =	stream.indirect.scatter.add.f32 [tilespmem:s15], [sflag:$0xB], $0x20, s22, s14, $0xb8;
	[tilespmem:$0x13C40] =	vst v63  }
0x5c: {  	s22 =	simm.s32 @!p0 $0x10  }
0x5d: {  	_ =	swait.ge @!p0 [sflag:s22], $0xFA0  }
0x5e: {  	[sflag:s22] =	ssyncset.done @!p0 $0x0  }
0x5f: {  	s12 =	sadd.s32 $0x280, s3;
	[sflag:s22] =	ssyncadd.s32 @!p0 $0xFFFFF060  }
0x60: {  	[tilespmem:s25], [sflag:$0x6] =	stream.indirect.gather [hbm4b:s4+s14], $0x20, s12, s14, $0xb8;
	[tilespmem:$0x13C40] =	vst v63  }
0x61: {  	_ =	swait.ge [sflag:s26], $0xFA0  }
0x62: {  	[sflag:s26] =	ssyncset.done $0x0  }
0x63: {  	s13 =	sadd.s32 $0x2880, s3;
	s22 =	simm.s32 @!p0 $0x11;
	[sflag:s26] =	ssyncadd.s32 $0xFFFFF060  }
0x64: {  	[spmem:s2] =	stream.indirect.scatter.add.f32 [tilespmem:s17], [sflag:$0xC], $0x20, s13, s14, $0xb8;
	[tilespmem:$0x13C40] =	vst v63  }
0x65: {  	_ =	swait.ge @!p0 [sflag:s22], $0xFA0  }
0x66: {  	[sflag:s22] =	ssyncset.done @!p0 $0x0  }
0x67: {  	s5 =	sadd.s32 $0x300, s3;
	[sflag:s22] =	ssyncadd.s32 @!p0 $0xFFFFF060  }
0x68: {  	[tilespmem:s28], [sflag:$0x7] =	stream.indirect.gather [hbm4b:s4+s14], $0x20, s5, s14, $0xb8;
	[tilespmem:$0x13C40] =	vst v63  }
0x69: {  	_ =	swait.ge [sflag:s29], $0xFA0  }
0x6a: {  	[sflag:s29] =	ssyncset.done $0x0  }
0x6b: {  	s6 =	sadd.s32 $0x2900, s3;
	s22 =	simm.s32 @!p0 $0x12;
	[sflag:s29] =	ssyncadd.s32 $0xFFFFF060  }
0x6c: {  	[spmem:s2] =	stream.indirect.scatter.add.f32 [tilespmem:s19], [sflag:$0xD], $0x20, s6, s14, $0xb8;
	[tilespmem:$0x13C40] =	vst v63  }
0x6d: {  	_ =	swait.ge @!p0 [sflag:s22], $0xFA0  }
0x6e: {  	[sflag:s22] =	ssyncset.done @!p0 $0x0  }
0x6f: {  	s10 =	sadd.s32 $0x380, s3;
	[sflag:s22] =	ssyncadd.s32 @!p0 $0xFFFFF060  }
0x70: {  	[tilespmem:s30], [sflag:$0x8] =	stream.indirect.gather [hbm4b:s4+s14], $0x20, s10, s14, $0xb8;
	[tilespmem:$0x13C40] =	vst v63  }
0x71: {  	_ =	swait.ge [sflag:s31], $0xFA0  }
0x72: {  	[sflag:s31] =	ssyncset.done $0x0  }
0x73: {  	s12 =	sadd.s32 $0x2980, s3;
	s22 =	simm.s32 @!p0 $0x13;
	[sflag:s31] =	ssyncadd.s32 $0xFFFFF060  }
0x74: {  	[spmem:s2] =	stream.indirect.scatter.add.f32 [tilespmem:s21], [sflag:$0xE], $0x20, s12, s14, $0xb8;
	[tilespmem:$0x13C40] =	vst v63  }
0x75: {  	_ =	swait.ge @!p0 [sflag:s22], $0xFA0  }
0x76: {  	[sflag:s22] =	ssyncset.done @!p0 $0x0  }
0x77: {  	s13 =	sadd.s32 $0x400, s3;
	[sflag:s22] =	ssyncadd.s32 @!p0 $0xFFFFF060  }
0x78: {  	[tilespmem:s1], [sflag:$0x9] =	stream.indirect.gather [hbm4b:s4+s14], $0x20, s13, s14, $0xb8;
	[tilespmem:$0x13C40] =	vst v63  }
0x79: {  	_ =	swait.ge [sflag:s0], $0xFA0  }
0x7a: {  	[sflag:s0] =	ssyncset.done $0x0  }
0x7b: {  	s5 =	sadd.s32 $0x2A00, s3;
	s22 =	simm.s32 @!p0 $0x14;
	[sflag:s0] =	ssyncadd.s32 $0xFFFFF060  }
0x7c: {  	[spmem:s2] =	stream.indirect.scatter.add.f32 [tilespmem:s23], [sflag:$0xF], $0x20, s5, s14, $0xb8;
	[tilespmem:$0x13C40] =	vst v63  }
0x7d: {  	_ =	swait.ge @!p0 [sflag:s22], $0xFA0  }
0x7e: {  	[sflag:s22] =	ssyncset.done @!p0 $0x0  }
0x7f: {  	s6 =	sadd.s32 $0x480, s3;
	[sflag:s22] =	ssyncadd.s32 @!p0 $0xFFFFF060  }
0x80: {  	[tilespmem:s11], [sflag:$0xA] =	stream.indirect.gather [hbm4b:s4+s14], $0x20, s6, s14, $0xb8;
	[tilespmem:$0x13C40] =	vst v63  }
0x81: {  	_ =	swait.ge [sflag:s16], $0xFA0  }
0x82: {  	p0 =	seq.s32 s9, $0x8C00;
	[sflag:s16] =	ssyncset.done $0x0  }
0x83: {  	s10 =	sadd.s32 $0x2A80, s3;
	s22 =	simm.s32 @p0 $0x7;
	[sflag:s16] =	ssyncadd.s32 $0xFFFFF060  }
0x84: {  	[spmem:s2] =	stream.indirect.scatter.add.f32 [tilespmem:s25], [sflag:$0x10], $0x20, s10, s14, $0xb8;
	[tilespmem:$0x13C40] =	vst v63  }
0x85: {  	_ =	swait.ge @p0 [sflag:s22], $0xFA0  }
0x86: {  	[sflag:s22] =	ssyncset.done @p0 $0x0  }
0x87: {  	[sflag:s22] =	ssyncadd.s32 @p0 $0xFFFFF060;
	s22 =	sshra.s32 @p0 s9, $0x2  }
0x88: {  	s6 =	simm.s32 @p0 $0x7D;
	s12 =	simm.s32 @p0 $0xADC0;
	s5 =	sadd.s32 @p0 $0x2B00, s22  }
0x89: {  	[spmem:s2] =	stream.indirect.scatter.add.f32 @p0 [tilespmem:s12], [sflag:$0x11], $0x20, s5, s6, $0xb8;
	[tilespmem:$0x13C40] =	vst v63  }
0x8a: {  	s5 =	simm.s32 @!p0 $0xB  }
0x8b: {  	_ =	swait.ge @!p0 [sflag:s5], $0xFA0  }
0x8c: {  	[sflag:s5] =	ssyncset.done @!p0 $0x0  }
0x8d: {  	[sflag:s5] =	ssyncadd.s32 @!p0 $0xFFFFF060;
	s5 =	sshra.s32 @!p0 s9, $0x2  }
0x8e: {  	s13 =	simm.s32 @!p0 $0x7D;
	s10 =	simm.s32 @!p0 $0x5000;
	s12 =	sadd.s32 @!p0 $0x500, s5  }
0x8f: {  	[tilespmem:s10], [sflag:$0x1] =	stream.indirect.gather @!p0 [hbm4b:s4+s13], $0x20, s12, s13, $0xb8;
	[tilespmem:$0x13C40] =	vst v63  }
0x90: {  	s10 =	simm.s32 @!p0 $0x7  }
0x91: {  	_ =	swait.ge @!p0 [sflag:s10], $0xFA0  }
0x92: {  	[sflag:s10] =	ssyncset.done @!p0 $0x0  }
0x93: {  	s12 =	simm.s32 @!p0 $0xADC0;
	[sflag:s10] =	ssyncadd.s32 @!p0 $0xFFFFF060;
	s10 =	sadd.s32 @!p0 $0x2B00, s5  }
0x94: {  	[spmem:s2] =	stream.indirect.scatter.add.f32 @!p0 [tilespmem:s12], [sflag:$0x11], $0x20, s10, s13, $0xb8;
	[tilespmem:$0x13C40] =	vst v63  }
0x95: {  	s10 =	simm.s32 @!p0 $0xC  }
0x96: {  	_ =	swait.ge @!p0 [sflag:s10], $0xFA0  }
0x97: {  	[sflag:s10] =	ssyncset.done @!p0 $0x0  }
0x98: {  	s12 =	simm.s32 @!p0 $0x5FA0;
	[sflag:s10] =	ssyncadd.s32 @!p0 $0xFFFFF060;
	s10 =	sadd.s32 @!p0 $0x580, s5  }
0x99: {  	[tilespmem:s12], [sflag:$0x2] =	stream.indirect.gather @!p0 [hbm4b:s4+s13], $0x20, s10, s13, $0xb8;
	[tilespmem:$0x13C40] =	vst v63  }
0x9a: {  	_ =	swait.ge [sflag:s18], $0xFA0  }
0x9b: {  	[sflag:s18] =	ssyncset.done $0x0  }
0x9c: {  	s12 =	sadd.s32 $0x2B80, s3;
	s10 =	simm.s32 @p0 $0x9;
	[sflag:s18] =	ssyncadd.s32 $0xFFFFF060  }
0x9d: {  	[spmem:s2] =	stream.indirect.scatter.add.f32 [tilespmem:s30], [sflag:$0x12], $0x20, s12, s14, $0xb8;
	[tilespmem:$0x13C40] =	vst v63  }
0x9e: {  	_ =	swait.ge @p0 [sflag:s10], $0xFA0  }
0x9f: {  	[sflag:s10] =	ssyncset.done @p0 $0x0  }
0xa0: {  	s12 =	simm.s32 @p0 $0xCD00;
	[sflag:s10] =	ssyncadd.s32 @p0 $0xFFFFF060;
	s10 =	sadd.s32 @p0 $0x2C00, s22  }
0xa1: {  	[spmem:s2] =	stream.indirect.scatter.add.f32 @p0 [tilespmem:s12], [sflag:$0x13], $0x20, s10, s6, $0xb8;
	[tilespmem:$0x13C40] =	vst v63  }
0xa2: {  	s6 =	simm.s32 @!p0 $0xD  }
0xa3: {  	_ =	swait.ge @!p0 [sflag:s6], $0xFA0  }
0xa4: {  	[sflag:s6] =	ssyncset.done @!p0 $0x0  }
0xa5: {  	s10 =	simm.s32 @!p0 $0x6F40;
	[sflag:s6] =	ssyncadd.s32 @!p0 $0xFFFFF060;
	s6 =	sadd.s32 @!p0 $0x600, s5  }
0xa6: {  	[tilespmem:s10], [sflag:$0x3] =	stream.indirect.gather @!p0 [hbm4b:s4+s13], $0x20, s6, s13, $0xb8;
	[tilespmem:$0x13C40] =	vst v63  }
0xa7: {  	s6 =	simm.s32 @!p0 $0x9  }
0xa8: {  	_ =	swait.ge @!p0 [sflag:s6], $0xFA0  }
0xa9: {  	[sflag:s6] =	ssyncset.done @!p0 $0x0  }
0xaa: {  	s10 =	simm.s32 @!p0 $0xCD00;
	[sflag:s6] =	ssyncadd.s32 @!p0 $0xFFFFF060;
	s6 =	sadd.s32 @!p0 $0x2C00, s5  }
0xab: {  	[spmem:s2] =	stream.indirect.scatter.add.f32 @!p0 [tilespmem:s10], [sflag:$0x13], $0x20, s6, s13, $0xb8;
	[tilespmem:$0x13C40] =	vst v63  }
0xac: {  	s6 =	simm.s32 @!p0 $0xE  }
0xad: {  	_ =	swait.ge @!p0 [sflag:s6], $0xFA0  }
0xae: {  	[sflag:s6] =	ssyncset.done @!p0 $0x0  }
0xaf: {  	s5 =	sadd.s32 @!p0 $0x680, s5;
	[sflag:s6] =	ssyncadd.s32 @!p0 $0xFFFFF060;
	s6 =	simm.s32 @!p0 $0x7EE0  }
0xb0: {  	[tilespmem:s6], [sflag:$0x4] =	stream.indirect.gather @!p0 [hbm4b:s4+s13], $0x20, s5, s13, $0xb8;
	[tilespmem:$0x13C40] =	vst v63  }
.Ltmp2:
0xb1: {  	_ = 	snop;
	(pc) =	sbr.rel @p0 .LBB2_4-.Ltmp2, $4  }
0xb2: {  	_ =	swait.ge [sflag:s20], $0xFA0  }
0xb3: {  	[sflag:s20] =	ssyncset.done $0x0  }
0xb4: {  	s22 =	sadd.s32 $0x2C80, s3;
	[sflag:s20] =	ssyncadd.s32 $0xFFFFF060  }
0xb5: {  	[spmem:s2] =	stream.indirect.scatter.add.f32 [tilespmem:s11], [sflag:$0x14], $0x20, s22, s14, $0xb8;
	[tilespmem:$0x13C40] =	vst v63  }
.Ltmp3:
0xb6: {  	(pc) =	sbr.rel .LBB2_2-.Ltmp3, $4  }
0xb7: {  	_ =	swait.ge [sflag:s8], $0xFA0  }
0xb8: {  	[sflag:s8] =	ssyncset.done $0x0  }
0xb9: {  	s3 =	sadd.s32 $0x700, s3;
	s9 =	sadd.s32 $0x1400, s9;
	[sflag:s8] =	ssyncadd.s32 $0xFFFFF060  }
0xba: {  	[tilespmem:s23], [sflag:$0x5] =	stream.indirect.gather [hbm4b:s4+s14], $0x20, s3, s14, $0xb8;
	[tilespmem:$0x13C40] =	vst v63  }
.LBB2_5:
0xbb: {  	_ =	sfence.sel $0x180000  }
0xbc: {  	[bflag:$0x0] =	sbarrier.arrive $0xFFFF  }
0xbd: {  	_ =	strace $0x9000004A  }
0xbe: {  	s0 =	stileid.u32;
	[bflag:$0x2] =	sbarrier.arrive $0xFFFF  }
0xbf: {  	p0 =	sne.s32 s0, $0x0;
	s0 =	rddreg [dreg:$0x2]  }
0xc0: {  	s0 =	sadd.s32 @!p0 $0x100000, s0  }
0xc1: {  	[sflag:s0] =	ssyncadd.tile.s32 @!p0 $0x1;
	_ =	shalt  }
.Lfunc_end2:
_tile_overlayer_lowered:
.L_overlay_start_2:
0xc2: {  	(tag) =	ssettag $0x2  }
0xc3: {  	s0 =	rddreg [dreg:$0x0];
	s2 =	stileid.u32  }
0xc4: {  	s1 =	rddreg [dreg:$0x1];
	p0 =	sne.s32 s2, $0x0  }
0xc5: {  	s3 =	rddreg [dreg:$0x2];
	[bflag:$0x3] =	sbarrier.arrive $0xFFFF;
	s2 =	simm.s32 @!p0 $0x1C15  }
0xc6: {  	[timem:s3], [sflag:s2] =	dma.local @!p0 [hbm:s0], s1  }
0xc7: {  	s0 =	simm.s32 @!p0 $0x15  }
0xc8: {  	_ =	swait.ge @!p0 [sflag:s0], s1  }
0xc9: {  	s1 =	ssub.s32 @!p0 $0x0, s1;
	[sflag:s0] =	ssyncset.done @!p0 $0x0  }
0xca: {  	[sflag:s0] =	ssyncadd.s32 @!p0 s1  }
0xcb: {  	[bflag:$0x3] =	sbarrier.arrive $0xFFFF  }
0xcc: {  	_ =	shalt  }

// kernel: kernel.14.cloned.1.call-start
scs
__scs_entry_jumppad:
0x0: {  	(pc) =	sbr.rel $0x88, $3  }
0x1: {  	(tag) =	ssettag $0x0;
	lr =	simm.s32 $0x1  }
0x2: {  	[smem:$0x3F96] =	sst lr;
	_ =	strace $0xD0000000  }
0x3: {  	_ = 	snop  }
0x4: {  	_ = 	snop  }
0x5: {  	_ = 	snop  }
0x6: {  	_ = 	snop  }
0x7: {  	_ = 	snop  }
__scs_overlays_trampoline_lowered:
0x8: {  	[smem:$0x3FA5] =	sst s0  }
0x9: {  	[smem:$0x3FA6] =	sst s1  }
0xa: {  	[smem:$0x3FA7] =	sst s2  }
0xb: {  	[smem:$0x3FA8] =	sst s3  }
0xc: {  	[smem:$0x3FA9] =	sst s4  }
0xd: {  	[smem:$0x3FAA] =	sst s5  }
0xe: {  	[smem:$0x3FAB] =	sst s6  }
0xf: {  	[smem:$0x3FAC] =	sst s7  }
0x10: {  	[smem:$0x3FAD] =	sst s8  }
0x11: {  	[smem:$0x3FAE] =	sst s9;
	s0 =	simm.s32 @!p0 $0x0  }
0x12: {  	s1 =	sld [smem:$0x3F94];
	s0 =	simm.s32 @p0 $0x1  }
0x13: {  	[smem:$0x3FAF] =	sst s0;
	s0 =	simm.s32 @!p1 $0x0  }
0x14: {  	s2 =	sld [smem:$0x3F93];
	s0 =	simm.s32 @p1 $0x1  }
0x15: {  	[smem:$0x3FB0] =	sst s0;
	s0 =	simm.s32 @!p2 $0x0  }
0x16: {  	s3 =	sld [smem:$0x3FDB];
	s0 =	simm.s32 @p2 $0x1  }
0x17: {  	s4 =	simm.s32 $0x1BF5;
	[smem:$0x3FB2] =	sst s0  }
0x18: {  	s0 =	sld [smem:$0x3F95];
	_ =	swait.ge [sflag:s4], $0x0  }
0x19: {  	s7 =	sld [smem:$0x3F96]  }
0x1a: {  	s8 =	sadd.s32 $0xFFFFE003, lr  }
0x1b: {  	s9 =	sadd.s32 $0xFFFFFEF7, lr;
	s5 =	simm.s32 $0xFFFFFFFF;
	p2 =	slt.u32 s8, $0xFFFFF086  }
0x1c: {  	p1 =	slt.u32 s9, $0xF7A;
	s5 =	simm.s32 @!p2 $0x0  }
0x1d: {  	s5 =	simm.s32 @p1 $0x1;
	p0 =	seq.s32 s7, s2  }
0x1e: {  	s7 =	smul.u32 @!p0 $0xF7A, s2;
	p2 =	seq.s32 @!p0 s5, $0x0  }
0x1f: {  	s9 =	smul.u32 $0xF7A, s1;
	s8 =	simm.s32 @!p0 $0x1BF5;
	p2 =	por !p2, p0  }
0x20: {  	[sflag:s8] =	ssyncset.s32 @!p0 $0xFFFFF086;
	s6 =	sadd.s32 @!p0 s3, s7;
	s7 =	simm.s32 @!p0 $0x108  }
0x21: {  	s3 =	sadd.s32 s3, s9;
	s6 =	sadd.s32 @!p0 $0x88, s6;
	s7 =	simm.s32 @p2 $0x1082  }
0x22: {  	[simem:s7], [sflag:s8] =	dma.local @!p0 [hbm:s6], $0xF7A  }
0x23: {  	s9 =	sor.u32 $0xD0000000, s2;
	s6 =	simm.s32 $0x108;
	_ =	swait.ge @!p0 [sflag:s8], $0x0  }
0x24: {  	s3 =	sadd.s32 $0x88, s3;
	s6 =	simm.s32 @!p1 $0x1082;
	[sflag:s4] =	ssyncset.s32 $0xFFFFF086  }
0x25: {  	[simem:s6], [sflag:s4] =	dma.local [hbm:s3], $0xF7A  }
0x26: {  	[smem:$0x3F96] =	sst s1;
	(tag) =	ssettag s2;
	_ =	strace s9  }
0x27: {  	s1 =	sld [smem:$0x3FA6]  }
0x28: {  	s2 =	sld [smem:$0x3FA7]  }
0x29: {  	s4 =	sld [smem:$0x3FA9]  }
0x2a: {  	p0 =	seq.s32 s5, $0x0;
	s5 =	sld [smem:$0x3FAA]  }
0x2b: {  	s6 =	sld [smem:$0x3FAB]  }
0x2c: {  	s7 =	sld [smem:$0x3FAC]  }
0x2d: {  	s3 =	simm.s32 $0x108;
	s8 =	sld [smem:$0x3FAD]  }
0x2e: {  	s3 =	simm.s32 @!p0 $0x1082;
	s9 =	sld [smem:$0x3FAE]  }
0x2f: {  	lr =	sadd.s32 s0, s3;
	s0 =	sld [smem:$0x3FA5]  }
0x30: {  	s3 =	sld [smem:$0x3FA8]  }
0x31: {  	[smem:$0x3FB1] =	sst s10  }
0x32: {  	s10 =	sld [smem:$0x3FAF];
	_ =	sdelay $0x3  }
0x33: {  	p0 =	seq.s32 s10, $0x1;
	s10 =	sld [smem:$0x3FB1];
	_ =	sdelay $0x3  }
0x34: {  	[smem:$0x3FB1] =	sst s10  }
0x35: {  	s10 =	sld [smem:$0x3FB0];
	_ =	sdelay $0x3  }
0x36: {  	p1 =	seq.s32 s10, $0x1;
	s10 =	sld [smem:$0x3FB1];
	_ =	sdelay $0x3  }
0x37: {  	[smem:$0x3FB1] =	sst s10  }
0x38: {  	s10 =	sld [smem:$0x3FB2]  }
0x39: {  	_ = 	snop;
	(pc) =	sbr.ind lr, $3  }
0x3a: {  	_ = 	snop  }
0x3b: {  	_ = 	snop  }
0x3c: {  	p2 =	seq.s32 s10, $0x1;
	s10 =	sld [smem:$0x3FB1]  }
0x3d: {  	_ =	shalt  }
0x3e: {  	_ =	shalt  }
0x3f: {  	_ =	shalt  }
0x40: {  	_ =	shalt  }
0x41: {  	_ =	shalt  }
0x42: {  	_ =	shalt  }
0x43: {  	_ =	shalt  }
0x44: {  	_ =	shalt  }
0x45: {  	_ =	shalt  }
0x46: {  	_ =	shalt  }
0x47: {  	_ =	shalt  }
0x48: {  	_ =	shalt  }
0x49: {  	_ =	shalt  }
0x4a: {  	_ =	shalt  }
0x4b: {  	_ =	shalt  }
0x4c: {  	_ =	shalt  }
0x4d: {  	_ =	shalt  }
0x4e: {  	_ =	shalt  }
0x4f: {  	_ =	shalt  }
0x50: {  	_ =	shalt  }
0x51: {  	_ =	shalt  }
0x52: {  	_ =	shalt  }
0x53: {  	_ =	shalt  }
0x54: {  	_ =	shalt  }
0x55: {  	_ =	shalt  }
0x56: {  	_ =	shalt  }
0x57: {  	_ =	shalt  }
0x58: {  	_ =	shalt  }
0x59: {  	_ =	shalt  }
0x5a: {  	_ =	shalt  }
0x5b: {  	_ =	shalt  }
0x5c: {  	_ =	shalt  }
0x5d: {  	_ =	shalt  }
0x5e: {  	_ =	shalt  }
0x5f: {  	_ =	shalt  }
0x60: {  	_ =	shalt  }
0x61: {  	_ =	shalt  }
0x62: {  	_ =	shalt  }
0x63: {  	_ =	shalt  }
0x64: {  	_ =	shalt  }
0x65: {  	_ =	shalt  }
0x66: {  	_ =	shalt  }
0x67: {  	_ =	shalt  }
0x68: {  	_ =	shalt  }
0x69: {  	_ =	shalt  }
0x6a: {  	_ =	shalt  }
0x6b: {  	_ =	shalt  }
0x6c: {  	_ =	shalt  }
0x6d: {  	_ =	shalt  }
0x6e: {  	_ =	shalt  }
0x6f: {  	_ =	shalt  }
0x70: {  	_ =	shalt  }
0x71: {  	_ =	shalt  }
0x72: {  	_ =	shalt  }
0x73: {  	_ =	shalt  }
0x74: {  	_ =	shalt  }
0x75: {  	_ =	shalt  }
0x76: {  	_ =	shalt  }
0x77: {  	_ =	shalt  }
0x78: {  	_ =	shalt  }
0x79: {  	_ =	shalt  }
0x7a: {  	_ =	shalt  }
0x7b: {  	_ =	shalt  }
0x7c: {  	_ =	shalt  }
0x7d: {  	_ =	shalt  }
0x7e: {  	_ =	shalt  }
0x7f: {  	_ =	shalt  }
0x80: {  	_ =	shalt  }
0x81: {  	_ =	shalt  }
0x82: {  	_ =	shalt  }
0x83: {  	_ =	shalt  }
0x84: {  	_ =	shalt  }
0x85: {  	_ =	shalt  }
0x86: {  	_ =	shalt  }
0x87: {  	_ =	shalt  }
.Lfunc_end0:
.L_simem_size_0:
called_computation.2_lowered:
.L_overlay_start_0:
0x88: {  	s2 =	sld [smem:$0x3FD9]  }
0x89: {  	s3 =	sld [smem:$0x3FFE];
	_ =	sdelay $0x1  }
0x8a: {  	s1 =	srdreg.scid  }
0x8b: {  	s0 =	sand.u32 $0x1, s1  }
0x8c: {  	s16 =	sshll.u32 s0, $0xA;
	s2 =	sadd.s32 s3, s2  }
0x8d: {  	s2 =	sadd.s32 s2, s16  }
0x8e: {  	[smem:$0x3FBD] =	sst s2  }
0x8f: {  	_ = 	snop  }
0x90: {  	(tm) =	ssettm $0x1  }
0x91: {  	s17 =	sld [smem:$0x3FFB];
	_ =	sdelay $0x3  }
0x92: {  	_ =	strace s17  }
0x93: {  	s2 =	sld [smem:$0x3FFC];
	_ =	sdelay $0x3  }
0x94: {  	_ =	strace s2  }
0x95: {  	s2 =	sld [smem:$0x3FFD];
	_ =	sdelay $0x3  }
0x96: {  	_ =	strace s2  }
0x97: {  	_ =	strace $0x8FFFFFFF  }
0x98: {  	s18 =	sld [smem:$0x3FDB];
	_ =	sdelay $0x1  }
0x99: {  	s19 =	simm.s32 $_scs_section_size  }
0x9a: {  	s4 =	simm.s32 $_size__tile_overlayer_lowered;
	s5 =	simm.s32 $_tile_overlayer_lowered  }
0x9b: {  	s22 =	simm.s32 $0x1BFF;
	s21 =	sshll.u32 s5, $0x1;
	s2 =	sadd.s32 s19, s18  }
0x9c: {  	s6 =	simm.s32 $0x0;
	s20 =	sshll.u32 s4, $0x1;
	s4 =	sadd.s32 s21, s2  }
0x9d: {  	[timem:s6], [sflag:s22] =	dma.local [hbm:s4], s20  }
0x9e: {  	_ =	swait.ge [sflag:s22], s20  }
0x9f: {  	s3 =	ssub.s32 $0x0, s20;
	[sflag:s22] =	ssyncset.done $0x0  }
0xa0: {  	[sflag:s22] =	ssyncadd.s32 s3;
	_ =	sdelay $0x1  }
0xa1: {  	s23 =	simm.s32 $0x1B8B  }
0xa2: {  	_ =	swait.ge [sflag:s23], $0x1  }
0xa3: {  	[sflag:s23] =	ssyncset.done $0x0  }
0xa4: {  	s25 =	simm.s32 $0x1B8E;
	s24 =	sld [smem:$0x3FFE];
	[sflag:s23] =	ssyncadd.s32 $0xFFFFFFFF  }
0xa5: {  	s26 =	simm.s32 $execute0_lowered;
	[smem:$0x3FD2] =	sst s25  }
0xa6: {  	s4 =	sshll.u32 s26, $0x1;
	_ =	strace $0x8000004C;
	[dreg:$0x1] =	wrdreg $0xFFFFFFFF  }
0xa7: {  	s28 =	simm.s32 $_size_execute0_lowered;
	s2 =	sadd.s32 s2, s4;
	[dreg:$0x0] =	wrdreg $0x0  }
0xa8: {  	s4 =	sshll.u32 s28, $0x1;
	[dreg:$0x2] =	wrdreg s2  }
0xa9: {  	[dreg:$0x3] =	wrdreg s4  }
0xaa: {  	[dreg:$0x4] =	wrdreg $0xC0  }
0xab: {  	_ =	task [dreg:s6], $0x5FFFF  }
0xac: {  	[dreg:$0x1] =	wrdreg $0xFFFFFFFF  }
0xad: {  	[dreg:$0x0] =	wrdreg $0x60  }
0xae: {  	[dreg:$0x2] =	wrdreg s24  }
0xaf: {  	[dreg:$0x3] =	wrdreg $0x9  }
0xb0: {  	_ =	task.clear_ibuf [dreg:s6], $0x4FFFF;
	_ =	strace $0x9000004C  }
0xb1: {  	s29 =	simm.s32 $0x9;
	_ =	strace $0x8000004E  }
0xb2: {  	_ =	swait.ge [sflag:s29], $0x1  }
0xb3: {  	[sflag:s29] =	ssyncadd.s32 $0xFFFFFFFF  }
0xb4: {  	_ =	strace $0x9000004E  }
0xb5: {  	_ =	sfence  }
0xb6: {  	s30 =	sld [smem:$0x0];
	_ =	sdelay $0x2  }
0xb7: {  	s31 =	sshll.u32 s1, $0xD;
	s1 =	sshrl.u32 s1, $0x2  }
0xb8: {  	s3 =	sand.u32 $0x4000, s31;
	s1 =	sadd.s32 s1, s30  }
0xb9: {  	s0 =	sor.u32 s3, s0;
	s1 =	sshll.u32 s1, $0x11  }
0xba: {  	s0 =	sor.u32 s1, s0  }
0xbb: {  	s0 =	sadd.s32 $0x8F2B, s0  }
0xbc: {  	[sflag:s0] =	ssyncadd.remote.s32 $0x1  }
0xbd: {  	_ =	sfence.sel $0xFFFF  }
0xbe: {  	[dreg:$0x0] =	wrdreg $0xFFFFFFFF;
	(pc) =	sbr.abs _section_cstart, $3  }
0xbf: {  	[dreg:$0x1] =	wrdreg $0xFFFFFFFF  }
0xc0: {  	_ =	task.clear_ibuf [dreg:s6], $0x2FFFF;
	_ =	strace $0x9FFFFFFF  }
0xc1: {  	(tm) =	ssettm $0x7FFFFFFF  }
tec
execute0_lowered:
.L_overlay_start_1:
0x0: {  	(tag) =	ssettag $0x1  }
0x1: {  	s0 =	srdreg.scid;
	s2 =	stileid.u32  }
0x2: {  	s4 =	rddreg [dreg:$0x0];
	s15 =	simm.s32 $0xA140;
	s0 =	sand.u32 $0x1, s0  }
0x3: {  	s16 =	simm.s32 $0x1;
	s17 =	simm.s32 $0x2;
	s1 =	sshll.u32 s0, $0x4  }
0x4: {  	s18 =	simm.s32 $0x0;
	s31 =	sadd.s32 $0x2AE00, s4;
	s1 =	sor.u32 s2, s1  }
0x5: {  	s0 =	ssub.s32 $0x2, s0;
	s2 =	simm.s32 $0x0;
	s3 =	smul.u32 $0x2800, s1  }
0x6: {  	s30 =	sshrl.u32 s0, $0x1;
	[smem:$0x7FF] =	sst s2;
	s5 =	smul.u32 $0x28, s1  }
0x7: {  	s1 =	sshll.u32 s1, $0x8;
	s0 =	ssub.s32 s0, s30;
	_ =	strace $0x8000004D  }
0x8: {  	[dreg:$0x2] =	wrdreg s31;
	s1 =	sadd.s32 s1, s4;
	s3 =	sshrl.u32 s3, $0x3  }
0x9: {  	s10 =	smax.u32 s0, $0x1;
	s8 =	sadd.s32 s5, s4;
	s7 =	sadd.s32 s3, s4  }
0xa: {  	s9 =	sadd.s32 $0x2E00, s1;
	s8 =	sadd.s32 $0x3F800, s8;
	s4 =	sadd.s32 $0x2B800, s7  }
0xb: {  	s5 =	sadd.s32 $0x35800, s7;
	s6 =	sadd.s32 $0x16E00, s7;
	s7 =	sadd.s32 $0x20E00, s7  }
.LBB2_1:
0xc: {  	[tilespmem:s2], [sflag:$0x1] =	stream.linear.gather [hbm4b:s4+s2], $0x2800, $0x38;
	[tilespmem:$0xA940] =	vst v63  }
0xd: {  	s0 =	simm.s32 $0x2800  }
0xe: {  	[tilespmem:s0], [sflag:$0x1] =	stream.linear.gather [hbm4b:s5+s2], $0x2800, $0x38;
	[tilespmem:$0xA940] =	vst v63  }
0xf: {  	s28 =	simm.s32 $0x5000  }
0x10: {  	[tilespmem:s28], [sflag:$0x1] =	stream.linear.gather [hbm4b:s6+s2], $0x2800, $0x38;
	[tilespmem:$0xA940] =	vst v63  }
0x11: {  	s29 =	simm.s32 $0x7800  }
0x12: {  	[tilespmem:s29], [sflag:$0x1] =	stream.linear.gather [hbm4b:s7+s2], $0x2800, $0x38;
	[tilespmem:$0xA940] =	vst v63  }
0x13: {  	s30 =	simm.s32 $0xA000  }
0x14: {  	[tilespmem:s30], [sflag:$0x1] =	stream.linear.gather [hbm4b:s8+s2], $0x140, $0x38;
	[tilespmem:$0xA940] =	vst v63  }
0x15: {  	s31 =	rddreg [dreg:$0x2]  }
0x16: {  	[tilespmem:s15], [sflag:$0x1] =	stream.linear.gather [hbm4b:s31+s2], $0x800, $0x38;
	[tilespmem:$0xA940] =	vst v63  }
0x17: {  	_ =	swait.ge [sflag:s16], $0x2800  }
0x18: {  	[sflag:s16] =	ssyncset.done $0x0  }
0x19: {  	[sflag:s16] =	ssyncadd.s32 $0xFFFFD800  }
0x1a: {  	_ =	swait.ge [sflag:s16], $0x2800  }
0x1b: {  	[sflag:s16] =	ssyncset.done $0x0  }
0x1c: {  	[sflag:s16] =	ssyncadd.s32 $0xFFFFD800  }
0x1d: {  	_ =	swait.ge [sflag:s16], $0x2800  }
0x1e: {  	[sflag:s16] =	ssyncset.done $0x0  }
0x1f: {  	[sflag:s16] =	ssyncadd.s32 $0xFFFFD800  }
0x20: {  	_ =	swait.ge [sflag:s16], $0x2800  }
0x21: {  	[sflag:s16] =	ssyncset.done $0x0  }
0x22: {  	[sflag:s16] =	ssyncadd.s32 $0xFFFFD800  }
0x23: {  	_ =	swait.ge [sflag:s16], $0x140  }
0x24: {  	[sflag:s16] =	ssyncset.done $0x0  }
0x25: {  	[sflag:s16] =	ssyncadd.s32 $0xFFFFFEC0  }
0x26: {  	_ =	swait.ge [sflag:s16], $0x800  }
0x27: {  	[sflag:s16] =	ssyncset.done $0x0  }
0x28: {  	s0 =	simm.s32 $0x0;
	[sflag:s16] =	ssyncadd.s32 $0xFFFFF800  }
0x29: {  	v0 =	vld [tilespmem:s0+$0x0]  }
0x2a: {  	v1 =	vld [tilespmem:s0+$0x2800]  }
0x2b: {  	v2 =	vld [tilespmem:s0+$0x10]  }
0x2c: {  	v3 =	vld [tilespmem:s0+$0x2810]  }
0x2d: {  	v4 =	vld [tilespmem:s0+$0x5000]  }
0x2e: {  	v5 =	vld [tilespmem:s0+$0x5010]  }
0x2f: {  	v6 =	vld [tilespmem:s0+$0x7800]  }
0x30: {  	v7 =	vld [tilespmem:s0+$0x7810];
	v0 =	vadd.f32 v1, v0  }
0x31: {  	v1 =	vadd.f32 v3, v2  }
0x32: {  	s1 =	simm.s32 $0x20;
	v2 =	vadd.f32 v4, v0  }
0x33: {  	v0 =	vld [tilespmem:s1+$0x0];
	v4 =	vadd.f32 v5, v1  }
0x34: {  	v1 =	vld [tilespmem:s1+$0x2800];
	v3 =	vmul.f32 v6, v2  }
0x35: {  	s11 =	simm.s32 $0x100;
	v2 =	vld [tilespmem:s1+$0x10];
	v4 =	vmul.f32 v7, v4  }
.LBB2_2:
0x36: {  	p0 =	sne.s32 s11, $0x9F80;
	v5 =	vld [tilespmem:s1+$0x2810];
	[tilespmem:s0+$0x5000] =	vst v3  }
0x37: {  	v3 =	vld [tilespmem:s1+$0x5000];
	[tilespmem:s0+$0x5010] =	vst v4;
	s0 =	smov.u32 s1  }
0x38: {  	v4 =	vld [tilespmem:s0+$0x5010]  }
0x39: {  	v6 =	vld [tilespmem:s0+$0x7800]  }
0x3a: {  	v0 =	vadd.f32 v1, v0;
	v7 =	vld [tilespmem:s0+$0x7810]  }
.Ltmp0:
0x3b: {  	v1 =	vadd.f32 v5, v2;
	(pc) =	sbr.rel @p0 .LBB2_2-.Ltmp0, $4  }
0x3c: {  	s1 =	sshra.s32 s11, $0x2;
	v2 =	vadd.f32 v3, v0  }
0x3d: {  	v0 =	vld [tilespmem:s1+$0x0];
	v4 =	vadd.f32 v4, v1  }
0x3e: {  	v1 =	vld [tilespmem:s1+$0x2800];
	v3 =	vmul.f32 v6, v2  }
0x3f: {  	s11 =	sadd.s32 $0x80, s11;
	v2 =	vld [tilespmem:s1+$0x10];
	v4 =	vmul.f32 v7, v4  }
0x40: {  	v5 =	vld [tilespmem:s1+$0x2810];
	[tilespmem:s0+$0x5000] =	vst v3  }
0x41: {  	v3 =	vld [tilespmem:s1+$0x5000];
	[tilespmem:s0+$0x5010] =	vst v4  }
0x42: {  	v4 =	vld [tilespmem:s1+$0x5010]  }
0x43: {  	v6 =	vld [tilespmem:s1+$0x7800]  }
0x44: {  	v0 =	vadd.f32 v1, v0;
	v1 =	vld [tilespmem:s1+$0x7810]  }
0x45: {  	v2 =	vadd.f32 v5, v2  }
0x46: {  	v0 =	vadd.f32 v3, v0  }
0x47: {  	v2 =	vadd.f32 v4, v2  }
0x48: {  	v0 =	vmul.f32 v6, v0  }
0x49: {  	v1 =	vmul.f32 v1, v2  }
0x4a: {  	[tilespmem:s1+$0x5000] =	vst v0  }
0x4b: {  	s31 =	simm.s32 $0x0;
	[tilespmem:s1+$0x5010] =	vst v1  }
0x4c: {  	v0 =	vld [tilespmem:s31+$0xA000];
	_ =	sdelay $0x4  }
0x4d: {  	(v2sf) =	vpush v0, $0x0;
	_ =	sdelay $0x2  }
0x4e: {  	(v2sf) =	vpush v0, $0x2  }
0x4f: {  	(v2sf) =	vpush v0, $0x3  }
0x50: {  	(v2sf) =	vpush v0, $0x4  }
0x51: {  	(v2sf) =	vpush v0, $0x5  }
0x52: {  	(v2sf) =	vpush v0, $0x6  }
0x53: {  	(v2sf) =	vpush v0, $0x7  }
0x54: {  	(v2sf) =	vpush v0, $0x8  }
0x55: {  	(v2sf) =	vpush v0, $0x9  }
0x56: {  	(v2sf) =	vpush v0, $0xA  }
0x57: {  	(v2sf) =	vpush v0, $0xB  }
0x58: {  	(v2sf) =	vpush v0, $0xC  }
0x59: {  	(v2sf) =	vpush v0, $0x1  }
0x5a: {  	s0 =	spop (v2sf)  }
0x5b: {  	p0 =	slt.s32 s0, $0x0  }
0x5c: {  	s19 =	simm.s32 $0x5100;
	s0 =	sshll.u32 @!p0 s0, $0x7  }
0x5d: {  	s13 =	spop (v2sf);
	v1 =	vld @!p0 [tilespmem:s19+$0xFFFFFF00];
	s23 =	sshra.s32 @!p0 s0, $0x2  }
0x5e: {  	s24 =	spop (v2sf);
	v2 =	vld @!p0 [tilespmem:s23+$0xA140]  }
0x5f: {  	s25 =	spop (v2sf)  }
0x60: {  	s26 =	spop (v2sf)  }
0x61: {  	s22 =	spop (v2sf)  }
0x62: {  	s12 =	spop (v2sf)  }
0x63: {  	s21 =	spop (v2sf);
	v1 =	vmax.f32 @!p0 v2, v1  }
0x64: {  	s20 =	spop (v2sf);
	v2 =	vld @!p0 [tilespmem:s23+$0xA150];
	[tilespmem:s23+$0xA140] =	vst @!p0 v1  }
0x65: {  	s11 =	spop (v2sf);
	v1 =	vld @!p0 [tilespmem:s19+$0xFFFFFF10]  }
0x66: {  	s1 =	spop (v2sf)  }
0x67: {  	s0 =	spop (v2sf)  }
0x68: {  	s28 =	spop (v2sf)  }
0x69: {  	p1 =	slt.s32 s28, $0x0  }
0x6a: {  	s28 =	sshll.u32 @!p1 s28, $0x7;
	v1 =	vmax.f32 @!p0 v2, v1  }
0x6b: {  	s28 =	sshra.s32 @!p1 s28, $0x2;
	[tilespmem:s23+$0xA150] =	vst @!p0 v1  }
0x6c: {  	v1 =	vld @!p1 [tilespmem:s28+$0xA140]  }
0x6d: {  	v2 =	vld @!p1 [tilespmem:s19+$0xFFFFFF20];
	_ =	sdelay $0x4  }
0x6e: {  	v1 =	vmax.f32 @!p1 v1, v2  }
0x6f: {  	[tilespmem:s28+$0xA140] =	vst @!p1 v1;
	v1 =	vld @!p1 [tilespmem:s28+$0xA150]  }
0x70: {  	v2 =	vld @!p1 [tilespmem:s19+$0xFFFFFF30];
	_ =	sdelay $0x3  }
0x71: {  	p0 =	slt.s32 s13, $0x0  }
0x72: {  	s13 =	sshll.u32 @!p0 s13, $0x7;
	v1 =	vmax.f32 @!p1 v1, v2  }
0x73: {  	s13 =	sshra.s32 @!p0 s13, $0x2;
	[tilespmem:s28+$0xA150] =	vst @!p1 v1  }
0x74: {  	v1 =	vld @!p0 [tilespmem:s13+$0xA140]  }
0x75: {  	v2 =	vld @!p0 [tilespmem:s19+$0xFFFFFF40];
	_ =	sdelay $0x4  }
0x76: {  	v1 =	vmax.f32 @!p0 v1, v2  }
0x77: {  	[tilespmem:s13+$0xA140] =	vst @!p0 v1;
	v1 =	vld @!p0 [tilespmem:s13+$0xA150]  }
0x78: {  	v2 =	vld @!p0 [tilespmem:s19+$0xFFFFFF50];
	_ =	sdelay $0x3  }
0x79: {  	p1 =	slt.s32 s24, $0x0  }
0x7a: {  	s23 =	sshll.u32 @!p1 s24, $0x7;
	v1 =	vmax.f32 @!p0 v1, v2  }
0x7b: {  	[tilespmem:s13+$0xA150] =	vst @!p0 v1;
	s13 =	sshra.s32 @!p1 s23, $0x2  }
0x7c: {  	v1 =	vld @!p1 [tilespmem:s13+$0xA140]  }
0x7d: {  	v2 =	vld @!p1 [tilespmem:s19+$0xFFFFFF60];
	_ =	sdelay $0x4  }
0x7e: {  	v1 =	vmax.f32 @!p1 v1, v2  }
0x7f: {  	[tilespmem:s13+$0xA140] =	vst @!p1 v1;
	v1 =	vld @!p1 [tilespmem:s13+$0xA150]  }
0x80: {  	v2 =	vld @!p1 [tilespmem:s19+$0xFFFFFF70];
	_ =	sdelay $0x3  }
0x81: {  	p0 =	slt.s32 s25, $0x0  }
0x82: {  	s23 =	sshll.u32 @!p0 s25, $0x7;
	v1 =	vmax.f32 @!p1 v1, v2  }
0x83: {  	[tilespmem:s13+$0xA150] =	vst @!p1 v1;
	s13 =	sshra.s32 @!p0 s23, $0x2  }
0x84: {  	v1 =	vld @!p0 [tilespmem:s13+$0xA140]  }
0x85: {  	v2 =	vld @!p0 [tilespmem:s19+$0xFFFFFF80];
	_ =	sdelay $0x4  }
0x86: {  	v1 =	vmax.f32 @!p0 v1, v2  }
0x87: {  	[tilespmem:s13+$0xA140] =	vst @!p0 v1;
	v1 =	vld @!p0 [tilespmem:s13+$0xA150]  }
0x88: {  	v2 =	vld @!p0 [tilespmem:s19+$0xFFFFFF90];
	_ =	sdelay $0x3  }
0x89: {  	p1 =	slt.s32 s26, $0x0  }
0x8a: {  	s23 =	sshll.u32 @!p1 s26, $0x7;
	v1 =	vmax.f32 @!p0 v1, v2  }
0x8b: {  	[tilespmem:s13+$0xA150] =	vst @!p0 v1;
	s13 =	sshra.s32 @!p1 s23, $0x2  }
0x8c: {  	v1 =	vld @!p1 [tilespmem:s13+$0xA140]  }
0x8d: {  	v2 =	vld @!p1 [tilespmem:s19+$0xFFFFFFA0];
	_ =	sdelay $0x4  }
0x8e: {  	v1 =	vmax.f32 @!p1 v1, v2  }
0x8f: {  	[tilespmem:s13+$0xA140] =	vst @!p1 v1;
	v1 =	vld @!p1 [tilespmem:s13+$0xA150]  }
0x90: {  	v2 =	vld @!p1 [tilespmem:s19+$0xFFFFFFB0];
	_ =	sdelay $0x3  }
0x91: {  	p0 =	slt.s32 s22, $0x0  }
0x92: {  	s22 =	sshll.u32 @!p0 s22, $0x7;
	v1 =	vmax.f32 @!p1 v1, v2  }
0x93: {  	[tilespmem:s13+$0xA150] =	vst @!p1 v1;
	s13 =	sshra.s32 @!p0 s22, $0x2  }
0x94: {  	v1 =	vld @!p0 [tilespmem:s13+$0xA140]  }
0x95: {  	v2 =	vld @!p0 [tilespmem:s19+$0xFFFFFFC0];
	_ =	sdelay $0x4  }
0x96: {  	v1 =	vmax.f32 @!p0 v1, v2  }
0x97: {  	[tilespmem:s13+$0xA140] =	vst @!p0 v1;
	v1 =	vld @!p0 [tilespmem:s13+$0xA150]  }
0x98: {  	v2 =	vld @!p0 [tilespmem:s19+$0xFFFFFFD0];
	_ =	sdelay $0x3  }
0x99: {  	p1 =	slt.s32 s12, $0x0  }
0x9a: {  	s12 =	sshll.u32 @!p1 s12, $0x7;
	v1 =	vmax.f32 @!p0 v1, v2  }
0x9b: {  	s12 =	sshra.s32 @!p1 s12, $0x2;
	[tilespmem:s13+$0xA150] =	vst @!p0 v1  }
0x9c: {  	v1 =	vld @!p1 [tilespmem:s12+$0xA140]  }
0x9d: {  	v2 =	vld @!p1 [tilespmem:s19+$0xFFFFFFE0];
	_ =	sdelay $0x4  }
0x9e: {  	v1 =	vmax.f32 @!p1 v1, v2  }
0x9f: {  	[tilespmem:s12+$0xA140] =	vst @!p1 v1;
	v1 =	vld @!p1 [tilespmem:s12+$0xA150]  }
0xa0: {  	v2 =	vld @!p1 [tilespmem:s19+$0xFFFFFFF0];
	_ =	sdelay $0x3  }
0xa1: {  	p0 =	slt.s32 s21, $0x0  }
0xa2: {  	s13 =	sshll.u32 @!p0 s21, $0x7;
	v1 =	vmax.f32 @!p1 v1, v2  }
0xa3: {  	[tilespmem:s12+$0xA150] =	vst @!p1 v1;
	s12 =	sshra.s32 @!p0 s13, $0x2  }
0xa4: {  	v1 =	vld @!p0 [tilespmem:s12+$0xA140]  }
0xa5: {  	v2 =	vld @!p0 [tilespmem:s19+$0x0];
	_ =	sdelay $0x4  }
0xa6: {  	v1 =	vmax.f32 @!p0 v1, v2  }
0xa7: {  	[tilespmem:s12+$0xA140] =	vst @!p0 v1;
	v1 =	vld @!p0 [tilespmem:s12+$0xA150]  }
0xa8: {  	v2 =	vld @!p0 [tilespmem:s19+$0x10];
	_ =	sdelay $0x4  }
0xa9: {  	p1 =	slt.s32 s20, $0x0;
	v1 =	vmax.f32 @!p0 v1, v2  }
0xaa: {  	[tilespmem:s12+$0xA150] =	vst @!p0 v1;
	s12 =	sshll.u32 @!p1 s20, $0x7  }
0xab: {  	s12 =	sshra.s32 @!p1 s12, $0x2;
	v1 =	vld @!p1 [tilespmem:s19+$0x20]  }
0xac: {  	v2 =	vld @!p1 [tilespmem:s12+$0xA140];
	_ =	sdelay $0x4  }
0xad: {  	v1 =	vmax.f32 @!p1 v2, v1  }
0xae: {  	v2 =	vld @!p1 [tilespmem:s12+$0xA150];
	[tilespmem:s12+$0xA140] =	vst @!p1 v1  }
0xaf: {  	v1 =	vld @!p1 [tilespmem:s19+$0x30];
	_ =	sdelay $0x3  }
0xb0: {  	p0 =	slt.s32 s11, $0x0  }
0xb1: {  	s11 =	sshll.u32 @!p0 s11, $0x7;
	v1 =	vmax.f32 @!p1 v2, v1  }
0xb2: {  	s11 =	sshra.s32 @!p0 s11, $0x2;
	[tilespmem:s12+$0xA150] =	vst @!p1 v1  }
0xb3: {  	v1 =	vld @!p0 [tilespmem:s11+$0xA140]  }
0xb4: {  	v2 =	vld @!p0 [tilespmem:s19+$0x40];
	_ =	sdelay $0x4  }
0xb5: {  	v1 =	vmax.f32 @!p0 v1, v2  }
0xb6: {  	v2 =	vld @!p0 [tilespmem:s11+$0xA150];
	[tilespmem:s11+$0xA140] =	vst @!p0 v1  }
0xb7: {  	v1 =	vld @!p0 [tilespmem:s19+$0x50];
	_ =	sdelay $0x3  }
0xb8: {  	p1 =	slt.s32 s1, $0x0  }
0xb9: {  	s1 =	sshll.u32 @!p1 s1, $0x7;
	v1 =	vmax.f32 @!p0 v2, v1  }
0xba: {  	s1 =	sshra.s32 @!p1 s1, $0x2;
	[tilespmem:s11+$0xA150] =	vst @!p0 v1  }
0xbb: {  	v1 =	vld @!p1 [tilespmem:s1+$0xA140]  }
0xbc: {  	v2 =	vld @!p1 [tilespmem:s19+$0x60];
	_ =	sdelay $0x4  }
0xbd: {  	v1 =	vmax.f32 @!p1 v1, v2  }
0xbe: {  	v2 =	vld @!p1 [tilespmem:s1+$0xA150];
	[tilespmem:s1+$0xA140] =	vst @!p1 v1  }
0xbf: {  	v1 =	vld @!p1 [tilespmem:s19+$0x70];
	_ =	sdelay $0x2  }
0xc0: {  	(v2sf) =	vpush v0, $0xD  }
0xc1: {  	p0 =	slt.s32 s0, $0x0  }
0xc2: {  	s0 =	sshll.u32 @!p0 s0, $0x7;
	v1 =	vmax.f32 @!p1 v2, v1  }
0xc3: {  	s0 =	sshra.s32 @!p0 s0, $0x2;
	[tilespmem:s1+$0xA150] =	vst @!p1 v1  }
0xc4: {  	v1 =	vld @!p0 [tilespmem:s0+$0xA140]  }
0xc5: {  	v2 =	vld @!p0 [tilespmem:s19+$0x80];
	_ =	sdelay $0x4  }
0xc6: {  	v1 =	vmax.f32 @!p0 v1, v2  }
0xc7: {  	v2 =	vld @!p0 [tilespmem:s0+$0xA150];
	[tilespmem:s0+$0xA140] =	vst @!p0 v1  }
0xc8: {  	v1 =	vld @!p0 [tilespmem:s19+$0x90];
	_ =	sdelay $0x2  }
0xc9: {  	(v2sf) =	vpush v0, $0xE;
	s1 =	spop (v2sf)  }
0xca: {  	p2 =	slt.s32 s1, $0x0  }
0xcb: {  	s1 =	sshll.u32 @!p2 s1, $0x7;
	v1 =	vmax.f32 @!p0 v2, v1  }
0xcc: {  	[tilespmem:s0+$0xA150] =	vst @!p0 v1;
	s0 =	sshra.s32 @!p2 s1, $0x2  }
0xcd: {  	v1 =	vld @!p2 [tilespmem:s0+$0xA140]  }
0xce: {  	v2 =	vld @!p2 [tilespmem:s19+$0xA0];
	_ =	sdelay $0x4  }
0xcf: {  	v1 =	vmax.f32 @!p2 v1, v2  }
0xd0: {  	v2 =	vld @!p2 [tilespmem:s0+$0xA150];
	[tilespmem:s0+$0xA140] =	vst @!p2 v1  }
0xd1: {  	(v2sf) =	vpush v0, $0xF;
	v0 =	vld @!p2 [tilespmem:s19+$0xB0];
	_ =	sdelay $0x2  }
0xd2: {  	s1 =	spop (v2sf)  }
0xd3: {  	p1 =	slt.s32 s1, $0x0  }
0xd4: {  	s1 =	sshll.u32 @!p1 s1, $0x7;
	v0 =	vmax.f32 @!p2 v2, v0  }
0xd5: {  	[tilespmem:s0+$0xA150] =	vst @!p2 v0;
	s0 =	sshra.s32 @!p1 s1, $0x2  }
0xd6: {  	v1 =	vld @!p1 [tilespmem:s0+$0xA140]  }
0xd7: {  	v2 =	vld @!p1 [tilespmem:s19+$0xC0];
	_ =	sdelay $0x4  }
0xd8: {  	v1 =	vmax.f32 @!p1 v1, v2  }
0xd9: {  	v0 =	vld @!p1 [tilespmem:s0+$0xA150];
	[tilespmem:s0+$0xA140] =	vst @!p1 v1  }
0xda: {  	s21 =	simm.s32 $0x40;
	s20 =	simm.s32 $0x5100;
	s22 =	spop (v2sf);
	v1 =	vld @!p1 [tilespmem:s19+$0xD0]  }
.LBB2_4:
0xdb: {  	_ =	sdelay $0x1  }
0xdc: {  	s19 =	sadd.s32 $0x200, s19;
	s1 =	smov.u32 s21;
	s21 =	sadd.s32 $0x40, s21  }
0xdd: {  	p2 =	slt.s32 s22, $0x0;
	p0 =	sne.s32 s21, $0x500  }
0xde: {  	s11 =	sshll.u32 @!p2 s22, $0x7;
	v0 =	vmax.f32 @!p1 v0, v1  }
0xdf: {  	[tilespmem:s0+$0xA150] =	vst @!p1 v0;
	s0 =	sshra.s32 @!p2 s11, $0x2  }
0xe0: {  	v0 =	vld @!p2 [tilespmem:s0+$0xA140]  }
0xe1: {  	v1 =	vld @!p2 [tilespmem:s20+$0xE0]  }
0xe2: {  	v2 =	vld @!p2 [tilespmem:s0+$0xA150];
	_ =	sdelay $0x3  }
0xe3: {  	v0 =	vmax.f32 @!p2 v0, v1  }
0xe4: {  	[tilespmem:s0+$0xA140] =	vst @!p2 v0  }
0xe5: {  	v0 =	vld @!p2 [tilespmem:s20+$0xF0];
	s20 =	smov.u32 s19;
	_ =	sdelay $0x2  }
0xe6: {  	s1 =	sshra.s32 s1, $0x2;
	_ =	sdelay $0x1  }
0xe7: {  	v0 =	vmax.f32 @!p2 v2, v0  }
0xe8: {  	[tilespmem:s0+$0xA150] =	vst @!p2 v0  }
0xe9: {  	v0 =	vld [tilespmem:s1+$0xA000];
	_ =	sdelay $0x4  }
0xea: {  	(v2sf) =	vpush v0, $0x0  }
0xeb: {  	(v2sf) =	vpush v0, $0x2  }
0xec: {  	(v2sf) =	vpush v0, $0x3  }
0xed: {  	(v2sf) =	vpush v0, $0x4  }
0xee: {  	(v2sf) =	vpush v0, $0x5  }
0xef: {  	(v2sf) =	vpush v0, $0x6  }
0xf0: {  	(v2sf) =	vpush v0, $0x7  }
0xf1: {  	(v2sf) =	vpush v0, $0x8  }
0xf2: {  	(v2sf) =	vpush v0, $0x9  }
0xf3: {  	(v2sf) =	vpush v0, $0xA  }
0xf4: {  	(v2sf) =	vpush v0, $0xB  }
0xf5: {  	(v2sf) =	vpush v0, $0xC  }
0xf6: {  	(v2sf) =	vpush v0, $0x1  }
0xf7: {  	(v2sf) =	vpush v0, $0xD  }
0xf8: {  	(v2sf) =	vpush v0, $0xE  }
0xf9: {  	s0 =	spop (v2sf);
	(v2sf) =	vpush v0, $0xF  }
0xfa: {  	p1 =	slt.s32 s0, $0x0;
	s13 =	spop (v2sf)  }
0xfb: {  	s0 =	sshll.u32 @!p1 s0, $0x7;
	v0 =	vld @!p1 [tilespmem:s19+$0xFFFFFF00];
	s12 =	spop (v2sf)  }
0xfc: {  	s14 =	sshra.s32 @!p1 s0, $0x2;
	s11 =	spop (v2sf)  }
0xfd: {  	v1 =	vld @!p1 [tilespmem:s14+$0xA140];
	s0 =	spop (v2sf)  }
0xfe: {  	s1 =	spop (v2sf)  }
0xff: {  	s31 =	spop (v2sf)  }
0x100: {  	v2 =	vld @!p1 [tilespmem:s14+$0xA150];
	s30 =	spop (v2sf)  }
0x101: {  	s29 =	spop (v2sf)  }
0x102: {  	v0 =	vmax.f32 @!p1 v1, v0;
	s28 =	spop (v2sf)  }
0x103: {  	[tilespmem:s14+$0xA140] =	vst @!p1 v0;
	s26 =	spop (v2sf)  }
0x104: {  	v0 =	vld @!p1 [tilespmem:s19+$0xFFFFFF10];
	s25 =	spop (v2sf)  }
0x105: {  	s22 =	spop (v2sf)  }
0x106: {  	p2 =	slt.s32 s22, $0x0;
	s24 =	spop (v2sf)  }
0x107: {  	s22 =	sshll.u32 @!p2 s22, $0x7;
	s23 =	spop (v2sf)  }
0x108: {  	s3 =	sshra.s32 @!p2 s22, $0x2;
	s22 =	spop (v2sf)  }
0x109: {  	v0 =	vmax.f32 @!p1 v2, v0  }
0x10a: {  	[tilespmem:s14+$0xA150] =	vst @!p1 v0  }
0x10b: {  	v0 =	vld @!p2 [tilespmem:s3+$0xA140]  }
0x10c: {  	v1 =	vld @!p2 [tilespmem:s19+$0xFFFFFF20];
	_ =	sdelay $0x4  }
0x10d: {  	v0 =	vmax.f32 @!p2 v0, v1  }
0x10e: {  	[tilespmem:s3+$0xA140] =	vst @!p2 v0;
	v0 =	vld @!p2 [tilespmem:s3+$0xA150]  }
0x10f: {  	v1 =	vld @!p2 [tilespmem:s19+$0xFFFFFF30];
	_ =	sdelay $0x3  }
0x110: {  	p1 =	slt.s32 s13, $0x0  }
0x111: {  	s13 =	sshll.u32 @!p1 s13, $0x7;
	v0 =	vmax.f32 @!p2 v0, v1  }
0x112: {  	[tilespmem:s3+$0xA150] =	vst @!p2 v0;
	s3 =	sshra.s32 @!p1 s13, $0x2  }
0x113: {  	v0 =	vld @!p1 [tilespmem:s3+$0xA140]  }
0x114: {  	v1 =	vld @!p1 [tilespmem:s19+$0xFFFFFF40];
	_ =	sdelay $0x4  }
0x115: {  	v0 =	vmax.f32 @!p1 v0, v1  }
0x116: {  	[tilespmem:s3+$0xA140] =	vst @!p1 v0;
	v0 =	vld @!p1 [tilespmem:s3+$0xA150]  }
0x117: {  	v1 =	vld @!p1 [tilespmem:s19+$0xFFFFFF50];
	_ =	sdelay $0x3  }
0x118: {  	p2 =	slt.s32 s12, $0x0  }
0x119: {  	s12 =	sshll.u32 @!p2 s12, $0x7;
	v0 =	vmax.f32 @!p1 v0, v1  }
0x11a: {  	[tilespmem:s3+$0xA150] =	vst @!p1 v0;
	s3 =	sshra.s32 @!p2 s12, $0x2  }
0x11b: {  	v0 =	vld @!p2 [tilespmem:s3+$0xA140]  }
0x11c: {  	v1 =	vld @!p2 [tilespmem:s19+$0xFFFFFF60];
	_ =	sdelay $0x4  }
0x11d: {  	v0 =	vmax.f32 @!p2 v0, v1  }
0x11e: {  	[tilespmem:s3+$0xA140] =	vst @!p2 v0;
	v0 =	vld @!p2 [tilespmem:s3+$0xA150]  }
0x11f: {  	v1 =	vld @!p2 [tilespmem:s19+$0xFFFFFF70];
	_ =	sdelay $0x3  }
0x120: {  	p1 =	slt.s32 s11, $0x0  }
0x121: {  	s11 =	sshll.u32 @!p1 s11, $0x7;
	v0 =	vmax.f32 @!p2 v0, v1  }
0x122: {  	[tilespmem:s3+$0xA150] =	vst @!p2 v0;
	s3 =	sshra.s32 @!p1 s11, $0x2  }
0x123: {  	v0 =	vld @!p1 [tilespmem:s3+$0xA140]  }
0x124: {  	v1 =	vld @!p1 [tilespmem:s19+$0xFFFFFF80];
	_ =	sdelay $0x4  }
0x125: {  	v0 =	vmax.f32 @!p1 v0, v1  }
0x126: {  	[tilespmem:s3+$0xA140] =	vst @!p1 v0;
	v0 =	vld @!p1 [tilespmem:s3+$0xA150]  }
0x127: {  	v1 =	vld @!p1 [tilespmem:s19+$0xFFFFFF90];
	_ =	sdelay $0x3  }
0x128: {  	p2 =	slt.s32 s0, $0x0  }
0x129: {  	s0 =	sshll.u32 @!p2 s0, $0x7;
	v0 =	vmax.f32 @!p1 v0, v1  }
0x12a: {  	s0 =	sshra.s32 @!p2 s0, $0x2;
	[tilespmem:s3+$0xA150] =	vst @!p1 v0  }
0x12b: {  	v0 =	vld @!p2 [tilespmem:s0+$0xA140]  }
0x12c: {  	v1 =	vld @!p2 [tilespmem:s19+$0xFFFFFFA0];
	_ =	sdelay $0x4  }
0x12d: {  	v0 =	vmax.f32 @!p2 v0, v1  }
0x12e: {  	[tilespmem:s0+$0xA140] =	vst @!p2 v0;
	v0 =	vld @!p2 [tilespmem:s0+$0xA150]  }
0x12f: {  	v1 =	vld @!p2 [tilespmem:s19+$0xFFFFFFB0];
	_ =	sdelay $0x3  }
0x130: {  	p1 =	slt.s32 s1, $0x0  }
0x131: {  	s1 =	sshll.u32 @!p1 s1, $0x7;
	v0 =	vmax.f32 @!p2 v0, v1  }
0x132: {  	[tilespmem:s0+$0xA150] =	vst @!p2 v0;
	s0 =	sshra.s32 @!p1 s1, $0x2  }
0x133: {  	v0 =	vld @!p1 [tilespmem:s0+$0xA140]  }
0x134: {  	v1 =	vld @!p1 [tilespmem:s19+$0xFFFFFFC0];
	_ =	sdelay $0x4  }
0x135: {  	v0 =	vmax.f32 @!p1 v0, v1  }
0x136: {  	[tilespmem:s0+$0xA140] =	vst @!p1 v0;
	v0 =	vld @!p1 [tilespmem:s0+$0xA150]  }
0x137: {  	v1 =	vld @!p1 [tilespmem:s19+$0xFFFFFFD0];
	_ =	sdelay $0x3  }
0x138: {  	p2 =	slt.s32 s31, $0x0  }
0x139: {  	s1 =	sshll.u32 @!p2 s31, $0x7;
	v0 =	vmax.f32 @!p1 v0, v1  }
0x13a: {  	[tilespmem:s0+$0xA150] =	vst @!p1 v0;
	s0 =	sshra.s32 @!p2 s1, $0x2  }
0x13b: {  	v0 =	vld @!p2 [tilespmem:s0+$0xA140]  }
0x13c: {  	v1 =	vld @!p2 [tilespmem:s19+$0xFFFFFFE0];
	_ =	sdelay $0x4  }
0x13d: {  	v0 =	vmax.f32 @!p2 v0, v1  }
0x13e: {  	[tilespmem:s0+$0xA140] =	vst @!p2 v0;
	v0 =	vld @!p2 [tilespmem:s0+$0xA150]  }
0x13f: {  	v1 =	vld @!p2 [tilespmem:s19+$0xFFFFFFF0];
	_ =	sdelay $0x3  }
0x140: {  	p1 =	slt.s32 s30, $0x0  }
0x141: {  	s1 =	sshll.u32 @!p1 s30, $0x7;
	v0 =	vmax.f32 @!p2 v0, v1  }
0x142: {  	[tilespmem:s0+$0xA150] =	vst @!p2 v0;
	s0 =	sshra.s32 @!p1 s1, $0x2  }
0x143: {  	v0 =	vld @!p1 [tilespmem:s0+$0xA140]  }
0x144: {  	v1 =	vld @!p1 [tilespmem:s19+$0x0];
	_ =	sdelay $0x4  }
0x145: {  	v0 =	vmax.f32 @!p1 v0, v1  }
0x146: {  	[tilespmem:s0+$0xA140] =	vst @!p1 v0;
	v0 =	vld @!p1 [tilespmem:s0+$0xA150]  }
0x147: {  	v1 =	vld @!p1 [tilespmem:s19+$0x10];
	_ =	sdelay $0x4  }
0x148: {  	p2 =	slt.s32 s29, $0x0;
	v0 =	vmax.f32 @!p1 v0, v1  }
0x149: {  	[tilespmem:s0+$0xA150] =	vst @!p1 v0;
	s0 =	sshll.u32 @!p2 s29, $0x7  }
0x14a: {  	s0 =	sshra.s32 @!p2 s0, $0x2;
	v0 =	vld @!p2 [tilespmem:s19+$0x20]  }
0x14b: {  	v1 =	vld @!p2 [tilespmem:s0+$0xA140]  }
0x14c: {  	v2 =	vld @!p2 [tilespmem:s0+$0xA150];
	_ =	sdelay $0x3  }
0x14d: {  	v0 =	vmax.f32 @!p2 v1, v0  }
0x14e: {  	[tilespmem:s0+$0xA140] =	vst @!p2 v0  }
0x14f: {  	v0 =	vld @!p2 [tilespmem:s19+$0x30];
	_ =	sdelay $0x3  }
0x150: {  	p1 =	slt.s32 s28, $0x0  }
0x151: {  	s1 =	sshll.u32 @!p1 s28, $0x7;
	v0 =	vmax.f32 @!p2 v2, v0  }
0x152: {  	[tilespmem:s0+$0xA150] =	vst @!p2 v0;
	s0 =	sshra.s32 @!p1 s1, $0x2  }
0x153: {  	v0 =	vld @!p1 [tilespmem:s0+$0xA140]  }
0x154: {  	v1 =	vld @!p1 [tilespmem:s19+$0x40]  }
0x155: {  	v2 =	vld @!p1 [tilespmem:s0+$0xA150];
	_ =	sdelay $0x3  }
0x156: {  	v0 =	vmax.f32 @!p1 v0, v1  }
0x157: {  	[tilespmem:s0+$0xA140] =	vst @!p1 v0  }
0x158: {  	v0 =	vld @!p1 [tilespmem:s19+$0x50];
	_ =	sdelay $0x3  }
0x159: {  	p2 =	slt.s32 s26, $0x0  }
0x15a: {  	s1 =	sshll.u32 @!p2 s26, $0x7;
	v0 =	vmax.f32 @!p1 v2, v0  }
0x15b: {  	[tilespmem:s0+$0xA150] =	vst @!p1 v0;
	s0 =	sshra.s32 @!p2 s1, $0x2  }
0x15c: {  	v0 =	vld @!p2 [tilespmem:s0+$0xA140]  }
0x15d: {  	v1 =	vld @!p2 [tilespmem:s19+$0x60]  }
0x15e: {  	v2 =	vld @!p2 [tilespmem:s0+$0xA150];
	_ =	sdelay $0x3  }
0x15f: {  	v0 =	vmax.f32 @!p2 v0, v1  }
0x160: {  	[tilespmem:s0+$0xA140] =	vst @!p2 v0  }
0x161: {  	v0 =	vld @!p2 [tilespmem:s19+$0x70];
	_ =	sdelay $0x3  }
0x162: {  	p1 =	slt.s32 s25, $0x0  }
0x163: {  	s1 =	sshll.u32 @!p1 s25, $0x7;
	v0 =	vmax.f32 @!p2 v2, v0  }
0x164: {  	[tilespmem:s0+$0xA150] =	vst @!p2 v0;
	s0 =	sshra.s32 @!p1 s1, $0x2  }
0x165: {  	v0 =	vld @!p1 [tilespmem:s0+$0xA140]  }
0x166: {  	v1 =	vld @!p1 [tilespmem:s19+$0x80]  }
0x167: {  	v2 =	vld @!p1 [tilespmem:s0+$0xA150];
	_ =	sdelay $0x3  }
0x168: {  	v0 =	vmax.f32 @!p1 v0, v1  }
0x169: {  	[tilespmem:s0+$0xA140] =	vst @!p1 v0  }
0x16a: {  	v0 =	vld @!p1 [tilespmem:s19+$0x90];
	_ =	sdelay $0x3  }
0x16b: {  	p2 =	slt.s32 s24, $0x0  }
0x16c: {  	s1 =	sshll.u32 @!p2 s24, $0x7;
	v0 =	vmax.f32 @!p1 v2, v0  }
0x16d: {  	[tilespmem:s0+$0xA150] =	vst @!p1 v0;
	s0 =	sshra.s32 @!p2 s1, $0x2  }
0x16e: {  	v0 =	vld @!p2 [tilespmem:s0+$0xA140]  }
0x16f: {  	v1 =	vld @!p2 [tilespmem:s19+$0xA0]  }
0x170: {  	v2 =	vld @!p2 [tilespmem:s0+$0xA150];
	_ =	sdelay $0x3  }
0x171: {  	v0 =	vmax.f32 @!p2 v0, v1  }
0x172: {  	[tilespmem:s0+$0xA140] =	vst @!p2 v0  }
0x173: {  	v0 =	vld @!p2 [tilespmem:s19+$0xB0];
	_ =	sdelay $0x3  }
0x174: {  	p1 =	slt.s32 s23, $0x0  }
0x175: {  	s1 =	sshll.u32 @!p1 s23, $0x7;
	v0 =	vmax.f32 @!p2 v2, v0  }
0x176: {  	[tilespmem:s0+$0xA150] =	vst @!p2 v0;
	s0 =	sshra.s32 @!p1 s1, $0x2  }
0x177: {  	v1 =	vld @!p1 [tilespmem:s0+$0xA140]  }
0x178: {  	v2 =	vld @!p1 [tilespmem:s19+$0xC0]  }
0x179: {  	v0 =	vld @!p1 [tilespmem:s0+$0xA150];
	_ =	sdelay $0x1  }
.Ltmp1:
0x17a: {  	(pc) =	sbr.rel @p0 .LBB2_4-.Ltmp1, $4  }
0x17b: {  	_ = 	snop  }
0x17c: {  	v1 =	vmax.f32 @!p1 v1, v2  }
0x17d: {  	[tilespmem:s0+$0xA140] =	vst @!p1 v1  }
0x17e: {  	v1 =	vld @!p1 [tilespmem:s19+$0xD0]  }
0x17f: {  	_ =	sdelay $0x2  }
0x180: {  	p0 =	slt.s32 s22, $0x0  }
0x181: {  	s1 =	sshll.u32 @!p0 s22, $0x7;
	v0 =	vmax.f32 @!p1 v0, v1  }
0x182: {  	[tilespmem:s0+$0xA150] =	vst @!p1 v0;
	s0 =	sshra.s32 @!p0 s1, $0x2  }
0x183: {  	v0 =	vld @!p0 [tilespmem:s0+$0xA140]  }
0x184: {  	v1 =	vld @!p0 [tilespmem:s20+$0xE0];
	_ =	sdelay $0x4  }
0x185: {  	v0 =	vmax.f32 @!p0 v0, v1  }
0x186: {  	v1 =	vld @!p0 [tilespmem:s0+$0xA150];
	[tilespmem:s0+$0xA140] =	vst @!p0 v0  }
0x187: {  	v0 =	vld @!p0 [tilespmem:s20+$0xF0];
	_ =	sdelay $0x4  }
0x188: {  	s18 =	sadd.s32 $0x1, s18;
	v0 =	vmax.f32 @!p0 v1, v0  }
0x189: {  	[tilespmem:s0+$0xA150] =	vst @!p0 v0;
	p0 =	sne.s32 s18, s10  }
.Ltmp2:
0x18a: {  	_ = 	snop;
	(pc) =	sbr.rel @p0 .LBB2_1-.Ltmp2, $4  }
0x18b: {  	[hbm4b:s9+s2] =	stream.linear.scatter [tilespmem:s15], [sflag:$0x2], $0x800, $0x38;
	[tilespmem:$0xA940] =	vst v63  }
0x18c: {  	_ =	swait.ge [sflag:s17], $0x800  }
0x18d: {  	[sflag:s17] =	ssyncset.done $0x0  }
0x18e: {  	[sflag:s17] =	ssyncadd.s32 $0xFFFFF800  }
0x18f: {  	_ =	sfence.sel $0x180000  }
0x190: {  	[bflag:$0x0] =	sbarrier.arrive $0xFFFF  }
0x191: {  	_ =	strace $0x9000004D  }
0x192: {  	s0 =	stileid.u32;
	[bflag:$0x2] =	sbarrier.arrive $0xFFFF  }
0x193: {  	p0 =	sne.s32 s0, $0x0;
	s0 =	rddreg [dreg:$0x1]  }
0x194: {  	s0 =	sadd.s32 @!p0 $0x100000, s0  }
0x195: {  	[sflag:s0] =	ssyncadd.tile.s32 @!p0 $0x1;
	_ =	shalt  }
.Lfunc_end2:
_tile_overlayer_lowered:
.L_overlay_start_2:
0x196: {  	(tag) =	ssettag $0x2  }
0x197: {  	s0 =	rddreg [dreg:$0x0];
	s2 =	stileid.u32  }
0x198: {  	s1 =	rddreg [dreg:$0x1];
	p0 =	sne.s32 s2, $0x0  }
0x199: {  	s3 =	rddreg [dreg:$0x2];
	[bflag:$0x3] =	sbarrier.arrive $0xFFFF;
	s2 =	simm.s32 @!p0 $0x1C02  }
0x19a: {  	[timem:s3], [sflag:s2] =	dma.local @!p0 [hbm:s0], s1  }
0x19b: {  	s0 =	simm.s32 @!p0 $0x2  }
0x19c: {  	_ =	swait.ge @!p0 [sflag:s0], s1  }
0x19d: {  	s1 =	ssub.s32 @!p0 $0x0, s1;
	[sflag:s0] =	ssyncset.done @!p0 $0x0  }
0x19e: {  	[sflag:s0] =	ssyncadd.s32 @!p0 s1  }
0x19f: {  	[bflag:$0x3] =	sbarrier.arrive $0xFFFF  }
0x1a0: {  	_ =	shalt  }

// kernel: kernel.8.cloned.1.call-start
scs
__scs_entry_jumppad:
0x0: {  	(pc) =	sbr.rel $0x88, $3  }
0x1: {  	(tag) =	ssettag $0x0;
	lr =	simm.s32 $0x1  }
0x2: {  	[smem:$0x3F96] =	sst lr;
	_ =	strace $0xD0000000  }
0x3: {  	_ = 	snop  }
0x4: {  	_ = 	snop  }
0x5: {  	_ = 	snop  }
0x6: {  	_ = 	snop  }
0x7: {  	_ = 	snop  }
__scs_overlays_trampoline_lowered:
0x8: {  	[smem:$0x3FA5] =	sst s0  }
0x9: {  	[smem:$0x3FA6] =	sst s1  }
0xa: {  	[smem:$0x3FA7] =	sst s2  }
0xb: {  	[smem:$0x3FA8] =	sst s3  }
0xc: {  	[smem:$0x3FA9] =	sst s4  }
0xd: {  	[smem:$0x3FAA] =	sst s5  }
0xe: {  	[smem:$0x3FAB] =	sst s6  }
0xf: {  	[smem:$0x3FAC] =	sst s7  }
0x10: {  	[smem:$0x3FAD] =	sst s8  }
0x11: {  	[smem:$0x3FAE] =	sst s9;
	s0 =	simm.s32 @!p0 $0x0  }
0x12: {  	s1 =	sld [smem:$0x3F94];
	s0 =	simm.s32 @p0 $0x1  }
0x13: {  	[smem:$0x3FAF] =	sst s0;
	s0 =	simm.s32 @!p1 $0x0  }
0x14: {  	s2 =	sld [smem:$0x3F93];
	s0 =	simm.s32 @p1 $0x1  }
0x15: {  	[smem:$0x3FB0] =	sst s0;
	s0 =	simm.s32 @!p2 $0x0  }
0x16: {  	s3 =	sld [smem:$0x3FDB];
	s0 =	simm.s32 @p2 $0x1  }
0x17: {  	s4 =	simm.s32 $0x1BF5;
	[smem:$0x3FB2] =	sst s0  }
0x18: {  	s0 =	sld [smem:$0x3F95];
	_ =	swait.ge [sflag:s4], $0x0  }
0x19: {  	s7 =	sld [smem:$0x3F96]  }
0x1a: {  	s8 =	sadd.s32 $0xFFFFE003, lr  }
0x1b: {  	s9 =	sadd.s32 $0xFFFFFEF7, lr;
	s5 =	simm.s32 $0xFFFFFFFF;
	p2 =	slt.u32 s8, $0xFFFFF086  }
0x1c: {  	p1 =	slt.u32 s9, $0xF7A;
	s5 =	simm.s32 @!p2 $0x0  }
0x1d: {  	s5 =	simm.s32 @p1 $0x1;
	p0 =	seq.s32 s7, s2  }
0x1e: {  	s7 =	smul.u32 @!p0 $0xF7A, s2;
	p2 =	seq.s32 @!p0 s5, $0x0  }
0x1f: {  	s9 =	smul.u32 $0xF7A, s1;
	s8 =	simm.s32 @!p0 $0x1BF5;
	p2 =	por !p2, p0  }
0x20: {  	[sflag:s8] =	ssyncset.s32 @!p0 $0xFFFFF086;
	s6 =	sadd.s32 @!p0 s3, s7;
	s7 =	simm.s32 @!p0 $0x108  }
0x21: {  	s3 =	sadd.s32 s3, s9;
	s6 =	sadd.s32 @!p0 $0x88, s6;
	s7 =	simm.s32 @p2 $0x1082  }
0x22: {  	[simem:s7], [sflag:s8] =	dma.local @!p0 [hbm:s6], $0xF7A  }
0x23: {  	s9 =	sor.u32 $0xD0000000, s2;
	s6 =	simm.s32 $0x108;
	_ =	swait.ge @!p0 [sflag:s8], $0x0  }
0x24: {  	s3 =	sadd.s32 $0x88, s3;
	s6 =	simm.s32 @!p1 $0x1082;
	[sflag:s4] =	ssyncset.s32 $0xFFFFF086  }
0x25: {  	[simem:s6], [sflag:s4] =	dma.local [hbm:s3], $0xF7A  }
0x26: {  	[smem:$0x3F96] =	sst s1;
	(tag) =	ssettag s2;
	_ =	strace s9  }
0x27: {  	s1 =	sld [smem:$0x3FA6]  }
0x28: {  	s2 =	sld [smem:$0x3FA7]  }
0x29: {  	s4 =	sld [smem:$0x3FA9]  }
0x2a: {  	p0 =	seq.s32 s5, $0x0;
	s5 =	sld [smem:$0x3FAA]  }
0x2b: {  	s6 =	sld [smem:$0x3FAB]  }
0x2c: {  	s7 =	sld [smem:$0x3FAC]  }
0x2d: {  	s3 =	simm.s32 $0x108;
	s8 =	sld [smem:$0x3FAD]  }
0x2e: {  	s3 =	simm.s32 @!p0 $0x1082;
	s9 =	sld [smem:$0x3FAE]  }
0x2f: {  	lr =	sadd.s32 s0, s3;
	s0 =	sld [smem:$0x3FA5]  }
0x30: {  	s3 =	sld [smem:$0x3FA8]  }
0x31: {  	[smem:$0x3FB1] =	sst s10  }
0x32: {  	s10 =	sld [smem:$0x3FAF];
	_ =	sdelay $0x3  }
0x33: {  	p0 =	seq.s32 s10, $0x1;
	s10 =	sld [smem:$0x3FB1];
	_ =	sdelay $0x3  }
0x34: {  	[smem:$0x3FB1] =	sst s10  }
0x35: {  	s10 =	sld [smem:$0x3FB0];
	_ =	sdelay $0x3  }
0x36: {  	p1 =	seq.s32 s10, $0x1;
	s10 =	sld [smem:$0x3FB1];
	_ =	sdelay $0x3  }
0x37: {  	[smem:$0x3FB1] =	sst s10  }
0x38: {  	s10 =	sld [smem:$0x3FB2]  }
0x39: {  	_ = 	snop;
	(pc) =	sbr.ind lr, $3  }
0x3a: {  	_ = 	snop  }
0x3b: {  	_ = 	snop  }
0x3c: {  	p2 =	seq.s32 s10, $0x1;
	s10 =	sld [smem:$0x3FB1]  }
0x3d: {  	_ =	shalt  }
0x3e: {  	_ =	shalt  }
0x3f: {  	_ =	shalt  }
0x40: {  	_ =	shalt  }
0x41: {  	_ =	shalt  }
0x42: {  	_ =	shalt  }
0x43: {  	_ =	shalt  }
0x44: {  	_ =	shalt  }
0x45: {  	_ =	shalt  }
0x46: {  	_ =	shalt  }
0x47: {  	_ =	shalt  }
0x48: {  	_ =	shalt  }
0x49: {  	_ =	shalt  }
0x4a: {  	_ =	shalt  }
0x4b: {  	_ =	shalt  }
0x4c: {  	_ =	shalt  }
0x4d: {  	_ =	shalt  }
0x4e: {  	_ =	shalt  }
0x4f: {  	_ =	shalt  }
0x50: {  	_ =	shalt  }
0x51: {  	_ =	shalt  }
0x52: {  	_ =	shalt  }
0x53: {  	_ =	shalt  }
0x54: {  	_ =	shalt  }
0x55: {  	_ =	shalt  }
0x56: {  	_ =	shalt  }
0x57: {  	_ =	shalt  }
0x58: {  	_ =	shalt  }
0x59: {  	_ =	shalt  }
0x5a: {  	_ =	shalt  }
0x5b: {  	_ =	shalt  }
0x5c: {  	_ =	shalt  }
0x5d: {  	_ =	shalt  }
0x5e: {  	_ =	shalt  }
0x5f: {  	_ =	shalt  }
0x60: {  	_ =	shalt  }
0x61: {  	_ =	shalt  }
0x62: {  	_ =	shalt  }
0x63: {  	_ =	shalt  }
0x64: {  	_ =	shalt  }
0x65: {  	_ =	shalt  }
0x66: {  	_ =	shalt  }
0x67: {  	_ =	shalt  }
0x68: {  	_ =	shalt  }
0x69: {  	_ =	shalt  }
0x6a: {  	_ =	shalt  }
0x6b: {  	_ =	shalt  }
0x6c: {  	_ =	shalt  }
0x6d: {  	_ =	shalt  }
0x6e: {  	_ =	shalt  }
0x6f: {  	_ =	shalt  }
0x70: {  	_ =	shalt  }
0x71: {  	_ =	shalt  }
0x72: {  	_ =	shalt  }
0x73: {  	_ =	shalt  }
0x74: {  	_ =	shalt  }
0x75: {  	_ =	shalt  }
0x76: {  	_ =	shalt  }
0x77: {  	_ =	shalt  }
0x78: {  	_ =	shalt  }
0x79: {  	_ =	shalt  }
0x7a: {  	_ =	shalt  }
0x7b: {  	_ =	shalt  }
0x7c: {  	_ =	shalt  }
0x7d: {  	_ =	shalt  }
0x7e: {  	_ =	shalt  }
0x7f: {  	_ =	shalt  }
0x80: {  	_ =	shalt  }
0x81: {  	_ =	shalt  }
0x82: {  	_ =	shalt  }
0x83: {  	_ =	shalt  }
0x84: {  	_ =	shalt  }
0x85: {  	_ =	shalt  }
0x86: {  	_ =	shalt  }
0x87: {  	_ =	shalt  }
.Lfunc_end0:
.L_simem_size_0:
called_computation_lowered:
.L_overlay_start_0:
0x88: {  	s2 =	sld [smem:$0x3FD9]  }
0x89: {  	s3 =	sld [smem:$0x3FFE];
	_ =	sdelay $0x1  }
0x8a: {  	s1 =	srdreg.scid  }
0x8b: {  	s0 =	sand.u32 $0x1, s1  }
0x8c: {  	s16 =	sshll.u32 s0, $0xA;
	s2 =	sadd.s32 s3, s2  }
0x8d: {  	s2 =	sadd.s32 s2, s16  }
0x8e: {  	[smem:$0x3FBD] =	sst s2  }
0x8f: {  	_ = 	snop  }
0x90: {  	(tm) =	ssettm $0x1  }
0x91: {  	s17 =	sld [smem:$0x3FFB];
	_ =	sdelay $0x3  }
0x92: {  	_ =	strace s17  }
0x93: {  	s2 =	sld [smem:$0x3FFC];
	_ =	sdelay $0x3  }
0x94: {  	_ =	strace s2  }
0x95: {  	s2 =	sld [smem:$0x3FFD];
	_ =	sdelay $0x3  }
0x96: {  	_ =	strace s2  }
0x97: {  	_ =	strace $0x8FFFFFFF  }
0x98: {  	s18 =	sld [smem:$0x3FDB];
	_ =	sdelay $0x1  }
0x99: {  	s19 =	simm.s32 $_scs_section_size  }
0x9a: {  	s4 =	simm.s32 $_size__tile_overlayer_lowered;
	s5 =	simm.s32 $_tile_overlayer_lowered  }
0x9b: {  	s22 =	simm.s32 $0x1BFF;
	s21 =	sshll.u32 s5, $0x1;
	s2 =	sadd.s32 s19, s18  }
0x9c: {  	s6 =	simm.s32 $0x0;
	s20 =	sshll.u32 s4, $0x1;
	s4 =	sadd.s32 s21, s2  }
0x9d: {  	[timem:s6], [sflag:s22] =	dma.local [hbm:s4], s20  }
0x9e: {  	_ =	swait.ge [sflag:s22], s20  }
0x9f: {  	s3 =	ssub.s32 $0x0, s20;
	[sflag:s22] =	ssyncset.done $0x0  }
0xa0: {  	[sflag:s22] =	ssyncadd.s32 s3;
	_ =	sdelay $0x1  }
0xa1: {  	s23 =	simm.s32 $0x1B8B  }
0xa2: {  	_ =	swait.ge [sflag:s23], $0x1  }
0xa3: {  	[sflag:s23] =	ssyncset.done $0x0  }
0xa4: {  	s25 =	simm.s32 $0x1B8E;
	s24 =	sld [smem:$0x3FFE];
	[sflag:s23] =	ssyncadd.s32 $0xFFFFFFFF  }
0xa5: {  	s26 =	simm.s32 $execute0_lowered;
	[smem:$0x3FD2] =	sst s25  }
0xa6: {  	s4 =	sshll.u32 s26, $0x1;
	_ =	strace $0x80000046;
	[dreg:$0x1] =	wrdreg $0xFFFFFFFF  }
0xa7: {  	s28 =	simm.s32 $_size_execute0_lowered;
	s2 =	sadd.s32 s2, s4;
	[dreg:$0x0] =	wrdreg $0x0  }
0xa8: {  	s4 =	sshll.u32 s28, $0x1;
	[dreg:$0x2] =	wrdreg s2  }
0xa9: {  	[dreg:$0x3] =	wrdreg s4  }
0xaa: {  	[dreg:$0x4] =	wrdreg $0xC0  }
0xab: {  	_ =	task [dreg:s6], $0x5FFFF  }
0xac: {  	[dreg:$0x1] =	wrdreg $0xFFFFFFFF  }
0xad: {  	[dreg:$0x0] =	wrdreg $0x60  }
0xae: {  	[dreg:$0x2] =	wrdreg s24  }
0xaf: {  	[dreg:$0x3] =	wrdreg $0xA7D00  }
0xb0: {  	[dreg:$0x4] =	wrdreg $0x9  }
0xb1: {  	_ =	task.clear_ibuf [dreg:s6], $0x5FFFF;
	_ =	strace $0x90000046  }
0xb2: {  	s29 =	simm.s32 $0x9;
	_ =	strace $0x80000048  }
0xb3: {  	_ =	swait.ge [sflag:s29], $0x1  }
0xb4: {  	[sflag:s29] =	ssyncadd.s32 $0xFFFFFFFF  }
0xb5: {  	_ =	strace $0x90000048  }
0xb6: {  	_ =	sfence  }
0xb7: {  	s30 =	sld [smem:$0x0];
	_ =	sdelay $0x2  }
0xb8: {  	s31 =	sshll.u32 s1, $0xD;
	s1 =	sshrl.u32 s1, $0x2  }
0xb9: {  	s3 =	sand.u32 $0x4000, s31;
	s1 =	sadd.s32 s1, s30  }
0xba: {  	s0 =	sor.u32 s3, s0;
	s1 =	sshll.u32 s1, $0x11  }
0xbb: {  	s0 =	sor.u32 s1, s0  }
0xbc: {  	s0 =	sadd.s32 $0x8F2B, s0  }
0xbd: {  	[sflag:s0] =	ssyncadd.remote.s32 $0x1  }
0xbe: {  	_ =	sfence.sel $0xFFFF  }
0xbf: {  	[dreg:$0x0] =	wrdreg $0xFFFFFFFF;
	(pc) =	sbr.abs _section_cstart, $3  }
0xc0: {  	[dreg:$0x1] =	wrdreg $0xFFFFFFFF  }
0xc1: {  	_ =	task.clear_ibuf [dreg:s6], $0x2FFFF;
	_ =	strace $0x9FFFFFFF  }
0xc2: {  	(tm) =	ssettm $0x7FFFFFFF  }
0xc3: {  	_ =	shalt  }
tec
execute0_lowered:
.L_overlay_start_1:
0x0: {  	(tag) =	ssettag $0x1  }
0x1: {  	s6 =	rddreg [dreg:$0x0]  }
0x2: {  	s2 =	rddreg [dreg:$0x1];
	s1 =	srdreg.scid  }
0x3: {  	s0 =	rddreg [dreg:$0x2];
	s3 =	simm.s32 $0x0;
	s14 =	simm.s32 $0x7D  }
0x4: {  	s15 =	simm.s32 $0x1;
	s16 =	simm.s32 $0x57D0;
	s7 =	sand.u32 $0x1, s1  }
0x5: {  	s17 =	simm.s32 $0x0;
	s1 =	stileid.u32;
	s4 =	smul.u32 $0x50000, s7  }
0x6: {  	[smem:$0x7FF] =	sst s3;
	s5 =	smul.u32 $0x5000, s1;
	s8 =	sshll.u32 s7, $0x4  }
0x7: {  	_ =	strace $0x80000047;
	s7 =	ssub.s32 $0x2, s7;
	s10 =	smul.u32 $0xA000, s1  }
0x8: {  	s12 =	sshll.u32 s1, $0x6;
	s8 =	sor.u32 s1, s8;
	s11 =	sshrl.u32 s7, $0x1  }
0x9: {  	s12 =	sor.u32 $0x1C02, s12;
	s9 =	sadd.s32 s5, s4;
	s8 =	smul.u32 $0x2800, s8  }
0xa: {  	s4 =	sadd.s32 $0x16E00, s6;
	s5 =	sadd.s32 $0x17000, s6;
	s11 =	ssub.s32 s7, s11  }
0xb: {  	s31 =	sshrl.u32 s10, $0x2;
	s10 =	simm.s32 $0x2;
	s9 =	sshrl.u32 s9, $0x3  }
0xc: {  	s7 =	sadd.s32 s31, s2;
	s8 =	sshrl.u32 s8, $0x3;
	s9 =	sadd.s32 s9, s6  }
0xd: {  	s13 =	sshrl.u32 s7, $0x3;
	s6 =	sadd.s32 s6, s8;
	s8 =	sadd.s32 $0x17600, s9  }
0xe: {  	s9 =	smax.u32 s11, $0x1;
	s11 =	simm.s32 $0x2800;
	s6 =	sadd.s32 $0xCE00, s6  }
.LBB2_1:
0xf: {  	[tilespmem:s3], [sflag:$0x2] =	stream.linear.gather [hbm4b:s6+s3], $0x2800, $0x38;
	[tilespmem:$0xCFD0] =	vst v63  }
0x10: {  	_ =	swait.ge [sflag:s10], $0x2800  }
0x11: {  	[sflag:s10] =	ssyncset.done $0x0  }
0x12: {  	[sflag:s10] =	ssyncadd.s32 $0xFFFFD800  }
0x13: {  	[tilespmem:s11], [sflag:$0x2] =	stream.linear.gather [hbm4b:s4+s3], $0x7D0, $0x38;
	[tilespmem:$0xCFD0] =	vst v63  }
0x14: {  	_ =	swait.ge [sflag:s10], $0x7D0  }
0x15: {  	[sflag:s10] =	ssyncset.done $0x0  }
0x16: {  	[sflag:s10] =	ssyncadd.s32 $0xFFFFF830  }
0x17: {  	[spmem:s13], [sflag:s12] =	dma.local [hbm:s5], $0x500  }
0x18: {  	_ =	swait.ge [sflag:s10], $0x500  }
0x19: {  	[sflag:s10] =	ssyncset.done $0x0  }
0x1a: {  	[sflag:s10] =	ssyncadd.s32 $0xFFFFFB00  }
0x1b: {  	s18 =	simm.s32 $0x0;
	[bflag:$0x0] =	sbarrier.arrive $0xFFFF  }
.LBB2_2:
0x1c: {  	p0 =	sne.s32 s18, $0x9E00  }
.Ltmp0:
0x1d: {  	_ = 	snop;
	(pc) =	sbr.rel @p0 .LBB2_2-.Ltmp0, $3  }
0x1e: {  	_ =	sdelay $0x1  }
0x1f: {  	s19 =	sshra.s32 s18, $0x2;
	s18 =	sadd.s32 $0x200, s18  }
0x20: {  	[spmem:s2] =	stream.indirect.scatter.add.f32 [tilespmem:s11], [sflag:$0x1], $0x10, s19, s14, $0xb8;
	[tilespmem:$0xCFD0] =	vst v63  }
0x21: {  	_ =	swait.ge [sflag:s15], $0x7D0  }
0x22: {  	s18 =	simm.s32 $0x4F;
	[sflag:s15] =	ssyncset.done $0x0  }
.LBB2_4:
0x23: {  	p0 =	sne.s32 s18, $0x1;
	s18 =	sadd.s32 $0xFFFFFFFF, s18;
	[sflag:s15] =	ssyncadd.s32 $0xFFFFF830  }
.Ltmp1:
0x24: {  	(pc) =	sbr.rel @p0 .LBB2_4-.Ltmp1, $3  }
0x25: {  	_ =	sdelay $0x1  }
0x26: {  	_ =	swait.ge [sflag:s15], $0x7D0  }
0x27: {  	[sflag:s15] =	ssyncset.done $0x0  }
0x28: {  	[sflag:s15] =	ssyncadd.s32 $0xFFFFF830  }
0x29: {  	s18 =	simm.s32 $0x2FD0;
	[bflag:$0x0] =	sbarrier.arrive $0xFFFF  }
0x2a: {  	[tilespmem:s18], [sflag:$0x2] =	stream.linear.gather [spmem:s7], $0x2800, $0x38;
	[tilespmem:$0xCFD0] =	vst v63  }
0x2b: {  	_ =	swait.ge [sflag:s10], $0x2800  }
0x2c: {  	[sflag:s10] =	ssyncset.done $0x0  }
0x2d: {  	[sflag:s10] =	ssyncadd.s32 $0xFFFFD800  }
0x2e: {  	s19 =	simm.s32 $0x0;
	s20 =	simm.s32 $0x20;
	v0 =	vld [tilespmem:s18+$0x0]  }
.LBB2_6:
0x2f: {  	p0 =	sne.s32 s20, $0x4FE0;
	_ =	sdelay $0x1  }
.Ltmp2:
0x30: {  	(pc) =	sbr.rel @p0 .LBB2_6-.Ltmp2, $4  }
0x31: {  	s21 =	sand.u32 $0x7FE0, s19;
	s19 =	smov.u32 s20  }
0x32: {  	[tilespmem:s21+$0x57D0] =	vst v0  }
0x33: {  	s18 =	sadd.s32 $0x10, s18;
	[tilespmem:s21+$0x57E0] =	vst v0  }
0x34: {  	s20 =	sadd.s32 $0x20, s20;
	v0 =	vld [tilespmem:s18+$0x0]  }
0x35: {  	_ =	sdelay $0x2  }
0x36: {  	s18 =	sand.u32 $0x7FE0, s19;
	s17 =	sadd.s32 $0x1, s17  }
0x37: {  	p0 =	sne.s32 s17, s9;
	[tilespmem:s18+$0x57D0] =	vst v0  }
.Ltmp3:
0x38: {  	[tilespmem:s18+$0x57E0] =	vst v0;
	(pc) =	sbr.rel @p0 .LBB2_1-.Ltmp3, $4  }
0x39: {  	[hbm4b:s8+s3] =	stream.linear.scatter [tilespmem:s16], [sflag:$0x2], $0x5000, $0x38;
	[tilespmem:$0xCFD0] =	vst v63  }
0x3a: {  	_ =	swait.ge [sflag:s10], $0x5000  }
0x3b: {  	[sflag:s10] =	ssyncset.done $0x0  }
0x3c: {  	[sflag:s10] =	ssyncadd.s32 $0xFFFFB000  }
0x3d: {  	_ =	sfence.sel $0x180000  }
0x3e: {  	[bflag:$0x0] =	sbarrier.arrive $0xFFFF  }
0x3f: {  	p0 =	sne.s32 s1, $0x0;
	_ =	strace $0x90000047  }
0x40: {  	s0 =	sadd.s32 @!p0 $0x100000, s0;
	[bflag:$0x2] =	sbarrier.arrive $0xFFFF  }
0x41: {  	[sflag:s0] =	ssyncadd.tile.s32 @!p0 $0x1;
	_ =	shalt  }
.Lfunc_end2:
_tile_overlayer_lowered:
.L_overlay_start_2:
0x42: {  	(tag) =	ssettag $0x2  }
0x43: {  	s0 =	rddreg [dreg:$0x0];
	s2 =	stileid.u32  }
0x44: {  	s1 =	rddreg [dreg:$0x1];
	p0 =	sne.s32 s2, $0x0  }
0x45: {  	s3 =	rddreg [dreg:$0x2];
	[bflag:$0x3] =	sbarrier.arrive $0xFFFF;
	s2 =	simm.s32 @!p0 $0x1C02  }
0x46: {  	[timem:s3], [sflag:s2] =	dma.local @!p0 [hbm:s0], s1  }
0x47: {  	s0 =	simm.s32 @!p0 $0x2  }
0x48: {  	_ =	swait.ge @!p0 [sflag:s0], s1  }
0x49: {  	s1 =	ssub.s32 @!p0 $0x0, s1;
	[sflag:s0] =	ssyncset.done @!p0 $0x0  }
0x4a: {  	[sflag:s0] =	ssyncadd.s32 @!p0 s1  }
0x4b: {  	[bflag:$0x3] =	sbarrier.arrive $0xFFFF  }
0x4c: {  	_ =	shalt  }

</sc_bundles>
